<compile_context>
chip_gen: v7x
topology: tpu7x:2x2x1
jax: 0.10.2.dev20260603
libtpu: 0.0.44.dev20260713+nightly
codegen_flags: <defaults>
</compile_context>

<pallas_src>
import jax
import jax.numpy as jnp
from jax import lax
from jax.experimental import pallas as pl
from jax.experimental.pallas import tpu as pltpu
from jax.experimental.pallas import tpu_sc as plsc

B = 8
A = 8400
NC = 80
C = 256
HWS = [80, 40, 20]
OFFS = [0, 6400, 8000, 8400]

WPR = 3
WLEN = 2800
WCHUNK = WLEN // 16
GLEN = 112
GR = GLEN // 16
NROW = WLEN // GLEN
NSEG = 21
NSTAT = 6
ACC = NSTAT * NSEG * 16


def _sc_head_body(siou_h, tiou_h, tts_h, ids_h, cls_h, pred_h,
                  stats_o, nbox_o,
                  siou_v, tiou_v, tts_v, ids_v, cls_v,
                  idx_v, sraw_v, acc_v, nbox_v, sem):
    wid = lax.axis_index("s") * 2 + lax.axis_index("c")

    @pl.when(wid < B * WPR)
    def _():
        b = wid // WPR
        t = wid % WPR
        base = b * A + t * WLEN
        iot = lax.iota(jnp.int32, 16)

        def zero(i, carry):
            acc_v[pl.ds(i * 16, 16)] = jnp.zeros((16,), jnp.float32)
            return carry
        lax.fori_loop(0, ACC // 16, zero, 0)
        nbox_v[...] = jnp.zeros((16,), jnp.int32)

        pltpu.sync_copy(siou_h.at[pl.ds(base, WLEN)], siou_v)
        pltpu.sync_copy(tiou_h.at[pl.ds(base, WLEN)], tiou_v)
        pltpu.sync_copy(tts_h.at[pl.ds(base, WLEN)], tts_v)
        pltpu.sync_copy(ids_h.at[pl.ds(base, WLEN)], ids_v)
        pltpu.sync_copy(cls_h.at[pl.ds(base, WLEN)], cls_v)

        def mkidx(ci, carry):
            la = ci * 16
            cls = cls_v[pl.ds(la, 16)]
            idx_v[ci // GR, pl.ds((ci % GR) * 16, 16)] = (
                (base + la + iot) * NC + cls)
            return carry
        lax.fori_loop(0, WCHUNK, mkidx, 0, unroll=7)

        copies = []
        for j in range(NROW):
            copies.append(pltpu.async_copy(
                pred_h.at[idx_v.at[j]], sraw_v.at[j], sem))
        for cp in copies:
            cp.wait()

        def chunk(ci, carry2):
            la = ci * 16
            ids = ids_v[pl.ds(la, 16)]
            si = siou_v[pl.ds(la, 16)]
            ti = tiou_v[pl.ds(la, 16)]
            traw = tts_v[pl.ds(la, 16)]
            sraw = sraw_v[ci // GR, pl.ds((ci % GR) * 16, 16)]
            s_sc = 1.0 / (1.0 + jnp.exp(-sraw))
            t_sc = 1.0 / (1.0 + jnp.exp(-traw))
            es = jnp.exp(s_sc)
            et = jnp.exp(t_sc)
            esi = jnp.exp(si)
            eti = jnp.exp(ti)
            tsc = et * (t_sc - s_sc)
            tio = eti * (ti - si)
            seg = jnp.where(ids > 0, ids, NSEG - 1)
            sidx = seg * 16 + iot
            plsc.addupdate_scatter(acc_v, [sidx], es)
            plsc.addupdate_scatter(acc_v, [sidx + NSEG * 16], et)
            plsc.addupdate_scatter(acc_v, [sidx + 2 * NSEG * 16], tsc)
            plsc.addupdate_scatter(acc_v, [sidx + 3 * NSEG * 16], esi)
            plsc.addupdate_scatter(acc_v, [sidx + 4 * NSEG * 16], eti)
            plsc.addupdate_scatter(acc_v, [sidx + 5 * NSEG * 16], tio)
            nbox_v[...] = jnp.maximum(nbox_v[...], ids)
            return carry2
        lax.fori_loop(0, WCHUNK, chunk, 0, unroll=5)

        pltpu.sync_copy(acc_v, stats_o.at[t, b])
        pltpu.sync_copy(nbox_v, nbox_o.at[t, b])


def _sc_head(siou, tiou, tts, ids, cls, pred):
    mesh = plsc.VectorSubcoreMesh(core_axis_name="c", subcore_axis_name="s")
    f = pl.kernel(
        _sc_head_body,
        mesh=mesh,
        compiler_params=pltpu.CompilerParams(needs_layout_passes=False),
        out_type=(
            jax.ShapeDtypeStruct((WPR, B, ACC), jnp.float32),
            jax.ShapeDtypeStruct((WPR, B, 16), jnp.int32),
        ),
        scratch_types=[
            pltpu.VMEM((WLEN,), jnp.float32),
            pltpu.VMEM((WLEN,), jnp.float32),
            pltpu.VMEM((WLEN,), jnp.float32),
            pltpu.VMEM((WLEN,), jnp.int32),
            pltpu.VMEM((WLEN,), jnp.int32),
            pltpu.VMEM((NROW, GLEN), jnp.int32),
            pltpu.VMEM((NROW, GLEN), jnp.float32),
            pltpu.VMEM((ACC,), jnp.float32),
            pltpu.VMEM((16,), jnp.int32),
            pltpu.SemaphoreType.DMA,
        ],
    )
    return f(siou, tiou, tts, ids, cls, pred)


def _make_imi(P, Pb, Cb, off):
    CB = C // Cb
    PB = P // Pb
    SP = Pb // CB
    spoff = off // SP

    def body(yp_ref, yt_ref, sp_ref, tp_ref, out_ref, facc, pacc):
        c = pl.program_id(2)
        d = yt_ref[...] - yp_ref[...]
        d2 = (d * d).reshape(Cb, Pb)
        ones_c = jnp.ones((1, Cb), jnp.float32)
        part = lax.dot_general(ones_c, d2, (((1,), (0,)), ((), ())),
                               preferred_element_type=jnp.float32)

        @pl.when(c == 0)
        def _():
            facc[...] = part

        @pl.when(c != 0)
        def _():
            facc[...] = facc[...] + part

        ts = 1.0 / (1.0 + jnp.exp(-tp_ref[...]))
        ss = 1.0 / (1.0 + jnp.exp(-sp_ref[...]))
        sd = (ts - ss).reshape(SP, NC)
        sd2 = sd * sd
        ones_n = jnp.ones((1, NC), jnp.float32)
        psum = lax.dot_general(ones_n, sd2, (((1,), (1,)), ((), ())),
                               preferred_element_type=jnp.float32)
        pacc[pl.ds(c, 1), :] = psum

        @pl.when(c == CB - 1)
        def _():
            acc = jnp.float32(0.0)
            for q in range(CB):
                prod = pacc[q:q + 1, :] * facc[:, q * SP:(q + 1) * SP]
                acc = acc + jnp.sum(prod * prod)
            out_ref[0, 0, 0, 0] = acc * (1.0 / (NC * NC * 256.0 * 256.0))

    def call(yp, yt, sp, tp):
        return pl.pallas_call(
            body,
            grid=(B, PB, CB),
            in_specs=[
                pl.BlockSpec((1, Cb, Pb), lambda b, p, c: (b, c, p)),
                pl.BlockSpec((1, Cb, Pb), lambda b, p, c: (b, c, p)),
                pl.BlockSpec((1, SP, NC), lambda b, p, c: (b, p * CB + c + spoff, 0)),
                pl.BlockSpec((1, SP, NC), lambda b, p, c: (b, p * CB + c + spoff, 0)),
            ],
            out_specs=pl.BlockSpec((1, 1, 1, 1), lambda b, p, c: (b, p, 0, 0),
                                   memory_space=pltpu.SMEM),
            out_shape=jax.ShapeDtypeStruct((B, PB, 1, 1), jnp.float32),
            scratch_shapes=[pltpu.VMEM((1, Pb), jnp.float32),
                            pltpu.VMEM((CB, SP), jnp.float32)],
        )(yp, yt, sp, tp)

    return call


_imi0 = _make_imi(6400, 3200, 256, 0)
_imi1 = _make_imi(1600, 1600, 128, 6400)
_imi2 = _make_imi(400, 400, 256, 8000)


def _combine_body(st_ref, nb_ref, a0_ref, a1_ref, a2_ref, out_ref):
    st = st_ref[...]
    s = st[0] + st[1] + st[2]
    s = jnp.sum(s, axis=2)
    es = s[:, 0:NSEG]
    et = s[:, NSEG:2 * NSEG]
    tsc = s[:, 2 * NSEG:3 * NSEG]
    esi = s[:, 3 * NSEG:4 * NSEG]
    eti = s[:, 4 * NSEG:5 * NSEG]
    tio = s[:, 5 * NSEG:6 * NSEG]
    valid = es > 0.5
    ones = jnp.ones_like(es)
    es_s = jnp.where(valid, es, ones)
    et_s = jnp.where(valid, et, ones)
    esi_s = jnp.where(valid, esi, ones)
    eti_s = jnp.where(valid, eti, ones)
    t1 = tsc / et_s + jnp.log(es_s) - jnp.log(et_s)
    t2 = tio / eti_s + jnp.log(esi_s) - jnp.log(eti_s)
    cols = lax.broadcasted_iota(jnp.int32, (B, NSEG), 1)
    m = valid & (cols >= 1) & (cols <= NSEG - 2)
    tmp = jnp.sum(jnp.where(m, t1 + t2, 0.0), axis=1, keepdims=True)
    nb = nb_ref[...]
    nb0 = jnp.maximum(jnp.maximum(nb[0], nb[1]), nb[2])
    nbox = jnp.max(nb0, axis=1, keepdims=True).astype(jnp.float32)
    l_head = jnp.sum(tmp / (nbox + 1.0)) * (1.0 / B)
    l0 = jnp.sum(a0_ref[...]) * (1.0 / (B * 6400.0))
    l1 = jnp.sum(a1_ref[...]) * (1.0 / (B * 1600.0))
    l2 = jnp.sum(a2_ref[...]) * (1.0 / (B * 400.0))
    l_imi = (l0 + l1 + l2) * (1.0 / 3.0)
    out_ref[0, 0] = 1.5 * l_imi + 4.0 * l_head


def _combine(stats, nbox, a0, a1, a2):
    return pl.pallas_call(
        _combine_body,
        in_specs=[
            pl.BlockSpec((WPR, B, NSTAT * NSEG, 16), lambda: (0, 0, 0, 0)),
            pl.BlockSpec((WPR, B, 16), lambda: (0, 0, 0)),
            pl.BlockSpec(a0.shape, lambda: (0, 0, 0, 0)),
            pl.BlockSpec(a1.shape, lambda: (0, 0, 0, 0)),
            pl.BlockSpec(a2.shape, lambda: (0, 0, 0, 0)),
        ],
        out_specs=pl.BlockSpec((1, 1), lambda: (0, 0), memory_space=pltpu.SMEM),
        out_shape=jax.ShapeDtypeStruct((1, 1), jnp.float32),
    )(stats, nbox, a0, a1, a2)


def kernel(stu_ious, tea_ious, tea_target_scores, stu_pred_scores,
           tea_pred_scores, yp0, yp1, yp2, yt0, yt1, yt2,
           tea_gt_ids, tea_id_target_cls):
    ids = tea_gt_ids.astype(jnp.int32).reshape(-1)
    cls = tea_id_target_cls.astype(jnp.int32).reshape(-1)
    a0 = _imi0(yp0.reshape(B, C, 6400), yt0.reshape(B, C, 6400),
               stu_pred_scores, tea_pred_scores)
    a1 = _imi1(yp1.reshape(B, C, 1600), yt1.reshape(B, C, 1600),
               stu_pred_scores, tea_pred_scores)
    a2 = _imi2(yp2.reshape(B, C, 400), yt2.reshape(B, C, 400),
               stu_pred_scores, tea_pred_scores)
    stats, nbox = _sc_head(
        stu_ious.reshape(-1), tea_ious.reshape(-1),
        tea_target_scores.reshape(-1), ids, cls,
        stu_pred_scores.reshape(-1))
    stats4 = stats.reshape(WPR, B, NSTAT * NSEG, 16)

    out = _combine(stats4, nbox, a0, a1, a2)
    return out[0, 0]

# --- scband reference (transcript-rebuilt; emitter-appended) ---
"""Pipeline reference for scband-rmpg-67199058313253 (READ-ONLY COPY).

The authoritative reference and input builder live on the scoring server;
editing this copy changes nothing except your own understanding.
"""

import jax, jax.numpy as jnp
import numpy as np

B = 8
A = 8400
NC = 80
C = 256
NUM_SEG = 20
HWS = [80, 40, 20]
OFFS = [0, 6400, 8000, 8400]


def setup_inputs(seed: int = 0):
    key = jax.random.key(seed)
    ks = jax.random.split(key, 13)
    return {
        'stu_ious': jax.random.uniform(ks[0], (B, A), dtype=jnp.float32),
        'tea_ious': jax.random.uniform(ks[1], (B, A), dtype=jnp.float32),
        'tea_target_scores': jax.random.normal(ks[2], (B, A), dtype=jnp.float32),
        'stu_pred_scores': jax.random.normal(ks[3], (B, A, NC), dtype=jnp.float32),
        'tea_pred_scores': jax.random.normal(ks[4], (B, A, NC), dtype=jnp.float32),
        'yp0': jax.random.normal(ks[5], (B, C, 80, 80), dtype=jnp.float32),
        'yp1': jax.random.normal(ks[6], (B, C, 40, 40), dtype=jnp.float32),
        'yp2': jax.random.normal(ks[7], (B, C, 20, 20), dtype=jnp.float32),
        'yt0': jax.random.normal(ks[8], (B, C, 80, 80), dtype=jnp.float32),
        'yt1': jax.random.normal(ks[9], (B, C, 40, 40), dtype=jnp.float32),
        'yt2': jax.random.normal(ks[10], (B, C, 20, 20), dtype=jnp.float32),
        'tea_gt_ids': jax.random.randint(ks[11], (B, A), 0, NUM_SEG),
        'tea_id_target_cls': jax.random.randint(ks[12], (B, A), 0, NC),
    }


def _seg_softmax(x, seg):
    # softmax computed independently within each gt-box group (ragged segments)
    mx = jax.ops.segment_max(x, seg, num_segments=NUM_SEG + 1)
    ex = jnp.exp(x - mx[seg])
    sm = jax.ops.segment_sum(ex, seg, num_segments=NUM_SEG + 1)
    return ex / sm[seg]


def _row_head_loss(s_iou, t_iou, s_sc, t_sc, ids):
    mask = ids > 0  # id 0 == background, skipped in the torch loop
    seg = jnp.where(mask, ids, NUM_SEG)  # route background to dummy segment
    p_sc = _seg_softmax(s_sc, seg)
    q_sc = _seg_softmax(t_sc, seg)
    p_iou = _seg_softmax(s_iou, seg)
    q_iou = _seg_softmax(t_iou, seg)
    kl = (-q_sc * jnp.log(p_sc / q_sc)) + (-q_iou * jnp.log(p_iou / q_iou))
    tmp = jnp.sum(jnp.where(mask, kl, 0.0))
    n_box = jnp.max(ids)
    return tmp / (n_box + 1).astype(jnp.float32)


def reference(stu_ious, tea_ious, tea_target_scores, stu_pred_scores, tea_pred_scores, yp0, yp1, yp2, yt0, yt1, yt2, tea_gt_ids, tea_id_target_cls):
    # stu_target_scores gathered at teacher-assigned class ids
    stu_target_scores = jnp.take_along_axis(stu_pred_scores, tea_id_target_cls[:, :, None], axis=2)[..., 0]
    L_head = jnp.mean(jax.vmap(_row_head_loss)(
        stu_ious, tea_ious,
        jax.nn.sigmoid(stu_target_scores), jax.nn.sigmoid(tea_target_scores),
        tea_gt_ids))
    stu_sig = jax.nn.sigmoid(stu_pred_scores)
    tea_sig = jax.nn.sigmoid(tea_pred_scores)
    yps = [yp0, yp1, yp2]
    yts = [yt0, yt1, yt2]
    L_imi = 0.0
    for i, hw in enumerate(HWS):
        s_map = stu_sig[:, OFFS[i]:OFFS[i + 1], :].reshape(B, hw, hw, NC)
        t_map = tea_sig[:, OFFS[i]:OFFS[i + 1], :].reshape(B, hw, hw, NC)
        p_dif = jnp.mean((t_map - s_map) ** 2, axis=-1)
        f_dif = jnp.mean((yts[i] - yps[i]) ** 2, axis=1)
        prod = p_dif * f_dif
        tmp_norm = jnp.sum(prod ** 2, axis=(1, 2)) / (hw * hw)
        L_imi = L_imi + jnp.mean(tmp_norm)
    L_imi = L_imi / len(HWS)
    return 1.5 * L_imi + 4.0 * L_head

if __name__ == "__main__":
    import jax
    _d = setup_inputs()
    print(jax.jit(kernel)(*tuple(_d.values())))

</pallas_src>

<mosaic_0001>
#map = affine_map<(d0, d1) -> (0)>
#map1 = affine_map<(d0, d1) -> (0, 0, 0)>
module attributes {stable_mosaic.version = 14 : i64} {
  func.func @_sc_head_body(%arg0: i32, %arg1: i32, %arg2: memref<67200xf32, #tpu.memory_space<hbm>>, %arg3: memref<67200xf32, #tpu.memory_space<hbm>>, %arg4: memref<67200xf32, #tpu.memory_space<hbm>>, %arg5: memref<67200xi32, #tpu.memory_space<hbm>>, %arg6: memref<67200xi32, #tpu.memory_space<hbm>>, %arg7: memref<5376000xf32, #tpu.memory_space<hbm>>, %arg8: memref<3x8x2016xf32, #tpu.memory_space<hbm>>, %arg9: memref<3x8x16xi32, #tpu.memory_space<hbm>>, %arg10: memref<2800xf32, #tpu.memory_space<vmem>>, %arg11: memref<2800xf32, #tpu.memory_space<vmem>>, %arg12: memref<2800xf32, #tpu.memory_space<vmem>>, %arg13: memref<2800xi32, #tpu.memory_space<vmem>>, %arg14: memref<2800xi32, #tpu.memory_space<vmem>>, %arg15: memref<25x112xi32, #tpu.memory_space<vmem>>, %arg16: memref<25x112xf32, #tpu.memory_space<vmem>>, %arg17: memref<2016xf32, #tpu.memory_space<vmem>>, %arg18: memref<16xi32, #tpu.memory_space<vmem>>, %arg19: memref<!tpu.dma_semaphore, #tpu.memory_space<semaphore_mem>>) attributes {dimension_semantics = [#tpu.dimension_semantics<core_parallel>, #tpu.dimension_semantics<subcore_parallel>], iteration_bounds = array<i64: 2, 16>, scalar_prefetch = 0 : i64, scratch_operands = 10 : i64, tpu.core_type = #tpu.core_type<sc_vector_subcore>, window_params = [{transform_indices = #map}, {transform_indices = #map}, {transform_indices = #map}, {transform_indices = #map}, {transform_indices = #map}, {transform_indices = #map}, {transform_indices = #map1}, {transform_indices = #map1}]} {
    %mul3A = arith.constant 2 : i32
    %mul3A_0 = arith.muli %arg1, %mul3A : i32
    %add3A = arith.addi %mul3A_0, %arg0 : i32
    %lt3A = arith.constant 24 : i32
    %lt3A_1 = arith.cmpi slt, %add3A, %lt3A : i32
    %convert_element_type3A = arith.extui %lt3A_1 : i1 to i32
    %cond3A = arith.constant 0 : i32
    %cond3A_2 = arith.cmpi ne, %convert_element_type3A, %cond3A : i32
    scf.if %cond3A_2 {
      %jit3A = arith.constant 3 : i32
      %div3A = arith.divsi %add3A, %jit3A : i32
      %sign3A = arith.constant 0 : i32
      %sign3A_3 = arith.cmpi sgt, %add3A, %sign3A : i32
      %sign3A_4 = arith.extui %sign3A_3 : i1 to i32
      %sign3A_5 = arith.constant 0 : i32
      %sign3A_6 = arith.cmpi slt, %add3A, %sign3A_5 : i32
      %sign3A_7 = arith.extui %sign3A_6 : i1 to i32
      %sign3A_8 = arith.subi %sign3A_4, %sign3A_7 : i32
      %sign3A_9 = arith.constant 0 : i32
      %sign3A_10 = arith.cmpi sgt, %jit3A, %sign3A_9 : i32
      %sign3A_11 = arith.extui %sign3A_10 : i1 to i32
      %sign3A_12 = arith.constant 0 : i32
      %sign3A_13 = arith.cmpi slt, %jit3A, %sign3A_12 : i32
      %sign3A_14 = arith.extui %sign3A_13 : i1 to i32
      %sign3A_15 = arith.subi %sign3A_11, %sign3A_14 : i32
      %ne3A = arith.cmpi ne, %sign3A_8, %sign3A_15 : i32
      %rem3A = arith.remsi %add3A, %jit3A : i32
      %ne3A_16 = arith.constant 0 : i32
      %ne3A_17 = arith.cmpi ne, %rem3A, %ne3A_16 : i32
      %and3A = arith.andi %ne3A, %ne3A_17 : i1
      %sub3A = arith.constant 1 : i32
      %sub3A_18 = arith.subi %div3A, %sub3A : i32
      %select_n3A = arith.select %and3A, %sub3A_18, %div3A : i32
      %jit3A_19 = arith.constant 3 : i32
      %eq3A = arith.constant 0 : i32
      %eq3A_20 = arith.cmpi eq, %jit3A_19, %eq3A : i32
      %jit3A_21 = arith.constant 1 : i32
      %select_n3A_22 = arith.select %eq3A_20, %jit3A_21, %jit3A_19 : i32
      %rem3A_23 = arith.remsi %add3A, %select_n3A_22 : i32
      %ne3A_24 = arith.constant 0 : i32
      %ne3A_25 = arith.cmpi ne, %rem3A_23, %ne3A_24 : i32
      %lt3A_26 = arith.constant 0 : i32
      %lt3A_27 = arith.cmpi slt, %rem3A_23, %lt3A_26 : i32
      %lt3A_28 = arith.constant 0 : i32
      %lt3A_29 = arith.cmpi slt, %select_n3A_22, %lt3A_28 : i32
      %ne3A_30 = arith.xori %lt3A_27, %lt3A_29 : i1
      %and3A_31 = arith.andi %ne3A_30, %ne3A_25 : i1
      %add3A_32 = arith.addi %rem3A_23, %select_n3A_22 : i32
      %select_n3A_33 = arith.select %and3A_31, %add3A_32, %rem3A_23 : i32
      %mul3A_34 = arith.constant 8400 : i32
      %mul3A_35 = arith.muli %select_n3A, %mul3A_34 : i32
      %mul3A_36 = arith.constant 2800 : i32
      %mul3A_37 = arith.muli %select_n3A_33, %mul3A_36 : i32
      %add3A_38 = arith.addi %mul3A_35, %mul3A_37 : i32
      %iota3A = tpu.iota {dimensions = array<i32: 0>} : vector<16xi32>
      %scan3A = arith.constant 0 : i32
      %scan3A_39 = arith.constant 0 : i32
      %scan3A_40 = arith.constant 126 : i32
      %scan3A_41 = arith.addi %scan3A_39, %scan3A_40 : i32
      %scan3A_42 = arith.constant 1 : i32
      scf.for %scan3A_556 = %scan3A_39 to %scan3A_41 step %scan3A_42  : i32 {
        %broadcast_in_dim3A_557 = arith.constant 0.000000e+00 : f32
        %broadcast_in_dim3A_558 = vector.broadcast %broadcast_in_dim3A_557 : f32 to vector<16xf32>
        %mul3A_559 = arith.constant 16 : i32
        %mul3A_560 = arith.muli %scan3A_556, %mul3A_559 : i32
        %swap3A_561 = arith.index_cast %mul3A_560 : i32 to index
        %swap3A_562 = tpu.vector_load %arg17[%swap3A_561] {strides = array<i32>} : memref<2016xf32, #tpu.memory_space<vmem>>, vector<16xf32>,
        tpu.vector_store %arg17[%swap3A_561], %broadcast_in_dim3A_558 {strides = array<i32>} : memref<2016xf32, #tpu.memory_space<vmem>>, vector<16xf32>,
      }
      %scan3A_43 = arith.constant 126 : i32
      %broadcast_in_dim3A = arith.constant 0 : i32
      %broadcast_in_dim3A_44 = vector.broadcast %broadcast_in_dim3A : i32 to vector<16xi32>
      %swap3A = arith.constant 0 : index
      %swap3A_45 = tpu.vector_load %arg18[%swap3A] {strides = array<i32>} : memref<16xi32, #tpu.memory_space<vmem>>, vector<16xi32>,
      tpu.vector_store %arg18[%swap3A], %broadcast_in_dim3A_44 {strides = array<i32>} : memref<16xi32, #tpu.memory_space<vmem>>, vector<16xi32>,
      "tpu.region"() ({
        %run_scoped3A = tpu.sem_alloc : memref<!tpu.dma_semaphore, #tpu.memory_space<semaphore_mem>>
        %dma_start3A_556 = tpu.memref_slice %arg2[%add3A_38] : memref<67200xf32, #tpu.memory_space<hbm>> -> memref<2800xf32, #tpu.memory_space<hbm>>
        %dma_start3A_557 = tpu.memref_slice %arg2[%add3A_38] : memref<67200xf32, #tpu.memory_space<hbm>> -> memref<2800xf32, #tpu.memory_space<hbm>>
        tpu.enqueue_dma source(%dma_start3A_557 : memref<2800xf32, #tpu.memory_space<hbm>>) target(%arg10 : memref<2800xf32, #tpu.memory_space<vmem>>) target_semaphore(%run_scoped3A : memref<!tpu.dma_semaphore, #tpu.memory_space<semaphore_mem>>)
        %dma_wait3A_558 = tpu.memref_slice %arg2[%add3A_38] : memref<67200xf32, #tpu.memory_space<hbm>> -> memref<2800xf32, #tpu.memory_space<hbm>>
        %dma_wait3A_559 = tpu.memref_slice %arg2[%add3A_38] : memref<67200xf32, #tpu.memory_space<hbm>> -> memref<2800xf32, #tpu.memory_space<hbm>>
        tpu.wait_dma2 semaphore(%run_scoped3A : memref<!tpu.dma_semaphore, #tpu.memory_space<semaphore_mem>>) src(%dma_wait3A_559 : memref<2800xf32, #tpu.memory_space<hbm>>) dst(%arg10 : memref<2800xf32, #tpu.memory_space<vmem>>)
        tpu.yield
      }) : () -> ()
      "tpu.region"() ({
        %run_scoped3A = tpu.sem_alloc : memref<!tpu.dma_semaphore, #tpu.memory_space<semaphore_mem>>
        %dma_start3A_556 = tpu.memref_slice %arg3[%add3A_38] : memref<67200xf32, #tpu.memory_space<hbm>> -> memref<2800xf32, #tpu.memory_space<hbm>>
        %dma_start3A_557 = tpu.memref_slice %arg3[%add3A_38] : memref<67200xf32, #tpu.memory_space<hbm>> -> memref<2800xf32, #tpu.memory_space<hbm>>
        tpu.enqueue_dma source(%dma_start3A_557 : memref<2800xf32, #tpu.memory_space<hbm>>) target(%arg11 : memref<2800xf32, #tpu.memory_space<vmem>>) target_semaphore(%run_scoped3A : memref<!tpu.dma_semaphore, #tpu.memory_space<semaphore_mem>>)
        %dma_wait3A_558 = tpu.memref_slice %arg3[%add3A_38] : memref<67200xf32, #tpu.memory_space<hbm>> -> memref<2800xf32, #tpu.memory_space<hbm>>
        %dma_wait3A_559 = tpu.memref_slice %arg3[%add3A_38] : memref<67200xf32, #tpu.memory_space<hbm>> -> memref<2800xf32, #tpu.memory_space<hbm>>
        tpu.wait_dma2 semaphore(%run_scoped3A : memref<!tpu.dma_semaphore, #tpu.memory_space<semaphore_mem>>) src(%dma_wait3A_559 : memref<2800xf32, #tpu.memory_space<hbm>>) dst(%arg11 : memref<2800xf32, #tpu.memory_space<vmem>>)
        tpu.yield
      }) : () -> ()
      "tpu.region"() ({
        %run_scoped3A = tpu.sem_alloc : memref<!tpu.dma_semaphore, #tpu.memory_space<semaphore_mem>>
        %dma_start3A_556 = tpu.memref_slice %arg4[%add3A_38] : memref<67200xf32, #tpu.memory_space<hbm>> -> memref<2800xf32, #tpu.memory_space<hbm>>
        %dma_start3A_557 = tpu.memref_slice %arg4[%add3A_38] : memref<67200xf32, #tpu.memory_space<hbm>> -> memref<2800xf32, #tpu.memory_space<hbm>>
        tpu.enqueue_dma source(%dma_start3A_557 : memref<2800xf32, #tpu.memory_space<hbm>>) target(%arg12 : memref<2800xf32, #tpu.memory_space<vmem>>) target_semaphore(%run_scoped3A : memref<!tpu.dma_semaphore, #tpu.memory_space<semaphore_mem>>)
        %dma_wait3A_558 = tpu.memref_slice %arg4[%add3A_38] : memref<67200xf32, #tpu.memory_space<hbm>> -> memref<2800xf32, #tpu.memory_space<hbm>>
        %dma_wait3A_559 = tpu.memref_slice %arg4[%add3A_38] : memref<67200xf32, #tpu.memory_space<hbm>> -> memref<2800xf32, #tpu.memory_space<hbm>>
        tpu.wait_dma2 semaphore(%run_scoped3A : memref<!tpu.dma_semaphore, #tpu.memory_space<semaphore_mem>>) src(%dma_wait3A_559 : memref<2800xf32, #tpu.memory_space<hbm>>) dst(%arg12 : memref<2800xf32, #tpu.memory_space<vmem>>)
        tpu.yield
      }) : () -> ()
      "tpu.region"() ({
        %run_scoped3A = tpu.sem_alloc : memref<!tpu.dma_semaphore, #tpu.memory_space<semaphore_mem>>
        %dma_start3A_556 = tpu.memref_slice %arg5[%add3A_38] : memref<67200xi32, #tpu.memory_space<hbm>> -> memref<2800xi32, #tpu.memory_space<hbm>>
        %dma_start3A_557 = tpu.memref_slice %arg5[%add3A_38] : memref<67200xi32, #tpu.memory_space<hbm>> -> memref<2800xi32, #tpu.memory_space<hbm>>
        tpu.enqueue_dma source(%dma_start3A_557 : memref<2800xi32, #tpu.memory_space<hbm>>) target(%arg13 : memref<2800xi32, #tpu.memory_space<vmem>>) target_semaphore(%run_scoped3A : memref<!tpu.dma_semaphore, #tpu.memory_space<semaphore_mem>>)
        %dma_wait3A_558 = tpu.memref_slice %arg5[%add3A_38] : memref<67200xi32, #tpu.memory_space<hbm>> -> memref<2800xi32, #tpu.memory_space<hbm>>
        %dma_wait3A_559 = tpu.memref_slice %arg5[%add3A_38] : memref<67200xi32, #tpu.memory_space<hbm>> -> memref<2800xi32, #tpu.memory_space<hbm>>
        tpu.wait_dma2 semaphore(%run_scoped3A : memref<!tpu.dma_semaphore, #tpu.memory_space<semaphore_mem>>) src(%dma_wait3A_559 : memref<2800xi32, #tpu.memory_space<hbm>>) dst(%arg13 : memref<2800xi32, #tpu.memory_space<vmem>>)
        tpu.yield
      }) : () -> ()
      "tpu.region"() ({
        %run_scoped3A = tpu.sem_alloc : memref<!tpu.dma_semaphore, #tpu.memory_space<semaphore_mem>>
        %dma_start3A_556 = tpu.memref_slice %arg6[%add3A_38] : memref<67200xi32, #tpu.memory_space<hbm>> -> memref<2800xi32, #tpu.memory_space<hbm>>
        %dma_start3A_557 = tpu.memref_slice %arg6[%add3A_38] : memref<67200xi32, #tpu.memory_space<hbm>> -> memref<2800xi32, #tpu.memory_space<hbm>>
        tpu.enqueue_dma source(%dma_start3A_557 : memref<2800xi32, #tpu.memory_space<hbm>>) target(%arg14 : memref<2800xi32, #tpu.memory_space<vmem>>) target_semaphore(%run_scoped3A : memref<!tpu.dma_semaphore, #tpu.memory_space<semaphore_mem>>)
        %dma_wait3A_558 = tpu.memref_slice %arg6[%add3A_38] : memref<67200xi32, #tpu.memory_space<hbm>> -> memref<2800xi32, #tpu.memory_space<hbm>>
        %dma_wait3A_559 = tpu.memref_slice %arg6[%add3A_38] : memref<67200xi32, #tpu.memory_space<hbm>> -> memref<2800xi32, #tpu.memory_space<hbm>>
        tpu.wait_dma2 semaphore(%run_scoped3A : memref<!tpu.dma_semaphore, #tpu.memory_space<semaphore_mem>>) src(%dma_wait3A_559 : memref<2800xi32, #tpu.memory_space<hbm>>) dst(%arg14 : memref<2800xi32, #tpu.memory_space<vmem>>)
        tpu.yield
      }) : () -> ()
      %scan3A_46 = arith.constant 0 : i32
      %scan3A_47 = arith.constant 0 : i32
      %scan3A_48 = arith.constant 175 : i32
      %scan3A_49 = arith.addi %scan3A_47, %scan3A_48 : i32
      %scan3A_50 = arith.constant 7 : i32
      scf.for %scan3A_556 = %scan3A_47 to %scan3A_49 step %scan3A_50  : i32 {
        %mul3A_557 = arith.constant 16 : i32
        %mul3A_558 = arith.muli %scan3A_556, %mul3A_557 : i32
        %get3A = arith.index_cast %mul3A_558 : i32 to index
        %get3A_559 = tpu.vector_load %arg14[%get3A] {strides = array<i32>} : memref<2800xi32, #tpu.memory_space<vmem>>, vector<16xi32>,
        %add3A_560 = arith.addi %add3A_38, %mul3A_558 : i32
        %add3A_561 = vector.broadcast %add3A_560 : i32 to vector<16xi32>
        %add3A_562 = arith.addi %add3A_561, %iota3A : vector<16xi32>
        %mul3A_563 = arith.constant 80 : i32
        %mul3A_564 = vector.broadcast %mul3A_563 : i32 to vector<16xi32>
        %mul3A_565 = arith.muli %add3A_562, %mul3A_564 : vector<16xi32>
        %add3A_566 = arith.addi %mul3A_565, %get3A_559 : vector<16xi32>
        %jit3A_567 = arith.constant 7 : i32
        %div3A_568 = arith.divsi %scan3A_556, %jit3A_567 : i32
        %sign3A_569 = arith.constant 0 : i32
        %sign3A_570 = arith.cmpi sgt, %scan3A_556, %sign3A_569 : i32
        %sign3A_571 = arith.extui %sign3A_570 : i1 to i32
        %sign3A_572 = arith.constant 0 : i32
        %sign3A_573 = arith.cmpi slt, %scan3A_556, %sign3A_572 : i32
        %sign3A_574 = arith.extui %sign3A_573 : i1 to i32
        %sign3A_575 = arith.subi %sign3A_571, %sign3A_574 : i32
        %sign3A_576 = arith.constant 0 : i32
        %sign3A_577 = arith.cmpi sgt, %jit3A_567, %sign3A_576 : i32
        %sign3A_578 = arith.extui %sign3A_577 : i1 to i32
        %sign3A_579 = arith.constant 0 : i32
        %sign3A_580 = arith.cmpi slt, %jit3A_567, %sign3A_579 : i32
        %sign3A_581 = arith.extui %sign3A_580 : i1 to i32
        %sign3A_582 = arith.subi %sign3A_578, %sign3A_581 : i32
        %ne3A_583 = arith.cmpi ne, %sign3A_575, %sign3A_582 : i32
        %rem3A_584 = arith.remsi %scan3A_556, %jit3A_567 : i32
        %ne3A_585 = arith.constant 0 : i32
        %ne3A_586 = arith.cmpi ne, %rem3A_584, %ne3A_585 : i32
        %and3A_587 = arith.andi %ne3A_583, %ne3A_586 : i1
        %sub3A_588 = arith.constant 1 : i32
        %sub3A_589 = arith.subi %div3A_568, %sub3A_588 : i32
        %select_n3A_590 = arith.select %and3A_587, %sub3A_589, %div3A_568 : i32
        %jit3A_591 = arith.constant 7 : i32
        %eq3A_592 = arith.constant 0 : i32
        %eq3A_593 = arith.cmpi eq, %jit3A_591, %eq3A_592 : i32
        %jit3A_594 = arith.constant 1 : i32
        %select_n3A_595 = arith.select %eq3A_593, %jit3A_594, %jit3A_591 : i32
        %rem3A_596 = arith.remsi %scan3A_556, %select_n3A_595 : i32
        %ne3A_597 = arith.constant 0 : i32
        %ne3A_598 = arith.cmpi ne, %rem3A_596, %ne3A_597 : i32
        %lt3A_599 = arith.constant 0 : i32
        %lt3A_600 = arith.cmpi slt, %rem3A_596, %lt3A_599 : i32
        %lt3A_601 = arith.constant 0 : i32
        %lt3A_602 = arith.cmpi slt, %select_n3A_595, %lt3A_601 : i32
        %ne3A_603 = arith.xori %lt3A_600, %lt3A_602 : i1
        %and3A_604 = arith.andi %ne3A_603, %ne3A_598 : i1
        %add3A_605 = arith.addi %rem3A_596, %select_n3A_595 : i32
        %select_n3A_606 = arith.select %and3A_604, %add3A_605, %rem3A_596 : i32
        %mul3A_607 = arith.constant 16 : i32
        %mul3A_608 = arith.muli %select_n3A_606, %mul3A_607 : i32
        %swap3A_609 = arith.index_cast %select_n3A_590 : i32 to index
        %swap3A_610 = arith.index_cast %mul3A_608 : i32 to index
        %swap3A_611 = tpu.vector_load %arg15[%swap3A_609, %swap3A_610] {strides = array<i32>} : memref<25x112xi32, #tpu.memory_space<vmem>>, vector<16xi32>,
        tpu.vector_store %arg15[%swap3A_609, %swap3A_610], %add3A_566 {strides = array<i32>} : memref<25x112xi32, #tpu.memory_space<vmem>>, vector<16xi32>,
        %scan3A_612 = arith.constant 1 : i32
        %scan3A_613 = arith.addi %scan3A_556, %scan3A_612 : i32
        %mul3A_614 = arith.constant 16 : i32
        %mul3A_615 = arith.muli %scan3A_613, %mul3A_614 : i32
        %get3A_616 = arith.index_cast %mul3A_615 : i32 to index
        %get3A_617 = tpu.vector_load %arg14[%get3A_616] {strides = array<i32>} : memref<2800xi32, #tpu.memory_space<vmem>>, vector<16xi32>,
        %add3A_618 = arith.addi %add3A_38, %mul3A_615 : i32
        %add3A_619 = vector.broadcast %add3A_618 : i32 to vector<16xi32>
        %add3A_620 = arith.addi %add3A_619, %iota3A : vector<16xi32>
        %mul3A_621 = arith.constant 80 : i32
        %mul3A_622 = vector.broadcast %mul3A_621 : i32 to vector<16xi32>
        %mul3A_623 = arith.muli %add3A_620, %mul3A_622 : vector<16xi32>
        %add3A_624 = arith.addi %mul3A_623, %get3A_617 : vector<16xi32>
        %jit3A_625 = arith.constant 7 : i32
        %div3A_626 = arith.divsi %scan3A_613, %jit3A_625 : i32
        %sign3A_627 = arith.constant 0 : i32
        %sign3A_628 = arith.cmpi sgt, %scan3A_613, %sign3A_627 : i32
        %sign3A_629 = arith.extui %sign3A_628 : i1 to i32
        %sign3A_630 = arith.constant 0 : i32
        %sign3A_631 = arith.cmpi slt, %scan3A_613, %sign3A_630 : i32
        %sign3A_632 = arith.extui %sign3A_631 : i1 to i32
        %sign3A_633 = arith.subi %sign3A_629, %sign3A_632 : i32
        %sign3A_634 = arith.constant 0 : i32
        %sign3A_635 = arith.cmpi sgt, %jit3A_625, %sign3A_634 : i32
        %sign3A_636 = arith.extui %sign3A_635 : i1 to i32
        %sign3A_637 = arith.constant 0 : i32
        %sign3A_638 = arith.cmpi slt, %jit3A_625, %sign3A_637 : i32
        %sign3A_639 = arith.extui %sign3A_638 : i1 to i32
        %sign3A_640 = arith.subi %sign3A_636, %sign3A_639 : i32
        %ne3A_641 = arith.cmpi ne, %sign3A_633, %sign3A_640 : i32
        %rem3A_642 = arith.remsi %scan3A_613, %jit3A_625 : i32
        %ne3A_643 = arith.constant 0 : i32
        %ne3A_644 = arith.cmpi ne, %rem3A_642, %ne3A_643 : i32
        %and3A_645 = arith.andi %ne3A_641, %ne3A_644 : i1
        %sub3A_646 = arith.constant 1 : i32
        %sub3A_647 = arith.subi %div3A_626, %sub3A_646 : i32
        %select_n3A_648 = arith.select %and3A_645, %sub3A_647, %div3A_626 : i32
        %jit3A_649 = arith.constant 7 : i32
        %eq3A_650 = arith.constant 0 : i32
        %eq3A_651 = arith.cmpi eq, %jit3A_649, %eq3A_650 : i32
        %jit3A_652 = arith.constant 1 : i32
        %select_n3A_653 = arith.select %eq3A_651, %jit3A_652, %jit3A_649 : i32
        %rem3A_654 = arith.remsi %scan3A_613, %select_n3A_653 : i32
        %ne3A_655 = arith.constant 0 : i32
        %ne3A_656 = arith.cmpi ne, %rem3A_654, %ne3A_655 : i32
        %lt3A_657 = arith.constant 0 : i32
        %lt3A_658 = arith.cmpi slt, %rem3A_654, %lt3A_657 : i32
        %lt3A_659 = arith.constant 0 : i32
        %lt3A_660 = arith.cmpi slt, %select_n3A_653, %lt3A_659 : i32
        %ne3A_661 = arith.xori %lt3A_658, %lt3A_660 : i1
        %and3A_662 = arith.andi %ne3A_661, %ne3A_656 : i1
        %add3A_663 = arith.addi %rem3A_654, %select_n3A_653 : i32
        %select_n3A_664 = arith.select %and3A_662, %add3A_663, %rem3A_654 : i32
        %mul3A_665 = arith.constant 16 : i32
        %mul3A_666 = arith.muli %select_n3A_664, %mul3A_665 : i32
        %swap3A_667 = arith.index_cast %select_n3A_648 : i32 to index
        %swap3A_668 = arith.index_cast %mul3A_666 : i32 to index
        %swap3A_669 = tpu.vector_load %arg15[%swap3A_667, %swap3A_668] {strides = array<i32>} : memref<25x112xi32, #tpu.memory_space<vmem>>, vector<16xi32>,
        tpu.vector_store %arg15[%swap3A_667, %swap3A_668], %add3A_624 {strides = array<i32>} : memref<25x112xi32, #tpu.memory_space<vmem>>, vector<16xi32>,
        %scan3A_670 = arith.constant 2 : i32
        %scan3A_671 = arith.addi %scan3A_556, %scan3A_670 : i32
        %mul3A_672 = arith.constant 16 : i32
        %mul3A_673 = arith.muli %scan3A_671, %mul3A_672 : i32
        %get3A_674 = arith.index_cast %mul3A_673 : i32 to index
        %get3A_675 = tpu.vector_load %arg14[%get3A_674] {strides = array<i32>} : memref<2800xi32, #tpu.memory_space<vmem>>, vector<16xi32>,
        %add3A_676 = arith.addi %add3A_38, %mul3A_673 : i32
        %add3A_677 = vector.broadcast %add3A_676 : i32 to vector<16xi32>
        %add3A_678 = arith.addi %add3A_677, %iota3A : vector<16xi32>
        %mul3A_679 = arith.constant 80 : i32
        %mul3A_680 = vector.broadcast %mul3A_679 : i32 to vector<16xi32>
        %mul3A_681 = arith.muli %add3A_678, %mul3A_680 : vector<16xi32>
        %add3A_682 = arith.addi %mul3A_681, %get3A_675 : vector<16xi32>
        %jit3A_683 = arith.constant 7 : i32
        %div3A_684 = arith.divsi %scan3A_671, %jit3A_683 : i32
        %sign3A_685 = arith.constant 0 : i32
        %sign3A_686 = arith.cmpi sgt, %scan3A_671, %sign3A_685 : i32
        %sign3A_687 = arith.extui %sign3A_686 : i1 to i32
        %sign3A_688 = arith.constant 0 : i32
        %sign3A_689 = arith.cmpi slt, %scan3A_671, %sign3A_688 : i32
        %sign3A_690 = arith.extui %sign3A_689 : i1 to i32
        %sign3A_691 = arith.subi %sign3A_687, %sign3A_690 : i32
        %sign3A_692 = arith.constant 0 : i32
        %sign3A_693 = arith.cmpi sgt, %jit3A_683, %sign3A_692 : i32
        %sign3A_694 = arith.extui %sign3A_693 : i1 to i32
        %sign3A_695 = arith.constant 0 : i32
        %sign3A_696 = arith.cmpi slt, %jit3A_683, %sign3A_695 : i32
        %sign3A_697 = arith.extui %sign3A_696 : i1 to i32
        %sign3A_698 = arith.subi %sign3A_694, %sign3A_697 : i32
        %ne3A_699 = arith.cmpi ne, %sign3A_691, %sign3A_698 : i32
        %rem3A_700 = arith.remsi %scan3A_671, %jit3A_683 : i32
        %ne3A_701 = arith.constant 0 : i32
        %ne3A_702 = arith.cmpi ne, %rem3A_700, %ne3A_701 : i32
        %and3A_703 = arith.andi %ne3A_699, %ne3A_702 : i1
        %sub3A_704 = arith.constant 1 : i32
        %sub3A_705 = arith.subi %div3A_684, %sub3A_704 : i32
        %select_n3A_706 = arith.select %and3A_703, %sub3A_705, %div3A_684 : i32
        %jit3A_707 = arith.constant 7 : i32
        %eq3A_708 = arith.constant 0 : i32
        %eq3A_709 = arith.cmpi eq, %jit3A_707, %eq3A_708 : i32
        %jit3A_710 = arith.constant 1 : i32
        %select_n3A_711 = arith.select %eq3A_709, %jit3A_710, %jit3A_707 : i32
        %rem3A_712 = arith.remsi %scan3A_671, %select_n3A_711 : i32
        %ne3A_713 = arith.constant 0 : i32
        %ne3A_714 = arith.cmpi ne, %rem3A_712, %ne3A_713 : i32
        %lt3A_715 = arith.constant 0 : i32
        %lt3A_716 = arith.cmpi slt, %rem3A_712, %lt3A_715 : i32
        %lt3A_717 = arith.constant 0 : i32
        %lt3A_718 = arith.cmpi slt, %select_n3A_711, %lt3A_717 : i32
        %ne3A_719 = arith.xori %lt3A_716, %lt3A_718 : i1
        %and3A_720 = arith.andi %ne3A_719, %ne3A_714 : i1
        %add3A_721 = arith.addi %rem3A_712, %select_n3A_711 : i32
        %select_n3A_722 = arith.select %and3A_720, %add3A_721, %rem3A_712 : i32
        %mul3A_723 = arith.constant 16 : i32
        %mul3A_724 = arith.muli %select_n3A_722, %mul3A_723 : i32
        %swap3A_725 = arith.index_cast %select_n3A_706 : i32 to index
        %swap3A_726 = arith.index_cast %mul3A_724 : i32 to index
        %swap3A_727 = tpu.vector_load %arg15[%swap3A_725, %swap3A_726] {strides = array<i32>} : memref<25x112xi32, #tpu.memory_space<vmem>>, vector<16xi32>,
        tpu.vector_store %arg15[%swap3A_725, %swap3A_726], %add3A_682 {strides = array<i32>} : memref<25x112xi32, #tpu.memory_space<vmem>>, vector<16xi32>,
        %scan3A_728 = arith.constant 3 : i32
        %scan3A_729 = arith.addi %scan3A_556, %scan3A_728 : i32
        %mul3A_730 = arith.constant 16 : i32
        %mul3A_731 = arith.muli %scan3A_729, %mul3A_730 : i32
        %get3A_732 = arith.index_cast %mul3A_731 : i32 to index
        %get3A_733 = tpu.vector_load %arg14[%get3A_732] {strides = array<i32>} : memref<2800xi32, #tpu.memory_space<vmem>>, vector<16xi32>,
        %add3A_734 = arith.addi %add3A_38, %mul3A_731 : i32
        %add3A_735 = vector.broadcast %add3A_734 : i32 to vector<16xi32>
        %add3A_736 = arith.addi %add3A_735, %iota3A : vector<16xi32>
        %mul3A_737 = arith.constant 80 : i32
        %mul3A_738 = vector.broadcast %mul3A_737 : i32 to vector<16xi32>
        %mul3A_739 = arith.muli %add3A_736, %mul3A_738 : vector<16xi32>
        %add3A_740 = arith.addi %mul3A_739, %get3A_733 : vector<16xi32>
        %jit3A_741 = arith.constant 7 : i32
        %div3A_742 = arith.divsi %scan3A_729, %jit3A_741 : i32
        %sign3A_743 = arith.constant 0 : i32
        %sign3A_744 = arith.cmpi sgt, %scan3A_729, %sign3A_743 : i32
        %sign3A_745 = arith.extui %sign3A_744 : i1 to i32
        %sign3A_746 = arith.constant 0 : i32
        %sign3A_747 = arith.cmpi slt, %scan3A_729, %sign3A_746 : i32
        %sign3A_748 = arith.extui %sign3A_747 : i1 to i32
        %sign3A_749 = arith.subi %sign3A_745, %sign3A_748 : i32
        %sign3A_750 = arith.constant 0 : i32
        %sign3A_751 = arith.cmpi sgt, %jit3A_741, %sign3A_750 : i32
        %sign3A_752 = arith.extui %sign3A_751 : i1 to i32
        %sign3A_753 = arith.constant 0 : i32
        %sign3A_754 = arith.cmpi slt, %jit3A_741, %sign3A_753 : i32
        %sign3A_755 = arith.extui %sign3A_754 : i1 to i32
        %sign3A_756 = arith.subi %sign3A_752, %sign3A_755 : i32
        %ne3A_757 = arith.cmpi ne, %sign3A_749, %sign3A_756 : i32
        %rem3A_758 = arith.remsi %scan3A_729, %jit3A_741 : i32
        %ne3A_759 = arith.constant 0 : i32
        %ne3A_760 = arith.cmpi ne, %rem3A_758, %ne3A_759 : i32
        %and3A_761 = arith.andi %ne3A_757, %ne3A_760 : i1
        %sub3A_762 = arith.constant 1 : i32
        %sub3A_763 = arith.subi %div3A_742, %sub3A_762 : i32
        %select_n3A_764 = arith.select %and3A_761, %sub3A_763, %div3A_742 : i32
        %jit3A_765 = arith.constant 7 : i32
        %eq3A_766 = arith.constant 0 : i32
        %eq3A_767 = arith.cmpi eq, %jit3A_765, %eq3A_766 : i32
        %jit3A_768 = arith.constant 1 : i32
        %select_n3A_769 = arith.select %eq3A_767, %jit3A_768, %jit3A_765 : i32
        %rem3A_770 = arith.remsi %scan3A_729, %select_n3A_769 : i32
        %ne3A_771 = arith.constant 0 : i32
        %ne3A_772 = arith.cmpi ne, %rem3A_770, %ne3A_771 : i32
        %lt3A_773 = arith.constant 0 : i32
        %lt3A_774 = arith.cmpi slt, %rem3A_770, %lt3A_773 : i32
        %lt3A_775 = arith.constant 0 : i32
        %lt3A_776 = arith.cmpi slt, %select_n3A_769, %lt3A_775 : i32
        %ne3A_777 = arith.xori %lt3A_774, %lt3A_776 : i1
        %and3A_778 = arith.andi %ne3A_777, %ne3A_772 : i1
        %add3A_779 = arith.addi %rem3A_770, %select_n3A_769 : i32
        %select_n3A_780 = arith.select %and3A_778, %add3A_779, %rem3A_770 : i32
        %mul3A_781 = arith.constant 16 : i32
        %mul3A_782 = arith.muli %select_n3A_780, %mul3A_781 : i32
        %swap3A_783 = arith.index_cast %select_n3A_764 : i32 to index
        %swap3A_784 = arith.index_cast %mul3A_782 : i32 to index
        %swap3A_785 = tpu.vector_load %arg15[%swap3A_783, %swap3A_784] {strides = array<i32>} : memref<25x112xi32, #tpu.memory_space<vmem>>, vector<16xi32>,
        tpu.vector_store %arg15[%swap3A_783, %swap3A_784], %add3A_740 {strides = array<i32>} : memref<25x112xi32, #tpu.memory_space<vmem>>, vector<16xi32>,
        %scan3A_786 = arith.constant 4 : i32
        %scan3A_787 = arith.addi %scan3A_556, %scan3A_786 : i32
        %mul3A_788 = arith.constant 16 : i32
        %mul3A_789 = arith.muli %scan3A_787, %mul3A_788 : i32
        %get3A_790 = arith.index_cast %mul3A_789 : i32 to index
        %get3A_791 = tpu.vector_load %arg14[%get3A_790] {strides = array<i32>} : memref<2800xi32, #tpu.memory_space<vmem>>, vector<16xi32>,
        %add3A_792 = arith.addi %add3A_38, %mul3A_789 : i32
        %add3A_793 = vector.broadcast %add3A_792 : i32 to vector<16xi32>
        %add3A_794 = arith.addi %add3A_793, %iota3A : vector<16xi32>
        %mul3A_795 = arith.constant 80 : i32
        %mul3A_796 = vector.broadcast %mul3A_795 : i32 to vector<16xi32>
        %mul3A_797 = arith.muli %add3A_794, %mul3A_796 : vector<16xi32>
        %add3A_798 = arith.addi %mul3A_797, %get3A_791 : vector<16xi32>
        %jit3A_799 = arith.constant 7 : i32
        %div3A_800 = arith.divsi %scan3A_787, %jit3A_799 : i32
        %sign3A_801 = arith.constant 0 : i32
        %sign3A_802 = arith.cmpi sgt, %scan3A_787, %sign3A_801 : i32
        %sign3A_803 = arith.extui %sign3A_802 : i1 to i32
        %sign3A_804 = arith.constant 0 : i32
        %sign3A_805 = arith.cmpi slt, %scan3A_787, %sign3A_804 : i32
        %sign3A_806 = arith.extui %sign3A_805 : i1 to i32
        %sign3A_807 = arith.subi %sign3A_803, %sign3A_806 : i32
        %sign3A_808 = arith.constant 0 : i32
        %sign3A_809 = arith.cmpi sgt, %jit3A_799, %sign3A_808 : i32
        %sign3A_810 = arith.extui %sign3A_809 : i1 to i32
        %sign3A_811 = arith.constant 0 : i32
        %sign3A_812 = arith.cmpi slt, %jit3A_799, %sign3A_811 : i32
        %sign3A_813 = arith.extui %sign3A_812 : i1 to i32
        %sign3A_814 = arith.subi %sign3A_810, %sign3A_813 : i32
        %ne3A_815 = arith.cmpi ne, %sign3A_807, %sign3A_814 : i32
        %rem3A_816 = arith.remsi %scan3A_787, %jit3A_799 : i32
        %ne3A_817 = arith.constant 0 : i32
        %ne3A_818 = arith.cmpi ne, %rem3A_816, %ne3A_817 : i32
        %and3A_819 = arith.andi %ne3A_815, %ne3A_818 : i1
        %sub3A_820 = arith.constant 1 : i32
        %sub3A_821 = arith.subi %div3A_800, %sub3A_820 : i32
        %select_n3A_822 = arith.select %and3A_819, %sub3A_821, %div3A_800 : i32
        %jit3A_823 = arith.constant 7 : i32
        %eq3A_824 = arith.constant 0 : i32
        %eq3A_825 = arith.cmpi eq, %jit3A_823, %eq3A_824 : i32
        %jit3A_826 = arith.constant 1 : i32
        %select_n3A_827 = arith.select %eq3A_825, %jit3A_826, %jit3A_823 : i32
        %rem3A_828 = arith.remsi %scan3A_787, %select_n3A_827 : i32
        %ne3A_829 = arith.constant 0 : i32
        %ne3A_830 = arith.cmpi ne, %rem3A_828, %ne3A_829 : i32
        %lt3A_831 = arith.constant 0 : i32
        %lt3A_832 = arith.cmpi slt, %rem3A_828, %lt3A_831 : i32
        %lt3A_833 = arith.constant 0 : i32
        %lt3A_834 = arith.cmpi slt, %select_n3A_827, %lt3A_833 : i32
        %ne3A_835 = arith.xori %lt3A_832, %lt3A_834 : i1
        %and3A_836 = arith.andi %ne3A_835, %ne3A_830 : i1
        %add3A_837 = arith.addi %rem3A_828, %select_n3A_827 : i32
        %select_n3A_838 = arith.select %and3A_836, %add3A_837, %rem3A_828 : i32
        %mul3A_839 = arith.constant 16 : i32
        %mul3A_840 = arith.muli %select_n3A_838, %mul3A_839 : i32
        %swap3A_841 = arith.index_cast %select_n3A_822 : i32 to index
        %swap3A_842 = arith.index_cast %mul3A_840 : i32 to index
        %swap3A_843 = tpu.vector_load %arg15[%swap3A_841, %swap3A_842] {strides = array<i32>} : memref<25x112xi32, #tpu.memory_space<vmem>>, vector<16xi32>,
        tpu.vector_store %arg15[%swap3A_841, %swap3A_842], %add3A_798 {strides = array<i32>} : memref<25x112xi32, #tpu.memory_space<vmem>>, vector<16xi32>,
        %scan3A_844 = arith.constant 5 : i32
        %scan3A_845 = arith.addi %scan3A_556, %scan3A_844 : i32
        %mul3A_846 = arith.constant 16 : i32
        %mul3A_847 = arith.muli %scan3A_845, %mul3A_846 : i32
        %get3A_848 = arith.index_cast %mul3A_847 : i32 to index
        %get3A_849 = tpu.vector_load %arg14[%get3A_848] {strides = array<i32>} : memref<2800xi32, #tpu.memory_space<vmem>>, vector<16xi32>,
        %add3A_850 = arith.addi %add3A_38, %mul3A_847 : i32
        %add3A_851 = vector.broadcast %add3A_850 : i32 to vector<16xi32>
        %add3A_852 = arith.addi %add3A_851, %iota3A : vector<16xi32>
        %mul3A_853 = arith.constant 80 : i32
        %mul3A_854 = vector.broadcast %mul3A_853 : i32 to vector<16xi32>
        %mul3A_855 = arith.muli %add3A_852, %mul3A_854 : vector<16xi32>
        %add3A_856 = arith.addi %mul3A_855, %get3A_849 : vector<16xi32>
        %jit3A_857 = arith.constant 7 : i32
        %div3A_858 = arith.divsi %scan3A_845, %jit3A_857 : i32
        %sign3A_859 = arith.constant 0 : i32
        %sign3A_860 = arith.cmpi sgt, %scan3A_845, %sign3A_859 : i32
        %sign3A_861 = arith.extui %sign3A_860 : i1 to i32
        %sign3A_862 = arith.constant 0 : i32
        %sign3A_863 = arith.cmpi slt, %scan3A_845, %sign3A_862 : i32
        %sign3A_864 = arith.extui %sign3A_863 : i1 to i32
        %sign3A_865 = arith.subi %sign3A_861, %sign3A_864 : i32
        %sign3A_866 = arith.constant 0 : i32
        %sign3A_867 = arith.cmpi sgt, %jit3A_857, %sign3A_866 : i32
        %sign3A_868 = arith.extui %sign3A_867 : i1 to i32
        %sign3A_869 = arith.constant 0 : i32
        %sign3A_870 = arith.cmpi slt, %jit3A_857, %sign3A_869 : i32
        %sign3A_871 = arith.extui %sign3A_870 : i1 to i32
        %sign3A_872 = arith.subi %sign3A_868, %sign3A_871 : i32
        %ne3A_873 = arith.cmpi ne, %sign3A_865, %sign3A_872 : i32
        %rem3A_874 = arith.remsi %scan3A_845, %jit3A_857 : i32
        %ne3A_875 = arith.constant 0 : i32
        %ne3A_876 = arith.cmpi ne, %rem3A_874, %ne3A_875 : i32
        %and3A_877 = arith.andi %ne3A_873, %ne3A_876 : i1
        %sub3A_878 = arith.constant 1 : i32
        %sub3A_879 = arith.subi %div3A_858, %sub3A_878 : i32
        %select_n3A_880 = arith.select %and3A_877, %sub3A_879, %div3A_858 : i32
        %jit3A_881 = arith.constant 7 : i32
        %eq3A_882 = arith.constant 0 : i32
        %eq3A_883 = arith.cmpi eq, %jit3A_881, %eq3A_882 : i32
        %jit3A_884 = arith.constant 1 : i32
        %select_n3A_885 = arith.select %eq3A_883, %jit3A_884, %jit3A_881 : i32
        %rem3A_886 = arith.remsi %scan3A_845, %select_n3A_885 : i32
        %ne3A_887 = arith.constant 0 : i32
        %ne3A_888 = arith.cmpi ne, %rem3A_886, %ne3A_887 : i32
        %lt3A_889 = arith.constant 0 : i32
        %lt3A_890 = arith.cmpi slt, %rem3A_886, %lt3A_889 : i32
        %lt3A_891 = arith.constant 0 : i32
        %lt3A_892 = arith.cmpi slt, %select_n3A_885, %lt3A_891 : i32
        %ne3A_893 = arith.xori %lt3A_890, %lt3A_892 : i1
        %and3A_894 = arith.andi %ne3A_893, %ne3A_888 : i1
        %add3A_895 = arith.addi %rem3A_886, %select_n3A_885 : i32
        %select_n3A_896 = arith.select %and3A_894, %add3A_895, %rem3A_886 : i32
        %mul3A_897 = arith.constant 16 : i32
        %mul3A_898 = arith.muli %select_n3A_896, %mul3A_897 : i32
        %swap3A_899 = arith.index_cast %select_n3A_880 : i32 to index
        %swap3A_900 = arith.index_cast %mul3A_898 : i32 to index
        %swap3A_901 = tpu.vector_load %arg15[%swap3A_899, %swap3A_900] {strides = array<i32>} : memref<25x112xi32, #tpu.memory_space<vmem>>, vector<16xi32>,
        tpu.vector_store %arg15[%swap3A_899, %swap3A_900], %add3A_856 {strides = array<i32>} : memref<25x112xi32, #tpu.memory_space<vmem>>, vector<16xi32>,
        %scan3A_902 = arith.constant 6 : i32
        %scan3A_903 = arith.addi %scan3A_556, %scan3A_902 : i32
        %mul3A_904 = arith.constant 16 : i32
        %mul3A_905 = arith.muli %scan3A_903, %mul3A_904 : i32
        %get3A_906 = arith.index_cast %mul3A_905 : i32 to index
        %get3A_907 = tpu.vector_load %arg14[%get3A_906] {strides = array<i32>} : memref<2800xi32, #tpu.memory_space<vmem>>, vector<16xi32>,
        %add3A_908 = arith.addi %add3A_38, %mul3A_905 : i32
        %add3A_909 = vector.broadcast %add3A_908 : i32 to vector<16xi32>
        %add3A_910 = arith.addi %add3A_909, %iota3A : vector<16xi32>
        %mul3A_911 = arith.constant 80 : i32
        %mul3A_912 = vector.broadcast %mul3A_911 : i32 to vector<16xi32>
        %mul3A_913 = arith.muli %add3A_910, %mul3A_912 : vector<16xi32>
        %add3A_914 = arith.addi %mul3A_913, %get3A_907 : vector<16xi32>
        %jit3A_915 = arith.constant 7 : i32
        %div3A_916 = arith.divsi %scan3A_903, %jit3A_915 : i32
        %sign3A_917 = arith.constant 0 : i32
        %sign3A_918 = arith.cmpi sgt, %scan3A_903, %sign3A_917 : i32
        %sign3A_919 = arith.extui %sign3A_918 : i1 to i32
        %sign3A_920 = arith.constant 0 : i32
        %sign3A_921 = arith.cmpi slt, %scan3A_903, %sign3A_920 : i32
        %sign3A_922 = arith.extui %sign3A_921 : i1 to i32
        %sign3A_923 = arith.subi %sign3A_919, %sign3A_922 : i32
        %sign3A_924 = arith.constant 0 : i32
        %sign3A_925 = arith.cmpi sgt, %jit3A_915, %sign3A_924 : i32
        %sign3A_926 = arith.extui %sign3A_925 : i1 to i32
        %sign3A_927 = arith.constant 0 : i32
        %sign3A_928 = arith.cmpi slt, %jit3A_915, %sign3A_927 : i32
        %sign3A_929 = arith.extui %sign3A_928 : i1 to i32
        %sign3A_930 = arith.subi %sign3A_926, %sign3A_929 : i32
        %ne3A_931 = arith.cmpi ne, %sign3A_923, %sign3A_930 : i32
        %rem3A_932 = arith.remsi %scan3A_903, %jit3A_915 : i32
        %ne3A_933 = arith.constant 0 : i32
        %ne3A_934 = arith.cmpi ne, %rem3A_932, %ne3A_933 : i32
        %and3A_935 = arith.andi %ne3A_931, %ne3A_934 : i1
        %sub3A_936 = arith.constant 1 : i32
        %sub3A_937 = arith.subi %div3A_916, %sub3A_936 : i32
        %select_n3A_938 = arith.select %and3A_935, %sub3A_937, %div3A_916 : i32
        %jit3A_939 = arith.constant 7 : i32
        %eq3A_940 = arith.constant 0 : i32
        %eq3A_941 = arith.cmpi eq, %jit3A_939, %eq3A_940 : i32
        %jit3A_942 = arith.constant 1 : i32
        %select_n3A_943 = arith.select %eq3A_941, %jit3A_942, %jit3A_939 : i32
        %rem3A_944 = arith.remsi %scan3A_903, %select_n3A_943 : i32
        %ne3A_945 = arith.constant 0 : i32
        %ne3A_946 = arith.cmpi ne, %rem3A_944, %ne3A_945 : i32
        %lt3A_947 = arith.constant 0 : i32
        %lt3A_948 = arith.cmpi slt, %rem3A_944, %lt3A_947 : i32
        %lt3A_949 = arith.constant 0 : i32
        %lt3A_950 = arith.cmpi slt, %select_n3A_943, %lt3A_949 : i32
        %ne3A_951 = arith.xori %lt3A_948, %lt3A_950 : i1
        %and3A_952 = arith.andi %ne3A_951, %ne3A_946 : i1
        %add3A_953 = arith.addi %rem3A_944, %select_n3A_943 : i32
        %select_n3A_954 = arith.select %and3A_952, %add3A_953, %rem3A_944 : i32
        %mul3A_955 = arith.constant 16 : i32
        %mul3A_956 = arith.muli %select_n3A_954, %mul3A_955 : i32
        %swap3A_957 = arith.index_cast %select_n3A_938 : i32 to index
        %swap3A_958 = arith.index_cast %mul3A_956 : i32 to index
        %swap3A_959 = tpu.vector_load %arg15[%swap3A_957, %swap3A_958] {strides = array<i32>} : memref<25x112xi32, #tpu.memory_space<vmem>>, vector<16xi32>,
        tpu.vector_store %arg15[%swap3A_957, %swap3A_958], %add3A_914 {strides = array<i32>} : memref<25x112xi32, #tpu.memory_space<vmem>>, vector<16xi32>,
      }
      %scan3A_51 = arith.constant 175 : i32
      %dma_start3A = arith.constant 0 : i32
      %dma_start3A_52 = arith.constant 0 : i32
      %dma_start3A_53 = arith.constant 0 : i32
      %dma_start3A_54 = tpu.memref_slice %arg16[%dma_start3A_52, %dma_start3A_53] : memref<25x112xf32, #tpu.memory_space<vmem>> -> memref<1x112xf32, #tpu.memory_space<vmem>>
      %dma_start3A_55 = tpu.memref_squeeze %dma_start3A_54 : memref<1x112xf32, #tpu.memory_space<vmem>> -> memref<112xf32, #tpu.memory_space<vmem>>
      %dma_start3A_56 = arith.constant 0 : i32
      %dma_start3A_57 = tpu.memref_slice %arg15[%dma_start3A, %dma_start3A_56] : memref<25x112xi32, #tpu.memory_space<vmem>> -> memref<1x112xi32, #tpu.memory_space<vmem>>
      %dma_start3A_58 = tpu.memref_squeeze %dma_start3A_57 : memref<1x112xi32, #tpu.memory_space<vmem>> -> memref<112xi32, #tpu.memory_space<vmem>>
      %dma_start3A_59 = arith.constant 0 : i32
      %dma_start3A_60 = tpu.memref_slice %arg7[%dma_start3A_59] : memref<5376000xf32, #tpu.memory_space<hbm>> -> memref<5376000xf32, #tpu.memory_space<hbm>>
      tpu.enqueue_indirect_dma source(%dma_start3A_60 : memref<5376000xf32, #tpu.memory_space<hbm>>) target(%dma_start3A_55 : memref<112xf32, #tpu.memory_space<vmem>>) offsets(%dma_start3A_58 : memref<112xi32, #tpu.memory_space<vmem>>) semaphore(%arg19 : memref<!tpu.dma_semaphore, #tpu.memory_space<semaphore_mem>>)
      %dma_start3A_61 = arith.constant 1 : i32
      %dma_start3A_62 = arith.constant 1 : i32
      %dma_start3A_63 = arith.constant 0 : i32
      %dma_start3A_64 = tpu.memref_slice %arg16[%dma_start3A_62, %dma_start3A_63] : memref<25x112xf32, #tpu.memory_space<vmem>> -> memref<1x112xf32, #tpu.memory_space<vmem>>
      %dma_start3A_65 = tpu.memref_squeeze %dma_start3A_64 : memref<1x112xf32, #tpu.memory_space<vmem>> -> memref<112xf32, #tpu.memory_space<vmem>>
      %dma_start3A_66 = arith.constant 0 : i32
      %dma_start3A_67 = tpu.memref_slice %arg15[%dma_start3A_61, %dma_start3A_66] : memref<25x112xi32, #tpu.memory_space<vmem>> -> memref<1x112xi32, #tpu.memory_space<vmem>>
      %dma_start3A_68 = tpu.memref_squeeze %dma_start3A_67 : memref<1x112xi32, #tpu.memory_space<vmem>> -> memref<112xi32, #tpu.memory_space<vmem>>
      %dma_start3A_69 = arith.constant 0 : i32
      %dma_start3A_70 = tpu.memref_slice %arg7[%dma_start3A_69] : memref<5376000xf32, #tpu.memory_space<hbm>> -> memref<5376000xf32, #tpu.memory_space<hbm>>
      tpu.enqueue_indirect_dma source(%dma_start3A_70 : memref<5376000xf32, #tpu.memory_space<hbm>>) target(%dma_start3A_65 : memref<112xf32, #tpu.memory_space<vmem>>) offsets(%dma_start3A_68 : memref<112xi32, #tpu.memory_space<vmem>>) semaphore(%arg19 : memref<!tpu.dma_semaphore, #tpu.memory_space<semaphore_mem>>)
      %dma_start3A_71 = arith.constant 2 : i32
      %dma_start3A_72 = arith.constant 2 : i32
      %dma_start3A_73 = arith.constant 0 : i32
      %dma_start3A_74 = tpu.memref_slice %arg16[%dma_start3A_72, %dma_start3A_73] : memref<25x112xf32, #tpu.memory_space<vmem>> -> memref<1x112xf32, #tpu.memory_space<vmem>>
      %dma_start3A_75 = tpu.memref_squeeze %dma_start3A_74 : memref<1x112xf32, #tpu.memory_space<vmem>> -> memref<112xf32, #tpu.memory_space<vmem>>
      %dma_start3A_76 = arith.constant 0 : i32
      %dma_start3A_77 = tpu.memref_slice %arg15[%dma_start3A_71, %dma_start3A_76] : memref<25x112xi32, #tpu.memory_space<vmem>> -> memref<1x112xi32, #tpu.memory_space<vmem>>
      %dma_start3A_78 = tpu.memref_squeeze %dma_start3A_77 : memref<1x112xi32, #tpu.memory_space<vmem>> -> memref<112xi32, #tpu.memory_space<vmem>>
      %dma_start3A_79 = arith.constant 0 : i32
      %dma_start3A_80 = tpu.memref_slice %arg7[%dma_start3A_79] : memref<5376000xf32, #tpu.memory_space<hbm>> -> memref<5376000xf32, #tpu.memory_space<hbm>>
      tpu.enqueue_indirect_dma source(%dma_start3A_80 : memref<5376000xf32, #tpu.memory_space<hbm>>) target(%dma_start3A_75 : memref<112xf32, #tpu.memory_space<vmem>>) offsets(%dma_start3A_78 : memref<112xi32, #tpu.memory_space<vmem>>) semaphore(%arg19 : memref<!tpu.dma_semaphore, #tpu.memory_space<semaphore_mem>>)
      %dma_start3A_81 = arith.constant 3 : i32
      %dma_start3A_82 = arith.constant 3 : i32
      %dma_start3A_83 = arith.constant 0 : i32
      %dma_start3A_84 = tpu.memref_slice %arg16[%dma_start3A_82, %dma_start3A_83] : memref<25x112xf32, #tpu.memory_space<vmem>> -> memref<1x112xf32, #tpu.memory_space<vmem>>
      %dma_start3A_85 = tpu.memref_squeeze %dma_start3A_84 : memref<1x112xf32, #tpu.memory_space<vmem>> -> memref<112xf32, #tpu.memory_space<vmem>>
      %dma_start3A_86 = arith.constant 0 : i32
      %dma_start3A_87 = tpu.memref_slice %arg15[%dma_start3A_81, %dma_start3A_86] : memref<25x112xi32, #tpu.memory_space<vmem>> -> memref<1x112xi32, #tpu.memory_space<vmem>>
      %dma_start3A_88 = tpu.memref_squeeze %dma_start3A_87 : memref<1x112xi32, #tpu.memory_space<vmem>> -> memref<112xi32, #tpu.memory_space<vmem>>
      %dma_start3A_89 = arith.constant 0 : i32
      %dma_start3A_90 = tpu.memref_slice %arg7[%dma_start3A_89] : memref<5376000xf32, #tpu.memory_space<hbm>> -> memref<5376000xf32, #tpu.memory_space<hbm>>
      tpu.enqueue_indirect_dma source(%dma_start3A_90 : memref<5376000xf32, #tpu.memory_space<hbm>>) target(%dma_start3A_85 : memref<112xf32, #tpu.memory_space<vmem>>) offsets(%dma_start3A_88 : memref<112xi32, #tpu.memory_space<vmem>>) semaphore(%arg19 : memref<!tpu.dma_semaphore, #tpu.memory_space<semaphore_mem>>)
      %dma_start3A_91 = arith.constant 4 : i32
      %dma_start3A_92 = arith.constant 4 : i32
      %dma_start3A_93 = arith.constant 0 : i32
      %dma_start3A_94 = tpu.memref_slice %arg16[%dma_start3A_92, %dma_start3A_93] : memref<25x112xf32, #tpu.memory_space<vmem>> -> memref<1x112xf32, #tpu.memory_space<vmem>>
      %dma_start3A_95 = tpu.memref_squeeze %dma_start3A_94 : memref<1x112xf32, #tpu.memory_space<vmem>> -> memref<112xf32, #tpu.memory_space<vmem>>
      %dma_start3A_96 = arith.constant 0 : i32
      %dma_start3A_97 = tpu.memref_slice %arg15[%dma_start3A_91, %dma_start3A_96] : memref<25x112xi32, #tpu.memory_space<vmem>> -> memref<1x112xi32, #tpu.memory_space<vmem>>
      %dma_start3A_98 = tpu.memref_squeeze %dma_start3A_97 : memref<1x112xi32, #tpu.memory_space<vmem>> -> memref<112xi32, #tpu.memory_space<vmem>>
      %dma_start3A_99 = arith.constant 0 : i32
      %dma_start3A_100 = tpu.memref_slice %arg7[%dma_start3A_99] : memref<5376000xf32, #tpu.memory_space<hbm>> -> memref<5376000xf32, #tpu.memory_space<hbm>>
      tpu.enqueue_indirect_dma source(%dma_start3A_100 : memref<5376000xf32, #tpu.memory_space<hbm>>) target(%dma_start3A_95 : memref<112xf32, #tpu.memory_space<vmem>>) offsets(%dma_start3A_98 : memref<112xi32, #tpu.memory_space<vmem>>) semaphore(%arg19 : memref<!tpu.dma_semaphore, #tpu.memory_space<semaphore_mem>>)
      %dma_start3A_101 = arith.constant 5 : i32
      %dma_start3A_102 = arith.constant 5 : i32
      %dma_start3A_103 = arith.constant 0 : i32
      %dma_start3A_104 = tpu.memref_slice %arg16[%dma_start3A_102, %dma_start3A_103] : memref<25x112xf32, #tpu.memory_space<vmem>> -> memref<1x112xf32, #tpu.memory_space<vmem>>
      %dma_start3A_105 = tpu.memref_squeeze %dma_start3A_104 : memref<1x112xf32, #tpu.memory_space<vmem>> -> memref<112xf32, #tpu.memory_space<vmem>>
      %dma_start3A_106 = arith.constant 0 : i32
      %dma_start3A_107 = tpu.memref_slice %arg15[%dma_start3A_101, %dma_start3A_106] : memref<25x112xi32, #tpu.memory_space<vmem>> -> memref<1x112xi32, #tpu.memory_space<vmem>>
      %dma_start3A_108 = tpu.memref_squeeze %dma_start3A_107 : memref<1x112xi32, #tpu.memory_space<vmem>> -> memref<112xi32, #tpu.memory_space<vmem>>
      %dma_start3A_109 = arith.constant 0 : i32
      %dma_start3A_110 = tpu.memref_slice %arg7[%dma_start3A_109] : memref<5376000xf32, #tpu.memory_space<hbm>> -> memref<5376000xf32, #tpu.memory_space<hbm>>
      tpu.enqueue_indirect_dma source(%dma_start3A_110 : memref<5376000xf32, #tpu.memory_space<hbm>>) target(%dma_start3A_105 : memref<112xf32, #tpu.memory_space<vmem>>) offsets(%dma_start3A_108 : memref<112xi32, #tpu.memory_space<vmem>>) semaphore(%arg19 : memref<!tpu.dma_semaphore, #tpu.memory_space<semaphore_mem>>)
      %dma_start3A_111 = arith.constant 6 : i32
      %dma_start3A_112 = arith.constant 6 : i32
      %dma_start3A_113 = arith.constant 0 : i32
      %dma_start3A_114 = tpu.memref_slice %arg16[%dma_start3A_112, %dma_start3A_113] : memref<25x112xf32, #tpu.memory_space<vmem>> -> memref<1x112xf32, #tpu.memory_space<vmem>>
      %dma_start3A_115 = tpu.memref_squeeze %dma_start3A_114 : memref<1x112xf32, #tpu.memory_space<vmem>> -> memref<112xf32, #tpu.memory_space<vmem>>
      %dma_start3A_116 = arith.constant 0 : i32
      %dma_start3A_117 = tpu.memref_slice %arg15[%dma_start3A_111, %dma_start3A_116] : memref<25x112xi32, #tpu.memory_space<vmem>> -> memref<1x112xi32, #tpu.memory_space<vmem>>
      %dma_start3A_118 = tpu.memref_squeeze %dma_start3A_117 : memref<1x112xi32, #tpu.memory_space<vmem>> -> memref<112xi32, #tpu.memory_space<vmem>>
      %dma_start3A_119 = arith.constant 0 : i32
      %dma_start3A_120 = tpu.memref_slice %arg7[%dma_start3A_119] : memref<5376000xf32, #tpu.memory_space<hbm>> -> memref<5376000xf32, #tpu.memory_space<hbm>>
      tpu.enqueue_indirect_dma source(%dma_start3A_120 : memref<5376000xf32, #tpu.memory_space<hbm>>) target(%dma_start3A_115 : memref<112xf32, #tpu.memory_space<vmem>>) offsets(%dma_start3A_118 : memref<112xi32, #tpu.memory_space<vmem>>) semaphore(%arg19 : memref<!tpu.dma_semaphore, #tpu.memory_space<semaphore_mem>>)
      %dma_start3A_121 = arith.constant 7 : i32
      %dma_start3A_122 = arith.constant 7 : i32
      %dma_start3A_123 = arith.constant 0 : i32
      %dma_start3A_124 = tpu.memref_slice %arg16[%dma_start3A_122, %dma_start3A_123] : memref<25x112xf32, #tpu.memory_space<vmem>> -> memref<1x112xf32, #tpu.memory_space<vmem>>
      %dma_start3A_125 = tpu.memref_squeeze %dma_start3A_124 : memref<1x112xf32, #tpu.memory_space<vmem>> -> memref<112xf32, #tpu.memory_space<vmem>>
      %dma_start3A_126 = arith.constant 0 : i32
      %dma_start3A_127 = tpu.memref_slice %arg15[%dma_start3A_121, %dma_start3A_126] : memref<25x112xi32, #tpu.memory_space<vmem>> -> memref<1x112xi32, #tpu.memory_space<vmem>>
      %dma_start3A_128 = tpu.memref_squeeze %dma_start3A_127 : memref<1x112xi32, #tpu.memory_space<vmem>> -> memref<112xi32, #tpu.memory_space<vmem>>
      %dma_start3A_129 = arith.constant 0 : i32
      %dma_start3A_130 = tpu.memref_slice %arg7[%dma_start3A_129] : memref<5376000xf32, #tpu.memory_space<hbm>> -> memref<5376000xf32, #tpu.memory_space<hbm>>
      tpu.enqueue_indirect_dma source(%dma_start3A_130 : memref<5376000xf32, #tpu.memory_space<hbm>>) target(%dma_start3A_125 : memref<112xf32, #tpu.memory_space<vmem>>) offsets(%dma_start3A_128 : memref<112xi32, #tpu.memory_space<vmem>>) semaphore(%arg19 : memref<!tpu.dma_semaphore, #tpu.memory_space<semaphore_mem>>)
      %dma_start3A_131 = arith.constant 8 : i32
      %dma_start3A_132 = arith.constant 8 : i32
      %dma_start3A_133 = arith.constant 0 : i32
      %dma_start3A_134 = tpu.memref_slice %arg16[%dma_start3A_132, %dma_start3A_133] : memref<25x112xf32, #tpu.memory_space<vmem>> -> memref<1x112xf32, #tpu.memory_space<vmem>>
      %dma_start3A_135 = tpu.memref_squeeze %dma_start3A_134 : memref<1x112xf32, #tpu.memory_space<vmem>> -> memref<112xf32, #tpu.memory_space<vmem>>
      %dma_start3A_136 = arith.constant 0 : i32
      %dma_start3A_137 = tpu.memref_slice %arg15[%dma_start3A_131, %dma_start3A_136] : memref<25x112xi32, #tpu.memory_space<vmem>> -> memref<1x112xi32, #tpu.memory_space<vmem>>
      %dma_start3A_138 = tpu.memref_squeeze %dma_start3A_137 : memref<1x112xi32, #tpu.memory_space<vmem>> -> memref<112xi32, #tpu.memory_space<vmem>>
      %dma_start3A_139 = arith.constant 0 : i32
      %dma_start3A_140 = tpu.memref_slice %arg7[%dma_start3A_139] : memref<5376000xf32, #tpu.memory_space<hbm>> -> memref<5376000xf32, #tpu.memory_space<hbm>>
      tpu.enqueue_indirect_dma source(%dma_start3A_140 : memref<5376000xf32, #tpu.memory_space<hbm>>) target(%dma_start3A_135 : memref<112xf32, #tpu.memory_space<vmem>>) offsets(%dma_start3A_138 : memref<112xi32, #tpu.memory_space<vmem>>) semaphore(%arg19 : memref<!tpu.dma_semaphore, #tpu.memory_space<semaphore_mem>>)
      %dma_start3A_141 = arith.constant 9 : i32
      %dma_start3A_142 = arith.constant 9 : i32
      %dma_start3A_143 = arith.constant 0 : i32
      %dma_start3A_144 = tpu.memref_slice %arg16[%dma_start3A_142, %dma_start3A_143] : memref<25x112xf32, #tpu.memory_space<vmem>> -> memref<1x112xf32, #tpu.memory_space<vmem>>
      %dma_start3A_145 = tpu.memref_squeeze %dma_start3A_144 : memref<1x112xf32, #tpu.memory_space<vmem>> -> memref<112xf32, #tpu.memory_space<vmem>>
      %dma_start3A_146 = arith.constant 0 : i32
      %dma_start3A_147 = tpu.memref_slice %arg15[%dma_start3A_141, %dma_start3A_146] : memref<25x112xi32, #tpu.memory_space<vmem>> -> memref<1x112xi32, #tpu.memory_space<vmem>>
      %dma_start3A_148 = tpu.memref_squeeze %dma_start3A_147 : memref<1x112xi32, #tpu.memory_space<vmem>> -> memref<112xi32, #tpu.memory_space<vmem>>
      %dma_start3A_149 = arith.constant 0 : i32
      %dma_start3A_150 = tpu.memref_slice %arg7[%dma_start3A_149] : memref<5376000xf32, #tpu.memory_space<hbm>> -> memref<5376000xf32, #tpu.memory_space<hbm>>
      tpu.enqueue_indirect_dma source(%dma_start3A_150 : memref<5376000xf32, #tpu.memory_space<hbm>>) target(%dma_start3A_145 : memref<112xf32, #tpu.memory_space<vmem>>) offsets(%dma_start3A_148 : memref<112xi32, #tpu.memory_space<vmem>>) semaphore(%arg19 : memref<!tpu.dma_semaphore, #tpu.memory_space<semaphore_mem>>)
      %dma_start3A_151 = arith.constant 10 : i32
      %dma_start3A_152 = arith.constant 10 : i32
      %dma_start3A_153 = arith.constant 0 : i32
      %dma_start3A_154 = tpu.memref_slice %arg16[%dma_start3A_152, %dma_start3A_153] : memref<25x112xf32, #tpu.memory_space<vmem>> -> memref<1x112xf32, #tpu.memory_space<vmem>>
      %dma_start3A_155 = tpu.memref_squeeze %dma_start3A_154 : memref<1x112xf32, #tpu.memory_space<vmem>> -> memref<112xf32, #tpu.memory_space<vmem>>
      %dma_start3A_156 = arith.constant 0 : i32
      %dma_start3A_157 = tpu.memref_slice %arg15[%dma_start3A_151, %dma_start3A_156] : memref<25x112xi32, #tpu.memory_space<vmem>> -> memref<1x112xi32, #tpu.memory_space<vmem>>
      %dma_start3A_158 = tpu.memref_squeeze %dma_start3A_157 : memref<1x112xi32, #tpu.memory_space<vmem>> -> memref<112xi32, #tpu.memory_space<vmem>>
      %dma_start3A_159 = arith.constant 0 : i32
      %dma_start3A_160 = tpu.memref_slice %arg7[%dma_start3A_159] : memref<5376000xf32, #tpu.memory_space<hbm>> -> memref<5376000xf32, #tpu.memory_space<hbm>>
      tpu.enqueue_indirect_dma source(%dma_start3A_160 : memref<5376000xf32, #tpu.memory_space<hbm>>) target(%dma_start3A_155 : memref<112xf32, #tpu.memory_space<vmem>>) offsets(%dma_start3A_158 : memref<112xi32, #tpu.memory_space<vmem>>) semaphore(%arg19 : memref<!tpu.dma_semaphore, #tpu.memory_space<semaphore_mem>>)
      %dma_start3A_161 = arith.constant 11 : i32
      %dma_start3A_162 = arith.constant 11 : i32
      %dma_start3A_163 = arith.constant 0 : i32
      %dma_start3A_164 = tpu.memref_slice %arg16[%dma_start3A_162, %dma_start3A_163] : memref<25x112xf32, #tpu.memory_space<vmem>> -> memref<1x112xf32, #tpu.memory_space<vmem>>
      %dma_start3A_165 = tpu.memref_squeeze %dma_start3A_164 : memref<1x112xf32, #tpu.memory_space<vmem>> -> memref<112xf32, #tpu.memory_space<vmem>>
      %dma_start3A_166 = arith.constant 0 : i32
      %dma_start3A_167 = tpu.memref_slice %arg15[%dma_start3A_161, %dma_start3A_166] : memref<25x112xi32, #tpu.memory_space<vmem>> -> memref<1x112xi32, #tpu.memory_space<vmem>>
      %dma_start3A_168 = tpu.memref_squeeze %dma_start3A_167 : memref<1x112xi32, #tpu.memory_space<vmem>> -> memref<112xi32, #tpu.memory_space<vmem>>
      %dma_start3A_169 = arith.constant 0 : i32
      %dma_start3A_170 = tpu.memref_slice %arg7[%dma_start3A_169] : memref<5376000xf32, #tpu.memory_space<hbm>> -> memref<5376000xf32, #tpu.memory_space<hbm>>
      tpu.enqueue_indirect_dma source(%dma_start3A_170 : memref<5376000xf32, #tpu.memory_space<hbm>>) target(%dma_start3A_165 : memref<112xf32, #tpu.memory_space<vmem>>) offsets(%dma_start3A_168 : memref<112xi32, #tpu.memory_space<vmem>>) semaphore(%arg19 : memref<!tpu.dma_semaphore, #tpu.memory_space<semaphore_mem>>)
      %dma_start3A_171 = arith.constant 12 : i32
      %dma_start3A_172 = arith.constant 12 : i32
      %dma_start3A_173 = arith.constant 0 : i32
      %dma_start3A_174 = tpu.memref_slice %arg16[%dma_start3A_172, %dma_start3A_173] : memref<25x112xf32, #tpu.memory_space<vmem>> -> memref<1x112xf32, #tpu.memory_space<vmem>>
      %dma_start3A_175 = tpu.memref_squeeze %dma_start3A_174 : memref<1x112xf32, #tpu.memory_space<vmem>> -> memref<112xf32, #tpu.memory_space<vmem>>
      %dma_start3A_176 = arith.constant 0 : i32
      %dma_start3A_177 = tpu.memref_slice %arg15[%dma_start3A_171, %dma_start3A_176] : memref<25x112xi32, #tpu.memory_space<vmem>> -> memref<1x112xi32, #tpu.memory_space<vmem>>
      %dma_start3A_178 = tpu.memref_squeeze %dma_start3A_177 : memref<1x112xi32, #tpu.memory_space<vmem>> -> memref<112xi32, #tpu.memory_space<vmem>>
      %dma_start3A_179 = arith.constant 0 : i32
      %dma_start3A_180 = tpu.memref_slice %arg7[%dma_start3A_179] : memref<5376000xf32, #tpu.memory_space<hbm>> -> memref<5376000xf32, #tpu.memory_space<hbm>>
      tpu.enqueue_indirect_dma source(%dma_start3A_180 : memref<5376000xf32, #tpu.memory_space<hbm>>) target(%dma_start3A_175 : memref<112xf32, #tpu.memory_space<vmem>>) offsets(%dma_start3A_178 : memref<112xi32, #tpu.memory_space<vmem>>) semaphore(%arg19 : memref<!tpu.dma_semaphore, #tpu.memory_space<semaphore_mem>>)
      %dma_start3A_181 = arith.constant 13 : i32
      %dma_start3A_182 = arith.constant 13 : i32
      %dma_start3A_183 = arith.constant 0 : i32
      %dma_start3A_184 = tpu.memref_slice %arg16[%dma_start3A_182, %dma_start3A_183] : memref<25x112xf32, #tpu.memory_space<vmem>> -> memref<1x112xf32, #tpu.memory_space<vmem>>
      %dma_start3A_185 = tpu.memref_squeeze %dma_start3A_184 : memref<1x112xf32, #tpu.memory_space<vmem>> -> memref<112xf32, #tpu.memory_space<vmem>>
      %dma_start3A_186 = arith.constant 0 : i32
      %dma_start3A_187 = tpu.memref_slice %arg15[%dma_start3A_181, %dma_start3A_186] : memref<25x112xi32, #tpu.memory_space<vmem>> -> memref<1x112xi32, #tpu.memory_space<vmem>>
      %dma_start3A_188 = tpu.memref_squeeze %dma_start3A_187 : memref<1x112xi32, #tpu.memory_space<vmem>> -> memref<112xi32, #tpu.memory_space<vmem>>
      %dma_start3A_189 = arith.constant 0 : i32
      %dma_start3A_190 = tpu.memref_slice %arg7[%dma_start3A_189] : memref<5376000xf32, #tpu.memory_space<hbm>> -> memref<5376000xf32, #tpu.memory_space<hbm>>
      tpu.enqueue_indirect_dma source(%dma_start3A_190 : memref<5376000xf32, #tpu.memory_space<hbm>>) target(%dma_start3A_185 : memref<112xf32, #tpu.memory_space<vmem>>) offsets(%dma_start3A_188 : memref<112xi32, #tpu.memory_space<vmem>>) semaphore(%arg19 : memref<!tpu.dma_semaphore, #tpu.memory_space<semaphore_mem>>)
      %dma_start3A_191 = arith.constant 14 : i32
      %dma_start3A_192 = arith.constant 14 : i32
      %dma_start3A_193 = arith.constant 0 : i32
      %dma_start3A_194 = tpu.memref_slice %arg16[%dma_start3A_192, %dma_start3A_193] : memref<25x112xf32, #tpu.memory_space<vmem>> -> memref<1x112xf32, #tpu.memory_space<vmem>>
      %dma_start3A_195 = tpu.memref_squeeze %dma_start3A_194 : memref<1x112xf32, #tpu.memory_space<vmem>> -> memref<112xf32, #tpu.memory_space<vmem>>
      %dma_start3A_196 = arith.constant 0 : i32
      %dma_start3A_197 = tpu.memref_slice %arg15[%dma_start3A_191, %dma_start3A_196] : memref<25x112xi32, #tpu.memory_space<vmem>> -> memref<1x112xi32, #tpu.memory_space<vmem>>
      %dma_start3A_198 = tpu.memref_squeeze %dma_start3A_197 : memref<1x112xi32, #tpu.memory_space<vmem>> -> memref<112xi32, #tpu.memory_space<vmem>>
      %dma_start3A_199 = arith.constant 0 : i32
      %dma_start3A_200 = tpu.memref_slice %arg7[%dma_start3A_199] : memref<5376000xf32, #tpu.memory_space<hbm>> -> memref<5376000xf32, #tpu.memory_space<hbm>>
      tpu.enqueue_indirect_dma source(%dma_start3A_200 : memref<5376000xf32, #tpu.memory_space<hbm>>) target(%dma_start3A_195 : memref<112xf32, #tpu.memory_space<vmem>>) offsets(%dma_start3A_198 : memref<112xi32, #tpu.memory_space<vmem>>) semaphore(%arg19 : memref<!tpu.dma_semaphore, #tpu.memory_space<semaphore_mem>>)
      %dma_start3A_201 = arith.constant 15 : i32
      %dma_start3A_202 = arith.constant 15 : i32
      %dma_start3A_203 = arith.constant 0 : i32
      %dma_start3A_204 = tpu.memref_slice %arg16[%dma_start3A_202, %dma_start3A_203] : memref<25x112xf32, #tpu.memory_space<vmem>> -> memref<1x112xf32, #tpu.memory_space<vmem>>
      %dma_start3A_205 = tpu.memref_squeeze %dma_start3A_204 : memref<1x112xf32, #tpu.memory_space<vmem>> -> memref<112xf32, #tpu.memory_space<vmem>>
      %dma_start3A_206 = arith.constant 0 : i32
      %dma_start3A_207 = tpu.memref_slice %arg15[%dma_start3A_201, %dma_start3A_206] : memref<25x112xi32, #tpu.memory_space<vmem>> -> memref<1x112xi32, #tpu.memory_space<vmem>>
      %dma_start3A_208 = tpu.memref_squeeze %dma_start3A_207 : memref<1x112xi32, #tpu.memory_space<vmem>> -> memref<112xi32, #tpu.memory_space<vmem>>
      %dma_start3A_209 = arith.constant 0 : i32
      %dma_start3A_210 = tpu.memref_slice %arg7[%dma_start3A_209] : memref<5376000xf32, #tpu.memory_space<hbm>> -> memref<5376000xf32, #tpu.memory_space<hbm>>
      tpu.enqueue_indirect_dma source(%dma_start3A_210 : memref<5376000xf32, #tpu.memory_space<hbm>>) target(%dma_start3A_205 : memref<112xf32, #tpu.memory_space<vmem>>) offsets(%dma_start3A_208 : memref<112xi32, #tpu.memory_space<vmem>>) semaphore(%arg19 : memref<!tpu.dma_semaphore, #tpu.memory_space<semaphore_mem>>)
      %dma_start3A_211 = arith.constant 16 : i32
      %dma_start3A_212 = arith.constant 16 : i32
      %dma_start3A_213 = arith.constant 0 : i32
      %dma_start3A_214 = tpu.memref_slice %arg16[%dma_start3A_212, %dma_start3A_213] : memref<25x112xf32, #tpu.memory_space<vmem>> -> memref<1x112xf32, #tpu.memory_space<vmem>>
      %dma_start3A_215 = tpu.memref_squeeze %dma_start3A_214 : memref<1x112xf32, #tpu.memory_space<vmem>> -> memref<112xf32, #tpu.memory_space<vmem>>
      %dma_start3A_216 = arith.constant 0 : i32
      %dma_start3A_217 = tpu.memref_slice %arg15[%dma_start3A_211, %dma_start3A_216] : memref<25x112xi32, #tpu.memory_space<vmem>> -> memref<1x112xi32, #tpu.memory_space<vmem>>
      %dma_start3A_218 = tpu.memref_squeeze %dma_start3A_217 : memref<1x112xi32, #tpu.memory_space<vmem>> -> memref<112xi32, #tpu.memory_space<vmem>>
      %dma_start3A_219 = arith.constant 0 : i32
      %dma_start3A_220 = tpu.memref_slice %arg7[%dma_start3A_219] : memref<5376000xf32, #tpu.memory_space<hbm>> -> memref<5376000xf32, #tpu.memory_space<hbm>>
      tpu.enqueue_indirect_dma source(%dma_start3A_220 : memref<5376000xf32, #tpu.memory_space<hbm>>) target(%dma_start3A_215 : memref<112xf32, #tpu.memory_space<vmem>>) offsets(%dma_start3A_218 : memref<112xi32, #tpu.memory_space<vmem>>) semaphore(%arg19 : memref<!tpu.dma_semaphore, #tpu.memory_space<semaphore_mem>>)
      %dma_start3A_221 = arith.constant 17 : i32
      %dma_start3A_222 = arith.constant 17 : i32
      %dma_start3A_223 = arith.constant 0 : i32
      %dma_start3A_224 = tpu.memref_slice %arg16[%dma_start3A_222, %dma_start3A_223] : memref<25x112xf32, #tpu.memory_space<vmem>> -> memref<1x112xf32, #tpu.memory_space<vmem>>
      %dma_start3A_225 = tpu.memref_squeeze %dma_start3A_224 : memref<1x112xf32, #tpu.memory_space<vmem>> -> memref<112xf32, #tpu.memory_space<vmem>>
      %dma_start3A_226 = arith.constant 0 : i32
      %dma_start3A_227 = tpu.memref_slice %arg15[%dma_start3A_221, %dma_start3A_226] : memref<25x112xi32, #tpu.memory_space<vmem>> -> memref<1x112xi32, #tpu.memory_space<vmem>>
      %dma_start3A_228 = tpu.memref_squeeze %dma_start3A_227 : memref<1x112xi32, #tpu.memory_space<vmem>> -> memref<112xi32, #tpu.memory_space<vmem>>
      %dma_start3A_229 = arith.constant 0 : i32
      %dma_start3A_230 = tpu.memref_slice %arg7[%dma_start3A_229] : memref<5376000xf32, #tpu.memory_space<hbm>> -> memref<5376000xf32, #tpu.memory_space<hbm>>
      tpu.enqueue_indirect_dma source(%dma_start3A_230 : memref<5376000xf32, #tpu.memory_space<hbm>>) target(%dma_start3A_225 : memref<112xf32, #tpu.memory_space<vmem>>) offsets(%dma_start3A_228 : memref<112xi32, #tpu.memory_space<vmem>>) semaphore(%arg19 : memref<!tpu.dma_semaphore, #tpu.memory_space<semaphore_mem>>)
      %dma_start3A_231 = arith.constant 18 : i32
      %dma_start3A_232 = arith.constant 18 : i32
      %dma_start3A_233 = arith.constant 0 : i32
      %dma_start3A_234 = tpu.memref_slice %arg16[%dma_start3A_232, %dma_start3A_233] : memref<25x112xf32, #tpu.memory_space<vmem>> -> memref<1x112xf32, #tpu.memory_space<vmem>>
      %dma_start3A_235 = tpu.memref_squeeze %dma_start3A_234 : memref<1x112xf32, #tpu.memory_space<vmem>> -> memref<112xf32, #tpu.memory_space<vmem>>
      %dma_start3A_236 = arith.constant 0 : i32
      %dma_start3A_237 = tpu.memref_slice %arg15[%dma_start3A_231, %dma_start3A_236] : memref<25x112xi32, #tpu.memory_space<vmem>> -> memref<1x112xi32, #tpu.memory_space<vmem>>
      %dma_start3A_238 = tpu.memref_squeeze %dma_start3A_237 : memref<1x112xi32, #tpu.memory_space<vmem>> -> memref<112xi32, #tpu.memory_space<vmem>>
      %dma_start3A_239 = arith.constant 0 : i32
      %dma_start3A_240 = tpu.memref_slice %arg7[%dma_start3A_239] : memref<5376000xf32, #tpu.memory_space<hbm>> -> memref<5376000xf32, #tpu.memory_space<hbm>>
      tpu.enqueue_indirect_dma source(%dma_start3A_240 : memref<5376000xf32, #tpu.memory_space<hbm>>) target(%dma_start3A_235 : memref<112xf32, #tpu.memory_space<vmem>>) offsets(%dma_start3A_238 : memref<112xi32, #tpu.memory_space<vmem>>) semaphore(%arg19 : memref<!tpu.dma_semaphore, #tpu.memory_space<semaphore_mem>>)
      %dma_start3A_241 = arith.constant 19 : i32
      %dma_start3A_242 = arith.constant 19 : i32
      %dma_start3A_243 = arith.constant 0 : i32
      %dma_start3A_244 = tpu.memref_slice %arg16[%dma_start3A_242, %dma_start3A_243] : memref<25x112xf32, #tpu.memory_space<vmem>> -> memref<1x112xf32, #tpu.memory_space<vmem>>
      %dma_start3A_245 = tpu.memref_squeeze %dma_start3A_244 : memref<1x112xf32, #tpu.memory_space<vmem>> -> memref<112xf32, #tpu.memory_space<vmem>>
      %dma_start3A_246 = arith.constant 0 : i32
      %dma_start3A_247 = tpu.memref_slice %arg15[%dma_start3A_241, %dma_start3A_246] : memref<25x112xi32, #tpu.memory_space<vmem>> -> memref<1x112xi32, #tpu.memory_space<vmem>>
      %dma_start3A_248 = tpu.memref_squeeze %dma_start3A_247 : memref<1x112xi32, #tpu.memory_space<vmem>> -> memref<112xi32, #tpu.memory_space<vmem>>
      %dma_start3A_249 = arith.constant 0 : i32
      %dma_start3A_250 = tpu.memref_slice %arg7[%dma_start3A_249] : memref<5376000xf32, #tpu.memory_space<hbm>> -> memref<5376000xf32, #tpu.memory_space<hbm>>
      tpu.enqueue_indirect_dma source(%dma_start3A_250 : memref<5376000xf32, #tpu.memory_space<hbm>>) target(%dma_start3A_245 : memref<112xf32, #tpu.memory_space<vmem>>) offsets(%dma_start3A_248 : memref<112xi32, #tpu.memory_space<vmem>>) semaphore(%arg19 : memref<!tpu.dma_semaphore, #tpu.memory_space<semaphore_mem>>)
      %dma_start3A_251 = arith.constant 20 : i32
      %dma_start3A_252 = arith.constant 20 : i32
      %dma_start3A_253 = arith.constant 0 : i32
      %dma_start3A_254 = tpu.memref_slice %arg16[%dma_start3A_252, %dma_start3A_253] : memref<25x112xf32, #tpu.memory_space<vmem>> -> memref<1x112xf32, #tpu.memory_space<vmem>>
      %dma_start3A_255 = tpu.memref_squeeze %dma_start3A_254 : memref<1x112xf32, #tpu.memory_space<vmem>> -> memref<112xf32, #tpu.memory_space<vmem>>
      %dma_start3A_256 = arith.constant 0 : i32
      %dma_start3A_257 = tpu.memref_slice %arg15[%dma_start3A_251, %dma_start3A_256] : memref<25x112xi32, #tpu.memory_space<vmem>> -> memref<1x112xi32, #tpu.memory_space<vmem>>
      %dma_start3A_258 = tpu.memref_squeeze %dma_start3A_257 : memref<1x112xi32, #tpu.memory_space<vmem>> -> memref<112xi32, #tpu.memory_space<vmem>>
      %dma_start3A_259 = arith.constant 0 : i32
      %dma_start3A_260 = tpu.memref_slice %arg7[%dma_start3A_259] : memref<5376000xf32, #tpu.memory_space<hbm>> -> memref<5376000xf32, #tpu.memory_space<hbm>>
      tpu.enqueue_indirect_dma source(%dma_start3A_260 : memref<5376000xf32, #tpu.memory_space<hbm>>) target(%dma_start3A_255 : memref<112xf32, #tpu.memory_space<vmem>>) offsets(%dma_start3A_258 : memref<112xi32, #tpu.memory_space<vmem>>) semaphore(%arg19 : memref<!tpu.dma_semaphore, #tpu.memory_space<semaphore_mem>>)
      %dma_start3A_261 = arith.constant 21 : i32
      %dma_start3A_262 = arith.constant 21 : i32
      %dma_start3A_263 = arith.constant 0 : i32
      %dma_start3A_264 = tpu.memref_slice %arg16[%dma_start3A_262, %dma_start3A_263] : memref<25x112xf32, #tpu.memory_space<vmem>> -> memref<1x112xf32, #tpu.memory_space<vmem>>
      %dma_start3A_265 = tpu.memref_squeeze %dma_start3A_264 : memref<1x112xf32, #tpu.memory_space<vmem>> -> memref<112xf32, #tpu.memory_space<vmem>>
      %dma_start3A_266 = arith.constant 0 : i32
      %dma_start3A_267 = tpu.memref_slice %arg15[%dma_start3A_261, %dma_start3A_266] : memref<25x112xi32, #tpu.memory_space<vmem>> -> memref<1x112xi32, #tpu.memory_space<vmem>>
      %dma_start3A_268 = tpu.memref_squeeze %dma_start3A_267 : memref<1x112xi32, #tpu.memory_space<vmem>> -> memref<112xi32, #tpu.memory_space<vmem>>
      %dma_start3A_269 = arith.constant 0 : i32
      %dma_start3A_270 = tpu.memref_slice %arg7[%dma_start3A_269] : memref<5376000xf32, #tpu.memory_space<hbm>> -> memref<5376000xf32, #tpu.memory_space<hbm>>
      tpu.enqueue_indirect_dma source(%dma_start3A_270 : memref<5376000xf32, #tpu.memory_space<hbm>>) target(%dma_start3A_265 : memref<112xf32, #tpu.memory_space<vmem>>) offsets(%dma_start3A_268 : memref<112xi32, #tpu.memory_space<vmem>>) semaphore(%arg19 : memref<!tpu.dma_semaphore, #tpu.memory_space<semaphore_mem>>)
      %dma_start3A_271 = arith.constant 22 : i32
      %dma_start3A_272 = arith.constant 22 : i32
      %dma_start3A_273 = arith.constant 0 : i32
      %dma_start3A_274 = tpu.memref_slice %arg16[%dma_start3A_272, %dma_start3A_273] : memref<25x112xf32, #tpu.memory_space<vmem>> -> memref<1x112xf32, #tpu.memory_space<vmem>>
      %dma_start3A_275 = tpu.memref_squeeze %dma_start3A_274 : memref<1x112xf32, #tpu.memory_space<vmem>> -> memref<112xf32, #tpu.memory_space<vmem>>
      %dma_start3A_276 = arith.constant 0 : i32
      %dma_start3A_277 = tpu.memref_slice %arg15[%dma_start3A_271, %dma_start3A_276] : memref<25x112xi32, #tpu.memory_space<vmem>> -> memref<1x112xi32, #tpu.memory_space<vmem>>
      %dma_start3A_278 = tpu.memref_squeeze %dma_start3A_277 : memref<1x112xi32, #tpu.memory_space<vmem>> -> memref<112xi32, #tpu.memory_space<vmem>>
      %dma_start3A_279 = arith.constant 0 : i32
      %dma_start3A_280 = tpu.memref_slice %arg7[%dma_start3A_279] : memref<5376000xf32, #tpu.memory_space<hbm>> -> memref<5376000xf32, #tpu.memory_space<hbm>>
      tpu.enqueue_indirect_dma source(%dma_start3A_280 : memref<5376000xf32, #tpu.memory_space<hbm>>) target(%dma_start3A_275 : memref<112xf32, #tpu.memory_space<vmem>>) offsets(%dma_start3A_278 : memref<112xi32, #tpu.memory_space<vmem>>) semaphore(%arg19 : memref<!tpu.dma_semaphore, #tpu.memory_space<semaphore_mem>>)
      %dma_start3A_281 = arith.constant 23 : i32
      %dma_start3A_282 = arith.constant 23 : i32
      %dma_start3A_283 = arith.constant 0 : i32
      %dma_start3A_284 = tpu.memref_slice %arg16[%dma_start3A_282, %dma_start3A_283] : memref<25x112xf32, #tpu.memory_space<vmem>> -> memref<1x112xf32, #tpu.memory_space<vmem>>
      %dma_start3A_285 = tpu.memref_squeeze %dma_start3A_284 : memref<1x112xf32, #tpu.memory_space<vmem>> -> memref<112xf32, #tpu.memory_space<vmem>>
      %dma_start3A_286 = arith.constant 0 : i32
      %dma_start3A_287 = tpu.memref_slice %arg15[%dma_start3A_281, %dma_start3A_286] : memref<25x112xi32, #tpu.memory_space<vmem>> -> memref<1x112xi32, #tpu.memory_space<vmem>>
      %dma_start3A_288 = tpu.memref_squeeze %dma_start3A_287 : memref<1x112xi32, #tpu.memory_space<vmem>> -> memref<112xi32, #tpu.memory_space<vmem>>
      %dma_start3A_289 = arith.constant 0 : i32
      %dma_start3A_290 = tpu.memref_slice %arg7[%dma_start3A_289] : memref<5376000xf32, #tpu.memory_space<hbm>> -> memref<5376000xf32, #tpu.memory_space<hbm>>
      tpu.enqueue_indirect_dma source(%dma_start3A_290 : memref<5376000xf32, #tpu.memory_space<hbm>>) target(%dma_start3A_285 : memref<112xf32, #tpu.memory_space<vmem>>) offsets(%dma_start3A_288 : memref<112xi32, #tpu.memory_space<vmem>>) semaphore(%arg19 : memref<!tpu.dma_semaphore, #tpu.memory_space<semaphore_mem>>)
      %dma_start3A_291 = arith.constant 24 : i32
      %dma_start3A_292 = arith.constant 24 : i32
      %dma_start3A_293 = arith.constant 0 : i32
      %dma_start3A_294 = tpu.memref_slice %arg16[%dma_start3A_292, %dma_start3A_293] : memref<25x112xf32, #tpu.memory_space<vmem>> -> memref<1x112xf32, #tpu.memory_space<vmem>>
      %dma_start3A_295 = tpu.memref_squeeze %dma_start3A_294 : memref<1x112xf32, #tpu.memory_space<vmem>> -> memref<112xf32, #tpu.memory_space<vmem>>
      %dma_start3A_296 = arith.constant 0 : i32
      %dma_start3A_297 = tpu.memref_slice %arg15[%dma_start3A_291, %dma_start3A_296] : memref<25x112xi32, #tpu.memory_space<vmem>> -> memref<1x112xi32, #tpu.memory_space<vmem>>
      %dma_start3A_298 = tpu.memref_squeeze %dma_start3A_297 : memref<1x112xi32, #tpu.memory_space<vmem>> -> memref<112xi32, #tpu.memory_space<vmem>>
      %dma_start3A_299 = arith.constant 0 : i32
      %dma_start3A_300 = tpu.memref_slice %arg7[%dma_start3A_299] : memref<5376000xf32, #tpu.memory_space<hbm>> -> memref<5376000xf32, #tpu.memory_space<hbm>>
      tpu.enqueue_indirect_dma source(%dma_start3A_300 : memref<5376000xf32, #tpu.memory_space<hbm>>) target(%dma_start3A_295 : memref<112xf32, #tpu.memory_space<vmem>>) offsets(%dma_start3A_298 : memref<112xi32, #tpu.memory_space<vmem>>) semaphore(%arg19 : memref<!tpu.dma_semaphore, #tpu.memory_space<semaphore_mem>>)
      %dma_wait3A = arith.constant 0 : i32
      %dma_wait3A_301 = arith.constant 0 : i32
      %dma_wait3A_302 = arith.constant 0 : i32
      %dma_wait3A_303 = tpu.memref_slice %arg16[%dma_wait3A_301, %dma_wait3A_302] : memref<25x112xf32, #tpu.memory_space<vmem>> -> memref<1x112xf32, #tpu.memory_space<vmem>>
      %dma_wait3A_304 = tpu.memref_squeeze %dma_wait3A_303 : memref<1x112xf32, #tpu.memory_space<vmem>> -> memref<112xf32, #tpu.memory_space<vmem>>
      %dma_wait3A_305 = arith.constant 0 : i32
      %dma_wait3A_306 = tpu.memref_slice %arg15[%dma_wait3A, %dma_wait3A_305] : memref<25x112xi32, #tpu.memory_space<vmem>> -> memref<1x112xi32, #tpu.memory_space<vmem>>
      %dma_wait3A_307 = tpu.memref_squeeze %dma_wait3A_306 : memref<1x112xi32, #tpu.memory_space<vmem>> -> memref<112xi32, #tpu.memory_space<vmem>>
      %dma_wait3A_308 = arith.constant 0 : i32
      %dma_wait3A_309 = tpu.memref_slice %arg7[%dma_wait3A_308] : memref<5376000xf32, #tpu.memory_space<hbm>> -> memref<5376000xf32, #tpu.memory_space<hbm>>
      tpu.wait_indirect_dma semaphore(%arg19 : memref<!tpu.dma_semaphore, #tpu.memory_space<semaphore_mem>>) src(%dma_wait3A_309 : memref<5376000xf32, #tpu.memory_space<hbm>>) dst(%dma_wait3A_304 : memref<112xf32, #tpu.memory_space<vmem>>)
      %dma_wait3A_310 = arith.constant 1 : i32
      %dma_wait3A_311 = arith.constant 1 : i32
      %dma_wait3A_312 = arith.constant 0 : i32
      %dma_wait3A_313 = tpu.memref_slice %arg16[%dma_wait3A_311, %dma_wait3A_312] : memref<25x112xf32, #tpu.memory_space<vmem>> -> memref<1x112xf32, #tpu.memory_space<vmem>>
      %dma_wait3A_314 = tpu.memref_squeeze %dma_wait3A_313 : memref<1x112xf32, #tpu.memory_space<vmem>> -> memref<112xf32, #tpu.memory_space<vmem>>
      %dma_wait3A_315 = arith.constant 0 : i32
      %dma_wait3A_316 = tpu.memref_slice %arg15[%dma_wait3A_310, %dma_wait3A_315] : memref<25x112xi32, #tpu.memory_space<vmem>> -> memref<1x112xi32, #tpu.memory_space<vmem>>
      %dma_wait3A_317 = tpu.memref_squeeze %dma_wait3A_316 : memref<1x112xi32, #tpu.memory_space<vmem>> -> memref<112xi32, #tpu.memory_space<vmem>>
      %dma_wait3A_318 = arith.constant 0 : i32
      %dma_wait3A_319 = tpu.memref_slice %arg7[%dma_wait3A_318] : memref<5376000xf32, #tpu.memory_space<hbm>> -> memref<5376000xf32, #tpu.memory_space<hbm>>
      tpu.wait_indirect_dma semaphore(%arg19 : memref<!tpu.dma_semaphore, #tpu.memory_space<semaphore_mem>>) src(%dma_wait3A_319 : memref<5376000xf32, #tpu.memory_space<hbm>>) dst(%dma_wait3A_314 : memref<112xf32, #tpu.memory_space<vmem>>)
      %dma_wait3A_320 = arith.constant 2 : i32
      %dma_wait3A_321 = arith.constant 2 : i32
      %dma_wait3A_322 = arith.constant 0 : i32
      %dma_wait3A_323 = tpu.memref_slice %arg16[%dma_wait3A_321, %dma_wait3A_322] : memref<25x112xf32, #tpu.memory_space<vmem>> -> memref<1x112xf32, #tpu.memory_space<vmem>>
      %dma_wait3A_324 = tpu.memref_squeeze %dma_wait3A_323 : memref<1x112xf32, #tpu.memory_space<vmem>> -> memref<112xf32, #tpu.memory_space<vmem>>
      %dma_wait3A_325 = arith.constant 0 : i32
      %dma_wait3A_326 = tpu.memref_slice %arg15[%dma_wait3A_320, %dma_wait3A_325] : memref<25x112xi32, #tpu.memory_space<vmem>> -> memref<1x112xi32, #tpu.memory_space<vmem>>
      %dma_wait3A_327 = tpu.memref_squeeze %dma_wait3A_326 : memref<1x112xi32, #tpu.memory_space<vmem>> -> memref<112xi32, #tpu.memory_space<vmem>>
      %dma_wait3A_328 = arith.constant 0 : i32
      %dma_wait3A_329 = tpu.memref_slice %arg7[%dma_wait3A_328] : memref<5376000xf32, #tpu.memory_space<hbm>> -> memref<5376000xf32, #tpu.memory_space<hbm>>
      tpu.wait_indirect_dma semaphore(%arg19 : memref<!tpu.dma_semaphore, #tpu.memory_space<semaphore_mem>>) src(%dma_wait3A_329 : memref<5376000xf32, #tpu.memory_space<hbm>>) dst(%dma_wait3A_324 : memref<112xf32, #tpu.memory_space<vmem>>)
      %dma_wait3A_330 = arith.constant 3 : i32
      %dma_wait3A_331 = arith.constant 3 : i32
      %dma_wait3A_332 = arith.constant 0 : i32
      %dma_wait3A_333 = tpu.memref_slice %arg16[%dma_wait3A_331, %dma_wait3A_332] : memref<25x112xf32, #tpu.memory_space<vmem>> -> memref<1x112xf32, #tpu.memory_space<vmem>>
      %dma_wait3A_334 = tpu.memref_squeeze %dma_wait3A_333 : memref<1x112xf32, #tpu.memory_space<vmem>> -> memref<112xf32, #tpu.memory_space<vmem>>
      %dma_wait3A_335 = arith.constant 0 : i32
      %dma_wait3A_336 = tpu.memref_slice %arg15[%dma_wait3A_330, %dma_wait3A_335] : memref<25x112xi32, #tpu.memory_space<vmem>> -> memref<1x112xi32, #tpu.memory_space<vmem>>
      %dma_wait3A_337 = tpu.memref_squeeze %dma_wait3A_336 : memref<1x112xi32, #tpu.memory_space<vmem>> -> memref<112xi32, #tpu.memory_space<vmem>>
      %dma_wait3A_338 = arith.constant 0 : i32
      %dma_wait3A_339 = tpu.memref_slice %arg7[%dma_wait3A_338] : memref<5376000xf32, #tpu.memory_space<hbm>> -> memref<5376000xf32, #tpu.memory_space<hbm>>
      tpu.wait_indirect_dma semaphore(%arg19 : memref<!tpu.dma_semaphore, #tpu.memory_space<semaphore_mem>>) src(%dma_wait3A_339 : memref<5376000xf32, #tpu.memory_space<hbm>>) dst(%dma_wait3A_334 : memref<112xf32, #tpu.memory_space<vmem>>)
      %dma_wait3A_340 = arith.constant 4 : i32
      %dma_wait3A_341 = arith.constant 4 : i32
      %dma_wait3A_342 = arith.constant 0 : i32
      %dma_wait3A_343 = tpu.memref_slice %arg16[%dma_wait3A_341, %dma_wait3A_342] : memref<25x112xf32, #tpu.memory_space<vmem>> -> memref<1x112xf32, #tpu.memory_space<vmem>>
      %dma_wait3A_344 = tpu.memref_squeeze %dma_wait3A_343 : memref<1x112xf32, #tpu.memory_space<vmem>> -> memref<112xf32, #tpu.memory_space<vmem>>
      %dma_wait3A_345 = arith.constant 0 : i32
      %dma_wait3A_346 = tpu.memref_slice %arg15[%dma_wait3A_340, %dma_wait3A_345] : memref<25x112xi32, #tpu.memory_space<vmem>> -> memref<1x112xi32, #tpu.memory_space<vmem>>
      %dma_wait3A_347 = tpu.memref_squeeze %dma_wait3A_346 : memref<1x112xi32, #tpu.memory_space<vmem>> -> memref<112xi32, #tpu.memory_space<vmem>>
      %dma_wait3A_348 = arith.constant 0 : i32
      %dma_wait3A_349 = tpu.memref_slice %arg7[%dma_wait3A_348] : memref<5376000xf32, #tpu.memory_space<hbm>> -> memref<5376000xf32, #tpu.memory_space<hbm>>
      tpu.wait_indirect_dma semaphore(%arg19 : memref<!tpu.dma_semaphore, #tpu.memory_space<semaphore_mem>>) src(%dma_wait3A_349 : memref<5376000xf32, #tpu.memory_space<hbm>>) dst(%dma_wait3A_344 : memref<112xf32, #tpu.memory_space<vmem>>)
      %dma_wait3A_350 = arith.constant 5 : i32
      %dma_wait3A_351 = arith.constant 5 : i32
      %dma_wait3A_352 = arith.constant 0 : i32
      %dma_wait3A_353 = tpu.memref_slice %arg16[%dma_wait3A_351, %dma_wait3A_352] : memref<25x112xf32, #tpu.memory_space<vmem>> -> memref<1x112xf32, #tpu.memory_space<vmem>>
      %dma_wait3A_354 = tpu.memref_squeeze %dma_wait3A_353 : memref<1x112xf32, #tpu.memory_space<vmem>> -> memref<112xf32, #tpu.memory_space<vmem>>
      %dma_wait3A_355 = arith.constant 0 : i32
      %dma_wait3A_356 = tpu.memref_slice %arg15[%dma_wait3A_350, %dma_wait3A_355] : memref<25x112xi32, #tpu.memory_space<vmem>> -> memref<1x112xi32, #tpu.memory_space<vmem>>
      %dma_wait3A_357 = tpu.memref_squeeze %dma_wait3A_356 : memref<1x112xi32, #tpu.memory_space<vmem>> -> memref<112xi32, #tpu.memory_space<vmem>>
      %dma_wait3A_358 = arith.constant 0 : i32
      %dma_wait3A_359 = tpu.memref_slice %arg7[%dma_wait3A_358] : memref<5376000xf32, #tpu.memory_space<hbm>> -> memref<5376000xf32, #tpu.memory_space<hbm>>
      tpu.wait_indirect_dma semaphore(%arg19 : memref<!tpu.dma_semaphore, #tpu.memory_space<semaphore_mem>>) src(%dma_wait3A_359 : memref<5376000xf32, #tpu.memory_space<hbm>>) dst(%dma_wait3A_354 : memref<112xf32, #tpu.memory_space<vmem>>)
      %dma_wait3A_360 = arith.constant 6 : i32
      %dma_wait3A_361 = arith.constant 6 : i32
      %dma_wait3A_362 = arith.constant 0 : i32
      %dma_wait3A_363 = tpu.memref_slice %arg16[%dma_wait3A_361, %dma_wait3A_362] : memref<25x112xf32, #tpu.memory_space<vmem>> -> memref<1x112xf32, #tpu.memory_space<vmem>>
      %dma_wait3A_364 = tpu.memref_squeeze %dma_wait3A_363 : memref<1x112xf32, #tpu.memory_space<vmem>> -> memref<112xf32, #tpu.memory_space<vmem>>
      %dma_wait3A_365 = arith.constant 0 : i32
      %dma_wait3A_366 = tpu.memref_slice %arg15[%dma_wait3A_360, %dma_wait3A_365] : memref<25x112xi32, #tpu.memory_space<vmem>> -> memref<1x112xi32, #tpu.memory_space<vmem>>
      %dma_wait3A_367 = tpu.memref_squeeze %dma_wait3A_366 : memref<1x112xi32, #tpu.memory_space<vmem>> -> memref<112xi32, #tpu.memory_space<vmem>>
      %dma_wait3A_368 = arith.constant 0 : i32
      %dma_wait3A_369 = tpu.memref_slice %arg7[%dma_wait3A_368] : memref<5376000xf32, #tpu.memory_space<hbm>> -> memref<5376000xf32, #tpu.memory_space<hbm>>
      tpu.wait_indirect_dma semaphore(%arg19 : memref<!tpu.dma_semaphore, #tpu.memory_space<semaphore_mem>>) src(%dma_wait3A_369 : memref<5376000xf32, #tpu.memory_space<hbm>>) dst(%dma_wait3A_364 : memref<112xf32, #tpu.memory_space<vmem>>)
      %dma_wait3A_370 = arith.constant 7 : i32
      %dma_wait3A_371 = arith.constant 7 : i32
      %dma_wait3A_372 = arith.constant 0 : i32
      %dma_wait3A_373 = tpu.memref_slice %arg16[%dma_wait3A_371, %dma_wait3A_372] : memref<25x112xf32, #tpu.memory_space<vmem>> -> memref<1x112xf32, #tpu.memory_space<vmem>>
      %dma_wait3A_374 = tpu.memref_squeeze %dma_wait3A_373 : memref<1x112xf32, #tpu.memory_space<vmem>> -> memref<112xf32, #tpu.memory_space<vmem>>
      %dma_wait3A_375 = arith.constant 0 : i32
      %dma_wait3A_376 = tpu.memref_slice %arg15[%dma_wait3A_370, %dma_wait3A_375] : memref<25x112xi32, #tpu.memory_space<vmem>> -> memref<1x112xi32, #tpu.memory_space<vmem>>
      %dma_wait3A_377 = tpu.memref_squeeze %dma_wait3A_376 : memref<1x112xi32, #tpu.memory_space<vmem>> -> memref<112xi32, #tpu.memory_space<vmem>>
      %dma_wait3A_378 = arith.constant 0 : i32
      %dma_wait3A_379 = tpu.memref_slice %arg7[%dma_wait3A_378] : memref<5376000xf32, #tpu.memory_space<hbm>> -> memref<5376000xf32, #tpu.memory_space<hbm>>
      tpu.wait_indirect_dma semaphore(%arg19 : memref<!tpu.dma_semaphore, #tpu.memory_space<semaphore_mem>>) src(%dma_wait3A_379 : memref<5376000xf32, #tpu.memory_space<hbm>>) dst(%dma_wait3A_374 : memref<112xf32, #tpu.memory_space<vmem>>)
      %dma_wait3A_380 = arith.constant 8 : i32
      %dma_wait3A_381 = arith.constant 8 : i32
      %dma_wait3A_382 = arith.constant 0 : i32
      %dma_wait3A_383 = tpu.memref_slice %arg16[%dma_wait3A_381, %dma_wait3A_382] : memref<25x112xf32, #tpu.memory_space<vmem>> -> memref<1x112xf32, #tpu.memory_space<vmem>>
      %dma_wait3A_384 = tpu.memref_squeeze %dma_wait3A_383 : memref<1x112xf32, #tpu.memory_space<vmem>> -> memref<112xf32, #tpu.memory_space<vmem>>
      %dma_wait3A_385 = arith.constant 0 : i32
      %dma_wait3A_386 = tpu.memref_slice %arg15[%dma_wait3A_380, %dma_wait3A_385] : memref<25x112xi32, #tpu.memory_space<vmem>> -> memref<1x112xi32, #tpu.memory_space<vmem>>
      %dma_wait3A_387 = tpu.memref_squeeze %dma_wait3A_386 : memref<1x112xi32, #tpu.memory_space<vmem>> -> memref<112xi32, #tpu.memory_space<vmem>>
      %dma_wait3A_388 = arith.constant 0 : i32
      %dma_wait3A_389 = tpu.memref_slice %arg7[%dma_wait3A_388] : memref<5376000xf32, #tpu.memory_space<hbm>> -> memref<5376000xf32, #tpu.memory_space<hbm>>
      tpu.wait_indirect_dma semaphore(%arg19 : memref<!tpu.dma_semaphore, #tpu.memory_space<semaphore_mem>>) src(%dma_wait3A_389 : memref<5376000xf32, #tpu.memory_space<hbm>>) dst(%dma_wait3A_384 : memref<112xf32, #tpu.memory_space<vmem>>)
      %dma_wait3A_390 = arith.constant 9 : i32
      %dma_wait3A_391 = arith.constant 9 : i32
      %dma_wait3A_392 = arith.constant 0 : i32
      %dma_wait3A_393 = tpu.memref_slice %arg16[%dma_wait3A_391, %dma_wait3A_392] : memref<25x112xf32, #tpu.memory_space<vmem>> -> memref<1x112xf32, #tpu.memory_space<vmem>>
      %dma_wait3A_394 = tpu.memref_squeeze %dma_wait3A_393 : memref<1x112xf32, #tpu.memory_space<vmem>> -> memref<112xf32, #tpu.memory_space<vmem>>
      %dma_wait3A_395 = arith.constant 0 : i32
      %dma_wait3A_396 = tpu.memref_slice %arg15[%dma_wait3A_390, %dma_wait3A_395] : memref<25x112xi32, #tpu.memory_space<vmem>> -> memref<1x112xi32, #tpu.memory_space<vmem>>
      %dma_wait3A_397 = tpu.memref_squeeze %dma_wait3A_396 : memref<1x112xi32, #tpu.memory_space<vmem>> -> memref<112xi32, #tpu.memory_space<vmem>>
      %dma_wait3A_398 = arith.constant 0 : i32
      %dma_wait3A_399 = tpu.memref_slice %arg7[%dma_wait3A_398] : memref<5376000xf32, #tpu.memory_space<hbm>> -> memref<5376000xf32, #tpu.memory_space<hbm>>
      tpu.wait_indirect_dma semaphore(%arg19 : memref<!tpu.dma_semaphore, #tpu.memory_space<semaphore_mem>>) src(%dma_wait3A_399 : memref<5376000xf32, #tpu.memory_space<hbm>>) dst(%dma_wait3A_394 : memref<112xf32, #tpu.memory_space<vmem>>)
      %dma_wait3A_400 = arith.constant 10 : i32
      %dma_wait3A_401 = arith.constant 10 : i32
      %dma_wait3A_402 = arith.constant 0 : i32
      %dma_wait3A_403 = tpu.memref_slice %arg16[%dma_wait3A_401, %dma_wait3A_402] : memref<25x112xf32, #tpu.memory_space<vmem>> -> memref<1x112xf32, #tpu.memory_space<vmem>>
      %dma_wait3A_404 = tpu.memref_squeeze %dma_wait3A_403 : memref<1x112xf32, #tpu.memory_space<vmem>> -> memref<112xf32, #tpu.memory_space<vmem>>
      %dma_wait3A_405 = arith.constant 0 : i32
      %dma_wait3A_406 = tpu.memref_slice %arg15[%dma_wait3A_400, %dma_wait3A_405] : memref<25x112xi32, #tpu.memory_space<vmem>> -> memref<1x112xi32, #tpu.memory_space<vmem>>
      %dma_wait3A_407 = tpu.memref_squeeze %dma_wait3A_406 : memref<1x112xi32, #tpu.memory_space<vmem>> -> memref<112xi32, #tpu.memory_space<vmem>>
      %dma_wait3A_408 = arith.constant 0 : i32
      %dma_wait3A_409 = tpu.memref_slice %arg7[%dma_wait3A_408] : memref<5376000xf32, #tpu.memory_space<hbm>> -> memref<5376000xf32, #tpu.memory_space<hbm>>
      tpu.wait_indirect_dma semaphore(%arg19 : memref<!tpu.dma_semaphore, #tpu.memory_space<semaphore_mem>>) src(%dma_wait3A_409 : memref<5376000xf32, #tpu.memory_space<hbm>>) dst(%dma_wait3A_404 : memref<112xf32, #tpu.memory_space<vmem>>)
      %dma_wait3A_410 = arith.constant 11 : i32
      %dma_wait3A_411 = arith.constant 11 : i32
      %dma_wait3A_412 = arith.constant 0 : i32
      %dma_wait3A_413 = tpu.memref_slice %arg16[%dma_wait3A_411, %dma_wait3A_412] : memref<25x112xf32, #tpu.memory_space<vmem>> -> memref<1x112xf32, #tpu.memory_space<vmem>>
      %dma_wait3A_414 = tpu.memref_squeeze %dma_wait3A_413 : memref<1x112xf32, #tpu.memory_space<vmem>> -> memref<112xf32, #tpu.memory_space<vmem>>
      %dma_wait3A_415 = arith.constant 0 : i32
      %dma_wait3A_416 = tpu.memref_slice %arg15[%dma_wait3A_410, %dma_wait3A_415] : memref<25x112xi32, #tpu.memory_space<vmem>> -> memref<1x112xi32, #tpu.memory_space<vmem>>
      %dma_wait3A_417 = tpu.memref_squeeze %dma_wait3A_416 : memref<1x112xi32, #tpu.memory_space<vmem>> -> memref<112xi32, #tpu.memory_space<vmem>>
      %dma_wait3A_418 = arith.constant 0 : i32
      %dma_wait3A_419 = tpu.memref_slice %arg7[%dma_wait3A_418] : memref<5376000xf32, #tpu.memory_space<hbm>> -> memref<5376000xf32, #tpu.memory_space<hbm>>
      tpu.wait_indirect_dma semaphore(%arg19 : memref<!tpu.dma_semaphore, #tpu.memory_space<semaphore_mem>>) src(%dma_wait3A_419 : memref<5376000xf32, #tpu.memory_space<hbm>>) dst(%dma_wait3A_414 : memref<112xf32, #tpu.memory_space<vmem>>)
      %dma_wait3A_420 = arith.constant 12 : i32
      %dma_wait3A_421 = arith.constant 12 : i32
      %dma_wait3A_422 = arith.constant 0 : i32
      %dma_wait3A_423 = tpu.memref_slice %arg16[%dma_wait3A_421, %dma_wait3A_422] : memref<25x112xf32, #tpu.memory_space<vmem>> -> memref<1x112xf32, #tpu.memory_space<vmem>>
      %dma_wait3A_424 = tpu.memref_squeeze %dma_wait3A_423 : memref<1x112xf32, #tpu.memory_space<vmem>> -> memref<112xf32, #tpu.memory_space<vmem>>
      %dma_wait3A_425 = arith.constant 0 : i32
      %dma_wait3A_426 = tpu.memref_slice %arg15[%dma_wait3A_420, %dma_wait3A_425] : memref<25x112xi32, #tpu.memory_space<vmem>> -> memref<1x112xi32, #tpu.memory_space<vmem>>
      %dma_wait3A_427 = tpu.memref_squeeze %dma_wait3A_426 : memref<1x112xi32, #tpu.memory_space<vmem>> -> memref<112xi32, #tpu.memory_space<vmem>>
      %dma_wait3A_428 = arith.constant 0 : i32
      %dma_wait3A_429 = tpu.memref_slice %arg7[%dma_wait3A_428] : memref<5376000xf32, #tpu.memory_space<hbm>> -> memref<5376000xf32, #tpu.memory_space<hbm>>
      tpu.wait_indirect_dma semaphore(%arg19 : memref<!tpu.dma_semaphore, #tpu.memory_space<semaphore_mem>>) src(%dma_wait3A_429 : memref<5376000xf32, #tpu.memory_space<hbm>>) dst(%dma_wait3A_424 : memref<112xf32, #tpu.memory_space<vmem>>)
      %dma_wait3A_430 = arith.constant 13 : i32
      %dma_wait3A_431 = arith.constant 13 : i32
      %dma_wait3A_432 = arith.constant 0 : i32
      %dma_wait3A_433 = tpu.memref_slice %arg16[%dma_wait3A_431, %dma_wait3A_432] : memref<25x112xf32, #tpu.memory_space<vmem>> -> memref<1x112xf32, #tpu.memory_space<vmem>>
      %dma_wait3A_434 = tpu.memref_squeeze %dma_wait3A_433 : memref<1x112xf32, #tpu.memory_space<vmem>> -> memref<112xf32, #tpu.memory_space<vmem>>
      %dma_wait3A_435 = arith.constant 0 : i32
      %dma_wait3A_436 = tpu.memref_slice %arg15[%dma_wait3A_430, %dma_wait3A_435] : memref<25x112xi32, #tpu.memory_space<vmem>> -> memref<1x112xi32, #tpu.memory_space<vmem>>
      %dma_wait3A_437 = tpu.memref_squeeze %dma_wait3A_436 : memref<1x112xi32, #tpu.memory_space<vmem>> -> memref<112xi32, #tpu.memory_space<vmem>>
      %dma_wait3A_438 = arith.constant 0 : i32
      %dma_wait3A_439 = tpu.memref_slice %arg7[%dma_wait3A_438] : memref<5376000xf32, #tpu.memory_space<hbm>> -> memref<5376000xf32, #tpu.memory_space<hbm>>
      tpu.wait_indirect_dma semaphore(%arg19 : memref<!tpu.dma_semaphore, #tpu.memory_space<semaphore_mem>>) src(%dma_wait3A_439 : memref<5376000xf32, #tpu.memory_space<hbm>>) dst(%dma_wait3A_434 : memref<112xf32, #tpu.memory_space<vmem>>)
      %dma_wait3A_440 = arith.constant 14 : i32
      %dma_wait3A_441 = arith.constant 14 : i32
      %dma_wait3A_442 = arith.constant 0 : i32
      %dma_wait3A_443 = tpu.memref_slice %arg16[%dma_wait3A_441, %dma_wait3A_442] : memref<25x112xf32, #tpu.memory_space<vmem>> -> memref<1x112xf32, #tpu.memory_space<vmem>>
      %dma_wait3A_444 = tpu.memref_squeeze %dma_wait3A_443 : memref<1x112xf32, #tpu.memory_space<vmem>> -> memref<112xf32, #tpu.memory_space<vmem>>
      %dma_wait3A_445 = arith.constant 0 : i32
      %dma_wait3A_446 = tpu.memref_slice %arg15[%dma_wait3A_440, %dma_wait3A_445] : memref<25x112xi32, #tpu.memory_space<vmem>> -> memref<1x112xi32, #tpu.memory_space<vmem>>
      %dma_wait3A_447 = tpu.memref_squeeze %dma_wait3A_446 : memref<1x112xi32, #tpu.memory_space<vmem>> -> memref<112xi32, #tpu.memory_space<vmem>>
      %dma_wait3A_448 = arith.constant 0 : i32
      %dma_wait3A_449 = tpu.memref_slice %arg7[%dma_wait3A_448] : memref<5376000xf32, #tpu.memory_space<hbm>> -> memref<5376000xf32, #tpu.memory_space<hbm>>
      tpu.wait_indirect_dma semaphore(%arg19 : memref<!tpu.dma_semaphore, #tpu.memory_space<semaphore_mem>>) src(%dma_wait3A_449 : memref<5376000xf32, #tpu.memory_space<hbm>>) dst(%dma_wait3A_444 : memref<112xf32, #tpu.memory_space<vmem>>)
      %dma_wait3A_450 = arith.constant 15 : i32
      %dma_wait3A_451 = arith.constant 15 : i32
      %dma_wait3A_452 = arith.constant 0 : i32
      %dma_wait3A_453 = tpu.memref_slice %arg16[%dma_wait3A_451, %dma_wait3A_452] : memref<25x112xf32, #tpu.memory_space<vmem>> -> memref<1x112xf32, #tpu.memory_space<vmem>>
      %dma_wait3A_454 = tpu.memref_squeeze %dma_wait3A_453 : memref<1x112xf32, #tpu.memory_space<vmem>> -> memref<112xf32, #tpu.memory_space<vmem>>
      %dma_wait3A_455 = arith.constant 0 : i32
      %dma_wait3A_456 = tpu.memref_slice %arg15[%dma_wait3A_450, %dma_wait3A_455] : memref<25x112xi32, #tpu.memory_space<vmem>> -> memref<1x112xi32, #tpu.memory_space<vmem>>
      %dma_wait3A_457 = tpu.memref_squeeze %dma_wait3A_456 : memref<1x112xi32, #tpu.memory_space<vmem>> -> memref<112xi32, #tpu.memory_space<vmem>>
      %dma_wait3A_458 = arith.constant 0 : i32
      %dma_wait3A_459 = tpu.memref_slice %arg7[%dma_wait3A_458] : memref<5376000xf32, #tpu.memory_space<hbm>> -> memref<5376000xf32, #tpu.memory_space<hbm>>
      tpu.wait_indirect_dma semaphore(%arg19 : memref<!tpu.dma_semaphore, #tpu.memory_space<semaphore_mem>>) src(%dma_wait3A_459 : memref<5376000xf32, #tpu.memory_space<hbm>>) dst(%dma_wait3A_454 : memref<112xf32, #tpu.memory_space<vmem>>)
      %dma_wait3A_460 = arith.constant 16 : i32
      %dma_wait3A_461 = arith.constant 16 : i32
      %dma_wait3A_462 = arith.constant 0 : i32
      %dma_wait3A_463 = tpu.memref_slice %arg16[%dma_wait3A_461, %dma_wait3A_462] : memref<25x112xf32, #tpu.memory_space<vmem>> -> memref<1x112xf32, #tpu.memory_space<vmem>>
      %dma_wait3A_464 = tpu.memref_squeeze %dma_wait3A_463 : memref<1x112xf32, #tpu.memory_space<vmem>> -> memref<112xf32, #tpu.memory_space<vmem>>
      %dma_wait3A_465 = arith.constant 0 : i32
      %dma_wait3A_466 = tpu.memref_slice %arg15[%dma_wait3A_460, %dma_wait3A_465] : memref<25x112xi32, #tpu.memory_space<vmem>> -> memref<1x112xi32, #tpu.memory_space<vmem>>
      %dma_wait3A_467 = tpu.memref_squeeze %dma_wait3A_466 : memref<1x112xi32, #tpu.memory_space<vmem>> -> memref<112xi32, #tpu.memory_space<vmem>>
      %dma_wait3A_468 = arith.constant 0 : i32
      %dma_wait3A_469 = tpu.memref_slice %arg7[%dma_wait3A_468] : memref<5376000xf32, #tpu.memory_space<hbm>> -> memref<5376000xf32, #tpu.memory_space<hbm>>
      tpu.wait_indirect_dma semaphore(%arg19 : memref<!tpu.dma_semaphore, #tpu.memory_space<semaphore_mem>>) src(%dma_wait3A_469 : memref<5376000xf32, #tpu.memory_space<hbm>>) dst(%dma_wait3A_464 : memref<112xf32, #tpu.memory_space<vmem>>)
      %dma_wait3A_470 = arith.constant 17 : i32
      %dma_wait3A_471 = arith.constant 17 : i32
      %dma_wait3A_472 = arith.constant 0 : i32
      %dma_wait3A_473 = tpu.memref_slice %arg16[%dma_wait3A_471, %dma_wait3A_472] : memref<25x112xf32, #tpu.memory_space<vmem>> -> memref<1x112xf32, #tpu.memory_space<vmem>>
      %dma_wait3A_474 = tpu.memref_squeeze %dma_wait3A_473 : memref<1x112xf32, #tpu.memory_space<vmem>> -> memref<112xf32, #tpu.memory_space<vmem>>
      %dma_wait3A_475 = arith.constant 0 : i32
      %dma_wait3A_476 = tpu.memref_slice %arg15[%dma_wait3A_470, %dma_wait3A_475] : memref<25x112xi32, #tpu.memory_space<vmem>> -> memref<1x112xi32, #tpu.memory_space<vmem>>
      %dma_wait3A_477 = tpu.memref_squeeze %dma_wait3A_476 : memref<1x112xi32, #tpu.memory_space<vmem>> -> memref<112xi32, #tpu.memory_space<vmem>>
      %dma_wait3A_478 = arith.constant 0 : i32
      %dma_wait3A_479 = tpu.memref_slice %arg7[%dma_wait3A_478] : memref<5376000xf32, #tpu.memory_space<hbm>> -> memref<5376000xf32, #tpu.memory_space<hbm>>
      tpu.wait_indirect_dma semaphore(%arg19 : memref<!tpu.dma_semaphore, #tpu.memory_space<semaphore_mem>>) src(%dma_wait3A_479 : memref<5376000xf32, #tpu.memory_space<hbm>>) dst(%dma_wait3A_474 : memref<112xf32, #tpu.memory_space<vmem>>)
      %dma_wait3A_480 = arith.constant 18 : i32
      %dma_wait3A_481 = arith.constant 18 : i32
      %dma_wait3A_482 = arith.constant 0 : i32
      %dma_wait3A_483 = tpu.memref_slice %arg16[%dma_wait3A_481, %dma_wait3A_482] : memref<25x112xf32, #tpu.memory_space<vmem>> -> memref<1x112xf32, #tpu.memory_space<vmem>>
      %dma_wait3A_484 = tpu.memref_squeeze %dma_wait3A_483 : memref<1x112xf32, #tpu.memory_space<vmem>> -> memref<112xf32, #tpu.memory_space<vmem>>
      %dma_wait3A_485 = arith.constant 0 : i32
      %dma_wait3A_486 = tpu.memref_slice %arg15[%dma_wait3A_480, %dma_wait3A_485] : memref<25x112xi32, #tpu.memory_space<vmem>> -> memref<1x112xi32, #tpu.memory_space<vmem>>
      %dma_wait3A_487 = tpu.memref_squeeze %dma_wait3A_486 : memref<1x112xi32, #tpu.memory_space<vmem>> -> memref<112xi32, #tpu.memory_space<vmem>>
      %dma_wait3A_488 = arith.constant 0 : i32
      %dma_wait3A_489 = tpu.memref_slice %arg7[%dma_wait3A_488] : memref<5376000xf32, #tpu.memory_space<hbm>> -> memref<5376000xf32, #tpu.memory_space<hbm>>
      tpu.wait_indirect_dma semaphore(%arg19 : memref<!tpu.dma_semaphore, #tpu.memory_space<semaphore_mem>>) src(%dma_wait3A_489 : memref<5376000xf32, #tpu.memory_space<hbm>>) dst(%dma_wait3A_484 : memref<112xf32, #tpu.memory_space<vmem>>)
      %dma_wait3A_490 = arith.constant 19 : i32
      %dma_wait3A_491 = arith.constant 19 : i32
      %dma_wait3A_492 = arith.constant 0 : i32
      %dma_wait3A_493 = tpu.memref_slice %arg16[%dma_wait3A_491, %dma_wait3A_492] : memref<25x112xf32, #tpu.memory_space<vmem>> -> memref<1x112xf32, #tpu.memory_space<vmem>>
      %dma_wait3A_494 = tpu.memref_squeeze %dma_wait3A_493 : memref<1x112xf32, #tpu.memory_space<vmem>> -> memref<112xf32, #tpu.memory_space<vmem>>
      %dma_wait3A_495 = arith.constant 0 : i32
      %dma_wait3A_496 = tpu.memref_slice %arg15[%dma_wait3A_490, %dma_wait3A_495] : memref<25x112xi32, #tpu.memory_space<vmem>> -> memref<1x112xi32, #tpu.memory_space<vmem>>
      %dma_wait3A_497 = tpu.memref_squeeze %dma_wait3A_496 : memref<1x112xi32, #tpu.memory_space<vmem>> -> memref<112xi32, #tpu.memory_space<vmem>>
      %dma_wait3A_498 = arith.constant 0 : i32
      %dma_wait3A_499 = tpu.memref_slice %arg7[%dma_wait3A_498] : memref<5376000xf32, #tpu.memory_space<hbm>> -> memref<5376000xf32, #tpu.memory_space<hbm>>
      tpu.wait_indirect_dma semaphore(%arg19 : memref<!tpu.dma_semaphore, #tpu.memory_space<semaphore_mem>>) src(%dma_wait3A_499 : memref<5376000xf32, #tpu.memory_space<hbm>>) dst(%dma_wait3A_494 : memref<112xf32, #tpu.memory_space<vmem>>)
      %dma_wait3A_500 = arith.constant 20 : i32
      %dma_wait3A_501 = arith.constant 20 : i32
      %dma_wait3A_502 = arith.constant 0 : i32
      %dma_wait3A_503 = tpu.memref_slice %arg16[%dma_wait3A_501, %dma_wait3A_502] : memref<25x112xf32, #tpu.memory_space<vmem>> -> memref<1x112xf32, #tpu.memory_space<vmem>>
      %dma_wait3A_504 = tpu.memref_squeeze %dma_wait3A_503 : memref<1x112xf32, #tpu.memory_space<vmem>> -> memref<112xf32, #tpu.memory_space<vmem>>
      %dma_wait3A_505 = arith.constant 0 : i32
      %dma_wait3A_506 = tpu.memref_slice %arg15[%dma_wait3A_500, %dma_wait3A_505] : memref<25x112xi32, #tpu.memory_space<vmem>> -> memref<1x112xi32, #tpu.memory_space<vmem>>
      %dma_wait3A_507 = tpu.memref_squeeze %dma_wait3A_506 : memref<1x112xi32, #tpu.memory_space<vmem>> -> memref<112xi32, #tpu.memory_space<vmem>>
      %dma_wait3A_508 = arith.constant 0 : i32
      %dma_wait3A_509 = tpu.memref_slice %arg7[%dma_wait3A_508] : memref<5376000xf32, #tpu.memory_space<hbm>> -> memref<5376000xf32, #tpu.memory_space<hbm>>
      tpu.wait_indirect_dma semaphore(%arg19 : memref<!tpu.dma_semaphore, #tpu.memory_space<semaphore_mem>>) src(%dma_wait3A_509 : memref<5376000xf32, #tpu.memory_space<hbm>>) dst(%dma_wait3A_504 : memref<112xf32, #tpu.memory_space<vmem>>)
      %dma_wait3A_510 = arith.constant 21 : i32
      %dma_wait3A_511 = arith.constant 21 : i32
      %dma_wait3A_512 = arith.constant 0 : i32
      %dma_wait3A_513 = tpu.memref_slice %arg16[%dma_wait3A_511, %dma_wait3A_512] : memref<25x112xf32, #tpu.memory_space<vmem>> -> memref<1x112xf32, #tpu.memory_space<vmem>>
      %dma_wait3A_514 = tpu.memref_squeeze %dma_wait3A_513 : memref<1x112xf32, #tpu.memory_space<vmem>> -> memref<112xf32, #tpu.memory_space<vmem>>
      %dma_wait3A_515 = arith.constant 0 : i32
      %dma_wait3A_516 = tpu.memref_slice %arg15[%dma_wait3A_510, %dma_wait3A_515] : memref<25x112xi32, #tpu.memory_space<vmem>> -> memref<1x112xi32, #tpu.memory_space<vmem>>
      %dma_wait3A_517 = tpu.memref_squeeze %dma_wait3A_516 : memref<1x112xi32, #tpu.memory_space<vmem>> -> memref<112xi32, #tpu.memory_space<vmem>>
      %dma_wait3A_518 = arith.constant 0 : i32
      %dma_wait3A_519 = tpu.memref_slice %arg7[%dma_wait3A_518] : memref<5376000xf32, #tpu.memory_space<hbm>> -> memref<5376000xf32, #tpu.memory_space<hbm>>
      tpu.wait_indirect_dma semaphore(%arg19 : memref<!tpu.dma_semaphore, #tpu.memory_space<semaphore_mem>>) src(%dma_wait3A_519 : memref<5376000xf32, #tpu.memory_space<hbm>>) dst(%dma_wait3A_514 : memref<112xf32, #tpu.memory_space<vmem>>)
      %dma_wait3A_520 = arith.constant 22 : i32
      %dma_wait3A_521 = arith.constant 22 : i32
      %dma_wait3A_522 = arith.constant 0 : i32
      %dma_wait3A_523 = tpu.memref_slice %arg16[%dma_wait3A_521, %dma_wait3A_522] : memref<25x112xf32, #tpu.memory_space<vmem>> -> memref<1x112xf32, #tpu.memory_space<vmem>>
      %dma_wait3A_524 = tpu.memref_squeeze %dma_wait3A_523 : memref<1x112xf32, #tpu.memory_space<vmem>> -> memref<112xf32, #tpu.memory_space<vmem>>
      %dma_wait3A_525 = arith.constant 0 : i32
      %dma_wait3A_526 = tpu.memref_slice %arg15[%dma_wait3A_520, %dma_wait3A_525] : memref<25x112xi32, #tpu.memory_space<vmem>> -> memref<1x112xi32, #tpu.memory_space<vmem>>
      %dma_wait3A_527 = tpu.memref_squeeze %dma_wait3A_526 : memref<1x112xi32, #tpu.memory_space<vmem>> -> memref<112xi32, #tpu.memory_space<vmem>>
      %dma_wait3A_528 = arith.constant 0 : i32
      %dma_wait3A_529 = tpu.memref_slice %arg7[%dma_wait3A_528] : memref<5376000xf32, #tpu.memory_space<hbm>> -> memref<5376000xf32, #tpu.memory_space<hbm>>
      tpu.wait_indirect_dma semaphore(%arg19 : memref<!tpu.dma_semaphore, #tpu.memory_space<semaphore_mem>>) src(%dma_wait3A_529 : memref<5376000xf32, #tpu.memory_space<hbm>>) dst(%dma_wait3A_524 : memref<112xf32, #tpu.memory_space<vmem>>)
      %dma_wait3A_530 = arith.constant 23 : i32
      %dma_wait3A_531 = arith.constant 23 : i32
      %dma_wait3A_532 = arith.constant 0 : i32
      %dma_wait3A_533 = tpu.memref_slice %arg16[%dma_wait3A_531, %dma_wait3A_532] : memref<25x112xf32, #tpu.memory_space<vmem>> -> memref<1x112xf32, #tpu.memory_space<vmem>>
      %dma_wait3A_534 = tpu.memref_squeeze %dma_wait3A_533 : memref<1x112xf32, #tpu.memory_space<vmem>> -> memref<112xf32, #tpu.memory_space<vmem>>
      %dma_wait3A_535 = arith.constant 0 : i32
      %dma_wait3A_536 = tpu.memref_slice %arg15[%dma_wait3A_530, %dma_wait3A_535] : memref<25x112xi32, #tpu.memory_space<vmem>> -> memref<1x112xi32, #tpu.memory_space<vmem>>
      %dma_wait3A_537 = tpu.memref_squeeze %dma_wait3A_536 : memref<1x112xi32, #tpu.memory_space<vmem>> -> memref<112xi32, #tpu.memory_space<vmem>>
      %dma_wait3A_538 = arith.constant 0 : i32
      %dma_wait3A_539 = tpu.memref_slice %arg7[%dma_wait3A_538] : memref<5376000xf32, #tpu.memory_space<hbm>> -> memref<5376000xf32, #tpu.memory_space<hbm>>
      tpu.wait_indirect_dma semaphore(%arg19 : memref<!tpu.dma_semaphore, #tpu.memory_space<semaphore_mem>>) src(%dma_wait3A_539 : memref<5376000xf32, #tpu.memory_space<hbm>>) dst(%dma_wait3A_534 : memref<112xf32, #tpu.memory_space<vmem>>)
      %dma_wait3A_540 = arith.constant 24 : i32
      %dma_wait3A_541 = arith.constant 24 : i32
      %dma_wait3A_542 = arith.constant 0 : i32
      %dma_wait3A_543 = tpu.memref_slice %arg16[%dma_wait3A_541, %dma_wait3A_542] : memref<25x112xf32, #tpu.memory_space<vmem>> -> memref<1x112xf32, #tpu.memory_space<vmem>>
      %dma_wait3A_544 = tpu.memref_squeeze %dma_wait3A_543 : memref<1x112xf32, #tpu.memory_space<vmem>> -> memref<112xf32, #tpu.memory_space<vmem>>
      %dma_wait3A_545 = arith.constant 0 : i32
      %dma_wait3A_546 = tpu.memref_slice %arg15[%dma_wait3A_540, %dma_wait3A_545] : memref<25x112xi32, #tpu.memory_space<vmem>> -> memref<1x112xi32, #tpu.memory_space<vmem>>
      %dma_wait3A_547 = tpu.memref_squeeze %dma_wait3A_546 : memref<1x112xi32, #tpu.memory_space<vmem>> -> memref<112xi32, #tpu.memory_space<vmem>>
      %dma_wait3A_548 = arith.constant 0 : i32
      %dma_wait3A_549 = tpu.memref_slice %arg7[%dma_wait3A_548] : memref<5376000xf32, #tpu.memory_space<hbm>> -> memref<5376000xf32, #tpu.memory_space<hbm>>
      tpu.wait_indirect_dma semaphore(%arg19 : memref<!tpu.dma_semaphore, #tpu.memory_space<semaphore_mem>>) src(%dma_wait3A_549 : memref<5376000xf32, #tpu.memory_space<hbm>>) dst(%dma_wait3A_544 : memref<112xf32, #tpu.memory_space<vmem>>)
      %scan3A_550 = arith.constant 0 : i32
      %scan3A_551 = arith.constant 0 : i32
      %scan3A_552 = arith.constant 175 : i32
      %scan3A_553 = arith.addi %scan3A_551, %scan3A_552 : i32
      %scan3A_554 = arith.constant 5 : i32
      scf.for %scan3A_556 = %scan3A_551 to %scan3A_553 step %scan3A_554  : i32 {
        %mul3A_557 = arith.constant 16 : i32
        %mul3A_558 = arith.muli %scan3A_556, %mul3A_557 : i32
        %get3A = arith.index_cast %mul3A_558 : i32 to index
        %get3A_559 = tpu.vector_load %arg13[%get3A] {strides = array<i32>} : memref<2800xi32, #tpu.memory_space<vmem>>, vector<16xi32>,
        %get3A_560 = arith.index_cast %mul3A_558 : i32 to index
        %get3A_561 = tpu.vector_load %arg10[%get3A_560] {strides = array<i32>} : memref<2800xf32, #tpu.memory_space<vmem>>, vector<16xf32>,
        %get3A_562 = arith.index_cast %mul3A_558 : i32 to index
        %get3A_563 = tpu.vector_load %arg11[%get3A_562] {strides = array<i32>} : memref<2800xf32, #tpu.memory_space<vmem>>, vector<16xf32>,
        %get3A_564 = arith.index_cast %mul3A_558 : i32 to index
        %get3A_565 = tpu.vector_load %arg12[%get3A_564] {strides = array<i32>} : memref<2800xf32, #tpu.memory_space<vmem>>, vector<16xf32>,
        %jit3A_566 = arith.constant 7 : i32
        %div3A_567 = arith.divsi %scan3A_556, %jit3A_566 : i32
        %sign3A_568 = arith.constant 0 : i32
        %sign3A_569 = arith.cmpi sgt, %scan3A_556, %sign3A_568 : i32
        %sign3A_570 = arith.extui %sign3A_569 : i1 to i32
        %sign3A_571 = arith.constant 0 : i32
        %sign3A_572 = arith.cmpi slt, %scan3A_556, %sign3A_571 : i32
        %sign3A_573 = arith.extui %sign3A_572 : i1 to i32
        %sign3A_574 = arith.subi %sign3A_570, %sign3A_573 : i32
        %sign3A_575 = arith.constant 0 : i32
        %sign3A_576 = arith.cmpi sgt, %jit3A_566, %sign3A_575 : i32
        %sign3A_577 = arith.extui %sign3A_576 : i1 to i32
        %sign3A_578 = arith.constant 0 : i32
        %sign3A_579 = arith.cmpi slt, %jit3A_566, %sign3A_578 : i32
        %sign3A_580 = arith.extui %sign3A_579 : i1 to i32
        %sign3A_581 = arith.subi %sign3A_577, %sign3A_580 : i32
        %ne3A_582 = arith.cmpi ne, %sign3A_574, %sign3A_581 : i32
        %rem3A_583 = arith.remsi %scan3A_556, %jit3A_566 : i32
        %ne3A_584 = arith.constant 0 : i32
        %ne3A_585 = arith.cmpi ne, %rem3A_583, %ne3A_584 : i32
        %and3A_586 = arith.andi %ne3A_582, %ne3A_585 : i1
        %sub3A_587 = arith.constant 1 : i32
        %sub3A_588 = arith.subi %div3A_567, %sub3A_587 : i32
        %select_n3A_589 = arith.select %and3A_586, %sub3A_588, %div3A_567 : i32
        %jit3A_590 = arith.constant 7 : i32
        %eq3A_591 = arith.constant 0 : i32
        %eq3A_592 = arith.cmpi eq, %jit3A_590, %eq3A_591 : i32
        %jit3A_593 = arith.constant 1 : i32
        %select_n3A_594 = arith.select %eq3A_592, %jit3A_593, %jit3A_590 : i32
        %rem3A_595 = arith.remsi %scan3A_556, %select_n3A_594 : i32
        %ne3A_596 = arith.constant 0 : i32
        %ne3A_597 = arith.cmpi ne, %rem3A_595, %ne3A_596 : i32
        %lt3A_598 = arith.constant 0 : i32
        %lt3A_599 = arith.cmpi slt, %rem3A_595, %lt3A_598 : i32
        %lt3A_600 = arith.constant 0 : i32
        %lt3A_601 = arith.cmpi slt, %select_n3A_594, %lt3A_600 : i32
        %ne3A_602 = arith.xori %lt3A_599, %lt3A_601 : i1
        %and3A_603 = arith.andi %ne3A_602, %ne3A_597 : i1
        %add3A_604 = arith.addi %rem3A_595, %select_n3A_594 : i32
        %select_n3A_605 = arith.select %and3A_603, %add3A_604, %rem3A_595 : i32
        %mul3A_606 = arith.constant 16 : i32
        %mul3A_607 = arith.muli %select_n3A_605, %mul3A_606 : i32
        %get3A_608 = arith.index_cast %select_n3A_589 : i32 to index
        %get3A_609 = arith.index_cast %mul3A_607 : i32 to index
        %get3A_610 = tpu.vector_load %arg16[%get3A_608, %get3A_609] {strides = array<i32>} : memref<25x112xf32, #tpu.memory_space<vmem>>, vector<16xf32>,
        %neg3A = arith.constant 0.000000e+00 : f32
        %neg3A_611 = vector.broadcast %neg3A : f32 to vector<16xf32>
        %neg3A_612 = arith.subf %neg3A_611, %get3A_610 : vector<16xf32>
        %exp3A = math.exp %neg3A_612 : vector<16xf32>
        %add3A_613 = arith.constant 1.000000e+00 : f32
        %add3A_614 = vector.broadcast %add3A_613 : f32 to vector<16xf32>
        %add3A_615 = arith.addf %add3A_614, %exp3A : vector<16xf32>
        %div3A_616 = arith.constant 1.000000e+00 : f32
        %div3A_617 = vector.broadcast %div3A_616 : f32 to vector<16xf32>
        %div3A_618 = arith.divf %div3A_617, %add3A_615 : vector<16xf32>
        %neg3A_619 = arith.constant 0.000000e+00 : f32
        %neg3A_620 = vector.broadcast %neg3A_619 : f32 to vector<16xf32>
        %neg3A_621 = arith.subf %neg3A_620, %get3A_565 : vector<16xf32>
        %exp3A_622 = math.exp %neg3A_621 : vector<16xf32>
        %add3A_623 = arith.constant 1.000000e+00 : f32
        %add3A_624 = vector.broadcast %add3A_623 : f32 to vector<16xf32>
        %add3A_625 = arith.addf %add3A_624, %exp3A_622 : vector<16xf32>
        %div3A_626 = arith.constant 1.000000e+00 : f32
        %div3A_627 = vector.broadcast %div3A_626 : f32 to vector<16xf32>
        %div3A_628 = arith.divf %div3A_627, %add3A_625 : vector<16xf32>
        %exp3A_629 = math.exp %div3A_618 : vector<16xf32>
        %exp3A_630 = math.exp %div3A_628 : vector<16xf32>
        %exp3A_631 = math.exp %get3A_561 : vector<16xf32>
        %exp3A_632 = math.exp %get3A_563 : vector<16xf32>
        %sub3A_633 = arith.subf %div3A_628, %div3A_618 : vector<16xf32>
        %mul3A_634 = arith.mulf %exp3A_630, %sub3A_633 : vector<16xf32>
        %sub3A_635 = arith.subf %get3A_563, %get3A_561 : vector<16xf32>
        %mul3A_636 = arith.mulf %exp3A_632, %sub3A_635 : vector<16xf32>
        %gt3A = arith.constant 0 : i32
        %gt3A_637 = vector.broadcast %gt3A : i32 to vector<16xi32>
        %gt3A_638 = arith.cmpi sgt, %get3A_559, %gt3A_637 : vector<16xi32>
        %jit3A_639 = arith.constant 20 : i32
        %broadcast_in_dim3A_640 = vector.broadcast %jit3A_639 : i32 to vector<16xi32>
        %select_n3A_641 = arith.select %gt3A_638, %get3A_559, %broadcast_in_dim3A_640 : vector<16xi1>, vector<16xi32>
        %mul3A_642 = arith.constant 16 : i32
        %mul3A_643 = vector.broadcast %mul3A_642 : i32 to vector<16xi32>
        %mul3A_644 = arith.muli %select_n3A_641, %mul3A_643 : vector<16xi32>
        %add3A_645 = arith.addi %mul3A_644, %iota3A : vector<16xi32>
        tpu.vector_store_idx %arg17[%add3A_645], %exp3A_629 {add = true} : memref<2016xf32, #tpu.memory_space<vmem>>[vector<16xi32>], vector<16xf32>,
        %add3A_646 = arith.constant 336 : i32
        %add3A_647 = vector.broadcast %add3A_646 : i32 to vector<16xi32>
        %add3A_648 = arith.addi %add3A_645, %add3A_647 : vector<16xi32>
        tpu.vector_store_idx %arg17[%add3A_648], %exp3A_630 {add = true} : memref<2016xf32, #tpu.memory_space<vmem>>[vector<16xi32>], vector<16xf32>,
        %add3A_649 = arith.constant 672 : i32
        %add3A_650 = vector.broadcast %add3A_649 : i32 to vector<16xi32>
        %add3A_651 = arith.addi %add3A_645, %add3A_650 : vector<16xi32>
        tpu.vector_store_idx %arg17[%add3A_651], %mul3A_634 {add = true} : memref<2016xf32, #tpu.memory_space<vmem>>[vector<16xi32>], vector<16xf32>,
        %add3A_652 = arith.constant 1008 : i32
        %add3A_653 = vector.broadcast %add3A_652 : i32 to vector<16xi32>
        %add3A_654 = arith.addi %add3A_645, %add3A_653 : vector<16xi32>
        tpu.vector_store_idx %arg17[%add3A_654], %exp3A_631 {add = true} : memref<2016xf32, #tpu.memory_space<vmem>>[vector<16xi32>], vector<16xf32>,
        %add3A_655 = arith.constant 1344 : i32
        %add3A_656 = vector.broadcast %add3A_655 : i32 to vector<16xi32>
        %add3A_657 = arith.addi %add3A_645, %add3A_656 : vector<16xi32>
        tpu.vector_store_idx %arg17[%add3A_657], %exp3A_632 {add = true} : memref<2016xf32, #tpu.memory_space<vmem>>[vector<16xi32>], vector<16xf32>,
        %add3A_658 = arith.constant 1680 : i32
        %add3A_659 = vector.broadcast %add3A_658 : i32 to vector<16xi32>
        %add3A_660 = arith.addi %add3A_645, %add3A_659 : vector<16xi32>
        tpu.vector_store_idx %arg17[%add3A_660], %mul3A_636 {add = true} : memref<2016xf32, #tpu.memory_space<vmem>>[vector<16xi32>], vector<16xf32>,
        %get3A_661 = arith.constant 0 : index
        %get3A_662 = tpu.vector_load %arg18[%get3A_661] {strides = array<i32>} : memref<16xi32, #tpu.memory_space<vmem>>, vector<16xi32>,
        %max3A = arith.maxsi %get3A_662, %get3A_559 : vector<16xi32>
        %swap3A_663 = arith.constant 0 : index
        %swap3A_664 = tpu.vector_load %arg18[%swap3A_663] {strides = array<i32>} : memref<16xi32, #tpu.memory_space<vmem>>, vector<16xi32>,
        tpu.vector_store %arg18[%swap3A_663], %max3A {strides = array<i32>} : memref<16xi32, #tpu.memory_space<vmem>>, vector<16xi32>,
        %scan3A_665 = arith.constant 1 : i32
        %scan3A_666 = arith.addi %scan3A_556, %scan3A_665 : i32
        %mul3A_667 = arith.constant 16 : i32
        %mul3A_668 = arith.muli %scan3A_666, %mul3A_667 : i32
        %get3A_669 = arith.index_cast %mul3A_668 : i32 to index
        %get3A_670 = tpu.vector_load %arg13[%get3A_669] {strides = array<i32>} : memref<2800xi32, #tpu.memory_space<vmem>>, vector<16xi32>,
        %get3A_671 = arith.index_cast %mul3A_668 : i32 to index
        %get3A_672 = tpu.vector_load %arg10[%get3A_671] {strides = array<i32>} : memref<2800xf32, #tpu.memory_space<vmem>>, vector<16xf32>,
        %get3A_673 = arith.index_cast %mul3A_668 : i32 to index
        %get3A_674 = tpu.vector_load %arg11[%get3A_673] {strides = array<i32>} : memref<2800xf32, #tpu.memory_space<vmem>>, vector<16xf32>,
        %get3A_675 = arith.index_cast %mul3A_668 : i32 to index
        %get3A_676 = tpu.vector_load %arg12[%get3A_675] {strides = array<i32>} : memref<2800xf32, #tpu.memory_space<vmem>>, vector<16xf32>,
        %jit3A_677 = arith.constant 7 : i32
        %div3A_678 = arith.divsi %scan3A_666, %jit3A_677 : i32
        %sign3A_679 = arith.constant 0 : i32
        %sign3A_680 = arith.cmpi sgt, %scan3A_666, %sign3A_679 : i32
        %sign3A_681 = arith.extui %sign3A_680 : i1 to i32
        %sign3A_682 = arith.constant 0 : i32
        %sign3A_683 = arith.cmpi slt, %scan3A_666, %sign3A_682 : i32
        %sign3A_684 = arith.extui %sign3A_683 : i1 to i32
        %sign3A_685 = arith.subi %sign3A_681, %sign3A_684 : i32
        %sign3A_686 = arith.constant 0 : i32
        %sign3A_687 = arith.cmpi sgt, %jit3A_677, %sign3A_686 : i32
        %sign3A_688 = arith.extui %sign3A_687 : i1 to i32
        %sign3A_689 = arith.constant 0 : i32
        %sign3A_690 = arith.cmpi slt, %jit3A_677, %sign3A_689 : i32
        %sign3A_691 = arith.extui %sign3A_690 : i1 to i32
        %sign3A_692 = arith.subi %sign3A_688, %sign3A_691 : i32
        %ne3A_693 = arith.cmpi ne, %sign3A_685, %sign3A_692 : i32
        %rem3A_694 = arith.remsi %scan3A_666, %jit3A_677 : i32
        %ne3A_695 = arith.constant 0 : i32
        %ne3A_696 = arith.cmpi ne, %rem3A_694, %ne3A_695 : i32
        %and3A_697 = arith.andi %ne3A_693, %ne3A_696 : i1
        %sub3A_698 = arith.constant 1 : i32
        %sub3A_699 = arith.subi %div3A_678, %sub3A_698 : i32
        %select_n3A_700 = arith.select %and3A_697, %sub3A_699, %div3A_678 : i32
        %jit3A_701 = arith.constant 7 : i32
        %eq3A_702 = arith.constant 0 : i32
        %eq3A_703 = arith.cmpi eq, %jit3A_701, %eq3A_702 : i32
        %jit3A_704 = arith.constant 1 : i32
        %select_n3A_705 = arith.select %eq3A_703, %jit3A_704, %jit3A_701 : i32
        %rem3A_706 = arith.remsi %scan3A_666, %select_n3A_705 : i32
        %ne3A_707 = arith.constant 0 : i32
        %ne3A_708 = arith.cmpi ne, %rem3A_706, %ne3A_707 : i32
        %lt3A_709 = arith.constant 0 : i32
        %lt3A_710 = arith.cmpi slt, %rem3A_706, %lt3A_709 : i32
        %lt3A_711 = arith.constant 0 : i32
        %lt3A_712 = arith.cmpi slt, %select_n3A_705, %lt3A_711 : i32
        %ne3A_713 = arith.xori %lt3A_710, %lt3A_712 : i1
        %and3A_714 = arith.andi %ne3A_713, %ne3A_708 : i1
        %add3A_715 = arith.addi %rem3A_706, %select_n3A_705 : i32
        %select_n3A_716 = arith.select %and3A_714, %add3A_715, %rem3A_706 : i32
        %mul3A_717 = arith.constant 16 : i32
        %mul3A_718 = arith.muli %select_n3A_716, %mul3A_717 : i32
        %get3A_719 = arith.index_cast %select_n3A_700 : i32 to index
        %get3A_720 = arith.index_cast %mul3A_718 : i32 to index
        %get3A_721 = tpu.vector_load %arg16[%get3A_719, %get3A_720] {strides = array<i32>} : memref<25x112xf32, #tpu.memory_space<vmem>>, vector<16xf32>,
        %neg3A_722 = arith.constant 0.000000e+00 : f32
        %neg3A_723 = vector.broadcast %neg3A_722 : f32 to vector<16xf32>
        %neg3A_724 = arith.subf %neg3A_723, %get3A_721 : vector<16xf32>
        %exp3A_725 = math.exp %neg3A_724 : vector<16xf32>
        %add3A_726 = arith.constant 1.000000e+00 : f32
        %add3A_727 = vector.broadcast %add3A_726 : f32 to vector<16xf32>
        %add3A_728 = arith.addf %add3A_727, %exp3A_725 : vector<16xf32>
        %div3A_729 = arith.constant 1.000000e+00 : f32
        %div3A_730 = vector.broadcast %div3A_729 : f32 to vector<16xf32>
        %div3A_731 = arith.divf %div3A_730, %add3A_728 : vector<16xf32>
        %neg3A_732 = arith.constant 0.000000e+00 : f32
        %neg3A_733 = vector.broadcast %neg3A_732 : f32 to vector<16xf32>
        %neg3A_734 = arith.subf %neg3A_733, %get3A_676 : vector<16xf32>
        %exp3A_735 = math.exp %neg3A_734 : vector<16xf32>
        %add3A_736 = arith.constant 1.000000e+00 : f32
        %add3A_737 = vector.broadcast %add3A_736 : f32 to vector<16xf32>
        %add3A_738 = arith.addf %add3A_737, %exp3A_735 : vector<16xf32>
        %div3A_739 = arith.constant 1.000000e+00 : f32
        %div3A_740 = vector.broadcast %div3A_739 : f32 to vector<16xf32>
        %div3A_741 = arith.divf %div3A_740, %add3A_738 : vector<16xf32>
        %exp3A_742 = math.exp %div3A_731 : vector<16xf32>
        %exp3A_743 = math.exp %div3A_741 : vector<16xf32>
        %exp3A_744 = math.exp %get3A_672 : vector<16xf32>
        %exp3A_745 = math.exp %get3A_674 : vector<16xf32>
        %sub3A_746 = arith.subf %div3A_741, %div3A_731 : vector<16xf32>
        %mul3A_747 = arith.mulf %exp3A_743, %sub3A_746 : vector<16xf32>
        %sub3A_748 = arith.subf %get3A_674, %get3A_672 : vector<16xf32>
        %mul3A_749 = arith.mulf %exp3A_745, %sub3A_748 : vector<16xf32>
        %gt3A_750 = arith.constant 0 : i32
        %gt3A_751 = vector.broadcast %gt3A_750 : i32 to vector<16xi32>
        %gt3A_752 = arith.cmpi sgt, %get3A_670, %gt3A_751 : vector<16xi32>
        %jit3A_753 = arith.constant 20 : i32
        %broadcast_in_dim3A_754 = vector.broadcast %jit3A_753 : i32 to vector<16xi32>
        %select_n3A_755 = arith.select %gt3A_752, %get3A_670, %broadcast_in_dim3A_754 : vector<16xi1>, vector<16xi32>
        %mul3A_756 = arith.constant 16 : i32
        %mul3A_757 = vector.broadcast %mul3A_756 : i32 to vector<16xi32>
        %mul3A_758 = arith.muli %select_n3A_755, %mul3A_757 : vector<16xi32>
        %add3A_759 = arith.addi %mul3A_758, %iota3A : vector<16xi32>
        tpu.vector_store_idx %arg17[%add3A_759], %exp3A_742 {add = true} : memref<2016xf32, #tpu.memory_space<vmem>>[vector<16xi32>], vector<16xf32>,
        %add3A_760 = arith.constant 336 : i32
        %add3A_761 = vector.broadcast %add3A_760 : i32 to vector<16xi32>
        %add3A_762 = arith.addi %add3A_759, %add3A_761 : vector<16xi32>
        tpu.vector_store_idx %arg17[%add3A_762], %exp3A_743 {add = true} : memref<2016xf32, #tpu.memory_space<vmem>>[vector<16xi32>], vector<16xf32>,
        %add3A_763 = arith.constant 672 : i32
        %add3A_764 = vector.broadcast %add3A_763 : i32 to vector<16xi32>
        %add3A_765 = arith.addi %add3A_759, %add3A_764 : vector<16xi32>
        tpu.vector_store_idx %arg17[%add3A_765], %mul3A_747 {add = true} : memref<2016xf32, #tpu.memory_space<vmem>>[vector<16xi32>], vector<16xf32>,
        %add3A_766 = arith.constant 1008 : i32
        %add3A_767 = vector.broadcast %add3A_766 : i32 to vector<16xi32>
        %add3A_768 = arith.addi %add3A_759, %add3A_767 : vector<16xi32>
        tpu.vector_store_idx %arg17[%add3A_768], %exp3A_744 {add = true} : memref<2016xf32, #tpu.memory_space<vmem>>[vector<16xi32>], vector<16xf32>,
        %add3A_769 = arith.constant 1344 : i32
        %add3A_770 = vector.broadcast %add3A_769 : i32 to vector<16xi32>
        %add3A_771 = arith.addi %add3A_759, %add3A_770 : vector<16xi32>
        tpu.vector_store_idx %arg17[%add3A_771], %exp3A_745 {add = true} : memref<2016xf32, #tpu.memory_space<vmem>>[vector<16xi32>], vector<16xf32>,
        %add3A_772 = arith.constant 1680 : i32
        %add3A_773 = vector.broadcast %add3A_772 : i32 to vector<16xi32>
        %add3A_774 = arith.addi %add3A_759, %add3A_773 : vector<16xi32>
        tpu.vector_store_idx %arg17[%add3A_774], %mul3A_749 {add = true} : memref<2016xf32, #tpu.memory_space<vmem>>[vector<16xi32>], vector<16xf32>,
        %get3A_775 = arith.constant 0 : index
        %get3A_776 = tpu.vector_load %arg18[%get3A_775] {strides = array<i32>} : memref<16xi32, #tpu.memory_space<vmem>>, vector<16xi32>,
        %max3A_777 = arith.maxsi %get3A_776, %get3A_670 : vector<16xi32>
        %swap3A_778 = arith.constant 0 : index
        %swap3A_779 = tpu.vector_load %arg18[%swap3A_778] {strides = array<i32>} : memref<16xi32, #tpu.memory_space<vmem>>, vector<16xi32>,
        tpu.vector_store %arg18[%swap3A_778], %max3A_777 {strides = array<i32>} : memref<16xi32, #tpu.memory_space<vmem>>, vector<16xi32>,
        %scan3A_780 = arith.constant 2 : i32
        %scan3A_781 = arith.addi %scan3A_556, %scan3A_780 : i32
        %mul3A_782 = arith.constant 16 : i32
        %mul3A_783 = arith.muli %scan3A_781, %mul3A_782 : i32
        %get3A_784 = arith.index_cast %mul3A_783 : i32 to index
        %get3A_785 = tpu.vector_load %arg13[%get3A_784] {strides = array<i32>} : memref<2800xi32, #tpu.memory_space<vmem>>, vector<16xi32>,
        %get3A_786 = arith.index_cast %mul3A_783 : i32 to index
        %get3A_787 = tpu.vector_load %arg10[%get3A_786] {strides = array<i32>} : memref<2800xf32, #tpu.memory_space<vmem>>, vector<16xf32>,
        %get3A_788 = arith.index_cast %mul3A_783 : i32 to index
        %get3A_789 = tpu.vector_load %arg11[%get3A_788] {strides = array<i32>} : memref<2800xf32, #tpu.memory_space<vmem>>, vector<16xf32>,
        %get3A_790 = arith.index_cast %mul3A_783 : i32 to index
        %get3A_791 = tpu.vector_load %arg12[%get3A_790] {strides = array<i32>} : memref<2800xf32, #tpu.memory_space<vmem>>, vector<16xf32>,
        %jit3A_792 = arith.constant 7 : i32
        %div3A_793 = arith.divsi %scan3A_781, %jit3A_792 : i32
        %sign3A_794 = arith.constant 0 : i32
        %sign3A_795 = arith.cmpi sgt, %scan3A_781, %sign3A_794 : i32
        %sign3A_796 = arith.extui %sign3A_795 : i1 to i32
        %sign3A_797 = arith.constant 0 : i32
        %sign3A_798 = arith.cmpi slt, %scan3A_781, %sign3A_797 : i32
        %sign3A_799 = arith.extui %sign3A_798 : i1 to i32
        %sign3A_800 = arith.subi %sign3A_796, %sign3A_799 : i32
        %sign3A_801 = arith.constant 0 : i32
        %sign3A_802 = arith.cmpi sgt, %jit3A_792, %sign3A_801 : i32
        %sign3A_803 = arith.extui %sign3A_802 : i1 to i32
        %sign3A_804 = arith.constant 0 : i32
        %sign3A_805 = arith.cmpi slt, %jit3A_792, %sign3A_804 : i32
        %sign3A_806 = arith.extui %sign3A_805 : i1 to i32
        %sign3A_807 = arith.subi %sign3A_803, %sign3A_806 : i32
        %ne3A_808 = arith.cmpi ne, %sign3A_800, %sign3A_807 : i32
        %rem3A_809 = arith.remsi %scan3A_781, %jit3A_792 : i32
        %ne3A_810 = arith.constant 0 : i32
        %ne3A_811 = arith.cmpi ne, %rem3A_809, %ne3A_810 : i32
        %and3A_812 = arith.andi %ne3A_808, %ne3A_811 : i1
        %sub3A_813 = arith.constant 1 : i32
        %sub3A_814 = arith.subi %div3A_793, %sub3A_813 : i32
        %select_n3A_815 = arith.select %and3A_812, %sub3A_814, %div3A_793 : i32
        %jit3A_816 = arith.constant 7 : i32
        %eq3A_817 = arith.constant 0 : i32
        %eq3A_818 = arith.cmpi eq, %jit3A_816, %eq3A_817 : i32
        %jit3A_819 = arith.constant 1 : i32
        %select_n3A_820 = arith.select %eq3A_818, %jit3A_819, %jit3A_816 : i32
        %rem3A_821 = arith.remsi %scan3A_781, %select_n3A_820 : i32
        %ne3A_822 = arith.constant 0 : i32
        %ne3A_823 = arith.cmpi ne, %rem3A_821, %ne3A_822 : i32
        %lt3A_824 = arith.constant 0 : i32
        %lt3A_825 = arith.cmpi slt, %rem3A_821, %lt3A_824 : i32
        %lt3A_826 = arith.constant 0 : i32
        %lt3A_827 = arith.cmpi slt, %select_n3A_820, %lt3A_826 : i32
        %ne3A_828 = arith.xori %lt3A_825, %lt3A_827 : i1
        %and3A_829 = arith.andi %ne3A_828, %ne3A_823 : i1
        %add3A_830 = arith.addi %rem3A_821, %select_n3A_820 : i32
        %select_n3A_831 = arith.select %and3A_829, %add3A_830, %rem3A_821 : i32
        %mul3A_832 = arith.constant 16 : i32
        %mul3A_833 = arith.muli %select_n3A_831, %mul3A_832 : i32
        %get3A_834 = arith.index_cast %select_n3A_815 : i32 to index
        %get3A_835 = arith.index_cast %mul3A_833 : i32 to index
        %get3A_836 = tpu.vector_load %arg16[%get3A_834, %get3A_835] {strides = array<i32>} : memref<25x112xf32, #tpu.memory_space<vmem>>, vector<16xf32>,
        %neg3A_837 = arith.constant 0.000000e+00 : f32
        %neg3A_838 = vector.broadcast %neg3A_837 : f32 to vector<16xf32>
        %neg3A_839 = arith.subf %neg3A_838, %get3A_836 : vector<16xf32>
        %exp3A_840 = math.exp %neg3A_839 : vector<16xf32>
        %add3A_841 = arith.constant 1.000000e+00 : f32
        %add3A_842 = vector.broadcast %add3A_841 : f32 to vector<16xf32>
        %add3A_843 = arith.addf %add3A_842, %exp3A_840 : vector<16xf32>
        %div3A_844 = arith.constant 1.000000e+00 : f32
        %div3A_845 = vector.broadcast %div3A_844 : f32 to vector<16xf32>
        %div3A_846 = arith.divf %div3A_845, %add3A_843 : vector<16xf32>
        %neg3A_847 = arith.constant 0.000000e+00 : f32
        %neg3A_848 = vector.broadcast %neg3A_847 : f32 to vector<16xf32>
        %neg3A_849 = arith.subf %neg3A_848, %get3A_791 : vector<16xf32>
        %exp3A_850 = math.exp %neg3A_849 : vector<16xf32>
        %add3A_851 = arith.constant 1.000000e+00 : f32
        %add3A_852 = vector.broadcast %add3A_851 : f32 to vector<16xf32>
        %add3A_853 = arith.addf %add3A_852, %exp3A_850 : vector<16xf32>
        %div3A_854 = arith.constant 1.000000e+00 : f32
        %div3A_855 = vector.broadcast %div3A_854 : f32 to vector<16xf32>
        %div3A_856 = arith.divf %div3A_855, %add3A_853 : vector<16xf32>
        %exp3A_857 = math.exp %div3A_846 : vector<16xf32>
        %exp3A_858 = math.exp %div3A_856 : vector<16xf32>
        %exp3A_859 = math.exp %get3A_787 : vector<16xf32>
        %exp3A_860 = math.exp %get3A_789 : vector<16xf32>
        %sub3A_861 = arith.subf %div3A_856, %div3A_846 : vector<16xf32>
        %mul3A_862 = arith.mulf %exp3A_858, %sub3A_861 : vector<16xf32>
        %sub3A_863 = arith.subf %get3A_789, %get3A_787 : vector<16xf32>
        %mul3A_864 = arith.mulf %exp3A_860, %sub3A_863 : vector<16xf32>
        %gt3A_865 = arith.constant 0 : i32
        %gt3A_866 = vector.broadcast %gt3A_865 : i32 to vector<16xi32>
        %gt3A_867 = arith.cmpi sgt, %get3A_785, %gt3A_866 : vector<16xi32>
        %jit3A_868 = arith.constant 20 : i32
        %broadcast_in_dim3A_869 = vector.broadcast %jit3A_868 : i32 to vector<16xi32>
        %select_n3A_870 = arith.select %gt3A_867, %get3A_785, %broadcast_in_dim3A_869 : vector<16xi1>, vector<16xi32>
        %mul3A_871 = arith.constant 16 : i32
        %mul3A_872 = vector.broadcast %mul3A_871 : i32 to vector<16xi32>
        %mul3A_873 = arith.muli %select_n3A_870, %mul3A_872 : vector<16xi32>
        %add3A_874 = arith.addi %mul3A_873, %iota3A : vector<16xi32>
        tpu.vector_store_idx %arg17[%add3A_874], %exp3A_857 {add = true} : memref<2016xf32, #tpu.memory_space<vmem>>[vector<16xi32>], vector<16xf32>,
        %add3A_875 = arith.constant 336 : i32
        %add3A_876 = vector.broadcast %add3A_875 : i32 to vector<16xi32>
        %add3A_877 = arith.addi %add3A_874, %add3A_876 : vector<16xi32>
        tpu.vector_store_idx %arg17[%add3A_877], %exp3A_858 {add = true} : memref<2016xf32, #tpu.memory_space<vmem>>[vector<16xi32>], vector<16xf32>,
        %add3A_878 = arith.constant 672 : i32
        %add3A_879 = vector.broadcast %add3A_878 : i32 to vector<16xi32>
        %add3A_880 = arith.addi %add3A_874, %add3A_879 : vector<16xi32>
        tpu.vector_store_idx %arg17[%add3A_880], %mul3A_862 {add = true} : memref<2016xf32, #tpu.memory_space<vmem>>[vector<16xi32>], vector<16xf32>,
        %add3A_881 = arith.constant 1008 : i32
        %add3A_882 = vector.broadcast %add3A_881 : i32 to vector<16xi32>
        %add3A_883 = arith.addi %add3A_874, %add3A_882 : vector<16xi32>
        tpu.vector_store_idx %arg17[%add3A_883], %exp3A_859 {add = true} : memref<2016xf32, #tpu.memory_space<vmem>>[vector<16xi32>], vector<16xf32>,
        %add3A_884 = arith.constant 1344 : i32
        %add3A_885 = vector.broadcast %add3A_884 : i32 to vector<16xi32>
        %add3A_886 = arith.addi %add3A_874, %add3A_885 : vector<16xi32>
        tpu.vector_store_idx %arg17[%add3A_886], %exp3A_860 {add = true} : memref<2016xf32, #tpu.memory_space<vmem>>[vector<16xi32>], vector<16xf32>,
        %add3A_887 = arith.constant 1680 : i32
        %add3A_888 = vector.broadcast %add3A_887 : i32 to vector<16xi32>
        %add3A_889 = arith.addi %add3A_874, %add3A_888 : vector<16xi32>
        tpu.vector_store_idx %arg17[%add3A_889], %mul3A_864 {add = true} : memref<2016xf32, #tpu.memory_space<vmem>>[vector<16xi32>], vector<16xf32>,
        %get3A_890 = arith.constant 0 : index
        %get3A_891 = tpu.vector_load %arg18[%get3A_890] {strides = array<i32>} : memref<16xi32, #tpu.memory_space<vmem>>, vector<16xi32>,
        %max3A_892 = arith.maxsi %get3A_891, %get3A_785 : vector<16xi32>
        %swap3A_893 = arith.constant 0 : index
        %swap3A_894 = tpu.vector_load %arg18[%swap3A_893] {strides = array<i32>} : memref<16xi32, #tpu.memory_space<vmem>>, vector<16xi32>,
        tpu.vector_store %arg18[%swap3A_893], %max3A_892 {strides = array<i32>} : memref<16xi32, #tpu.memory_space<vmem>>, vector<16xi32>,
        %scan3A_895 = arith.constant 3 : i32
        %scan3A_896 = arith.addi %scan3A_556, %scan3A_895 : i32
        %mul3A_897 = arith.constant 16 : i32
        %mul3A_898 = arith.muli %scan3A_896, %mul3A_897 : i32
        %get3A_899 = arith.index_cast %mul3A_898 : i32 to index
        %get3A_900 = tpu.vector_load %arg13[%get3A_899] {strides = array<i32>} : memref<2800xi32, #tpu.memory_space<vmem>>, vector<16xi32>,
        %get3A_901 = arith.index_cast %mul3A_898 : i32 to index
        %get3A_902 = tpu.vector_load %arg10[%get3A_901] {strides = array<i32>} : memref<2800xf32, #tpu.memory_space<vmem>>, vector<16xf32>,
        %get3A_903 = arith.index_cast %mul3A_898 : i32 to index
        %get3A_904 = tpu.vector_load %arg11[%get3A_903] {strides = array<i32>} : memref<2800xf32, #tpu.memory_space<vmem>>, vector<16xf32>,
        %get3A_905 = arith.index_cast %mul3A_898 : i32 to index
        %get3A_906 = tpu.vector_load %arg12[%get3A_905] {strides = array<i32>} : memref<2800xf32, #tpu.memory_space<vmem>>, vector<16xf32>,
        %jit3A_907 = arith.constant 7 : i32
        %div3A_908 = arith.divsi %scan3A_896, %jit3A_907 : i32
        %sign3A_909 = arith.constant 0 : i32
        %sign3A_910 = arith.cmpi sgt, %scan3A_896, %sign3A_909 : i32
        %sign3A_911 = arith.extui %sign3A_910 : i1 to i32
        %sign3A_912 = arith.constant 0 : i32
        %sign3A_913 = arith.cmpi slt, %scan3A_896, %sign3A_912 : i32
        %sign3A_914 = arith.extui %sign3A_913 : i1 to i32
        %sign3A_915 = arith.subi %sign3A_911, %sign3A_914 : i32
        %sign3A_916 = arith.constant 0 : i32
        %sign3A_917 = arith.cmpi sgt, %jit3A_907, %sign3A_916 : i32
        %sign3A_918 = arith.extui %sign3A_917 : i1 to i32
        %sign3A_919 = arith.constant 0 : i32
        %sign3A_920 = arith.cmpi slt, %jit3A_907, %sign3A_919 : i32
        %sign3A_921 = arith.extui %sign3A_920 : i1 to i32
        %sign3A_922 = arith.subi %sign3A_918, %sign3A_921 : i32
        %ne3A_923 = arith.cmpi ne, %sign3A_915, %sign3A_922 : i32
        %rem3A_924 = arith.remsi %scan3A_896, %jit3A_907 : i32
        %ne3A_925 = arith.constant 0 : i32
        %ne3A_926 = arith.cmpi ne, %rem3A_924, %ne3A_925 : i32
        %and3A_927 = arith.andi %ne3A_923, %ne3A_926 : i1
        %sub3A_928 = arith.constant 1 : i32
        %sub3A_929 = arith.subi %div3A_908, %sub3A_928 : i32
        %select_n3A_930 = arith.select %and3A_927, %sub3A_929, %div3A_908 : i32
        %jit3A_931 = arith.constant 7 : i32
        %eq3A_932 = arith.constant 0 : i32
        %eq3A_933 = arith.cmpi eq, %jit3A_931, %eq3A_932 : i32
        %jit3A_934 = arith.constant 1 : i32
        %select_n3A_935 = arith.select %eq3A_933, %jit3A_934, %jit3A_931 : i32
        %rem3A_936 = arith.remsi %scan3A_896, %select_n3A_935 : i32
        %ne3A_937 = arith.constant 0 : i32
        %ne3A_938 = arith.cmpi ne, %rem3A_936, %ne3A_937 : i32
        %lt3A_939 = arith.constant 0 : i32
        %lt3A_940 = arith.cmpi slt, %rem3A_936, %lt3A_939 : i32
        %lt3A_941 = arith.constant 0 : i32
        %lt3A_942 = arith.cmpi slt, %select_n3A_935, %lt3A_941 : i32
        %ne3A_943 = arith.xori %lt3A_940, %lt3A_942 : i1
        %and3A_944 = arith.andi %ne3A_943, %ne3A_938 : i1
        %add3A_945 = arith.addi %rem3A_936, %select_n3A_935 : i32
        %select_n3A_946 = arith.select %and3A_944, %add3A_945, %rem3A_936 : i32
        %mul3A_947 = arith.constant 16 : i32
        %mul3A_948 = arith.muli %select_n3A_946, %mul3A_947 : i32
        %get3A_949 = arith.index_cast %select_n3A_930 : i32 to index
        %get3A_950 = arith.index_cast %mul3A_948 : i32 to index
        %get3A_951 = tpu.vector_load %arg16[%get3A_949, %get3A_950] {strides = array<i32>} : memref<25x112xf32, #tpu.memory_space<vmem>>, vector<16xf32>,
        %neg3A_952 = arith.constant 0.000000e+00 : f32
        %neg3A_953 = vector.broadcast %neg3A_952 : f32 to vector<16xf32>
        %neg3A_954 = arith.subf %neg3A_953, %get3A_951 : vector<16xf32>
        %exp3A_955 = math.exp %neg3A_954 : vector<16xf32>
        %add3A_956 = arith.constant 1.000000e+00 : f32
        %add3A_957 = vector.broadcast %add3A_956 : f32 to vector<16xf32>
        %add3A_958 = arith.addf %add3A_957, %exp3A_955 : vector<16xf32>
        %div3A_959 = arith.constant 1.000000e+00 : f32
        %div3A_960 = vector.broadcast %div3A_959 : f32 to vector<16xf32>
        %div3A_961 = arith.divf %div3A_960, %add3A_958 : vector<16xf32>
        %neg3A_962 = arith.constant 0.000000e+00 : f32
        %neg3A_963 = vector.broadcast %neg3A_962 : f32 to vector<16xf32>
        %neg3A_964 = arith.subf %neg3A_963, %get3A_906 : vector<16xf32>
        %exp3A_965 = math.exp %neg3A_964 : vector<16xf32>
        %add3A_966 = arith.constant 1.000000e+00 : f32
        %add3A_967 = vector.broadcast %add3A_966 : f32 to vector<16xf32>
        %add3A_968 = arith.addf %add3A_967, %exp3A_965 : vector<16xf32>
        %div3A_969 = arith.constant 1.000000e+00 : f32
        %div3A_970 = vector.broadcast %div3A_969 : f32 to vector<16xf32>
        %div3A_971 = arith.divf %div3A_970, %add3A_968 : vector<16xf32>
        %exp3A_972 = math.exp %div3A_961 : vector<16xf32>
        %exp3A_973 = math.exp %div3A_971 : vector<16xf32>
        %exp3A_974 = math.exp %get3A_902 : vector<16xf32>
        %exp3A_975 = math.exp %get3A_904 : vector<16xf32>
        %sub3A_976 = arith.subf %div3A_971, %div3A_961 : vector<16xf32>
        %mul3A_977 = arith.mulf %exp3A_973, %sub3A_976 : vector<16xf32>
        %sub3A_978 = arith.subf %get3A_904, %get3A_902 : vector<16xf32>
        %mul3A_979 = arith.mulf %exp3A_975, %sub3A_978 : vector<16xf32>
        %gt3A_980 = arith.constant 0 : i32
        %gt3A_981 = vector.broadcast %gt3A_980 : i32 to vector<16xi32>
        %gt3A_982 = arith.cmpi sgt, %get3A_900, %gt3A_981 : vector<16xi32>
        %jit3A_983 = arith.constant 20 : i32
        %broadcast_in_dim3A_984 = vector.broadcast %jit3A_983 : i32 to vector<16xi32>
        %select_n3A_985 = arith.select %gt3A_982, %get3A_900, %broadcast_in_dim3A_984 : vector<16xi1>, vector<16xi32>
        %mul3A_986 = arith.constant 16 : i32
        %mul3A_987 = vector.broadcast %mul3A_986 : i32 to vector<16xi32>
        %mul3A_988 = arith.muli %select_n3A_985, %mul3A_987 : vector<16xi32>
        %add3A_989 = arith.addi %mul3A_988, %iota3A : vector<16xi32>
        tpu.vector_store_idx %arg17[%add3A_989], %exp3A_972 {add = true} : memref<2016xf32, #tpu.memory_space<vmem>>[vector<16xi32>], vector<16xf32>,
        %add3A_990 = arith.constant 336 : i32
        %add3A_991 = vector.broadcast %add3A_990 : i32 to vector<16xi32>
        %add3A_992 = arith.addi %add3A_989, %add3A_991 : vector<16xi32>
        tpu.vector_store_idx %arg17[%add3A_992], %exp3A_973 {add = true} : memref<2016xf32, #tpu.memory_space<vmem>>[vector<16xi32>], vector<16xf32>,
        %add3A_993 = arith.constant 672 : i32
        %add3A_994 = vector.broadcast %add3A_993 : i32 to vector<16xi32>
        %add3A_995 = arith.addi %add3A_989, %add3A_994 : vector<16xi32>
        tpu.vector_store_idx %arg17[%add3A_995], %mul3A_977 {add = true} : memref<2016xf32, #tpu.memory_space<vmem>>[vector<16xi32>], vector<16xf32>,
        %add3A_996 = arith.constant 1008 : i32
        %add3A_997 = vector.broadcast %add3A_996 : i32 to vector<16xi32>
        %add3A_998 = arith.addi %add3A_989, %add3A_997 : vector<16xi32>
        tpu.vector_store_idx %arg17[%add3A_998], %exp3A_974 {add = true} : memref<2016xf32, #tpu.memory_space<vmem>>[vector<16xi32>], vector<16xf32>,
        %add3A_999 = arith.constant 1344 : i32
        %add3A_1000 = vector.broadcast %add3A_999 : i32 to vector<16xi32>
        %add3A_1001 = arith.addi %add3A_989, %add3A_1000 : vector<16xi32>
        tpu.vector_store_idx %arg17[%add3A_1001], %exp3A_975 {add = true} : memref<2016xf32, #tpu.memory_space<vmem>>[vector<16xi32>], vector<16xf32>,
        %add3A_1002 = arith.constant 1680 : i32
        %add3A_1003 = vector.broadcast %add3A_1002 : i32 to vector<16xi32>
        %add3A_1004 = arith.addi %add3A_989, %add3A_1003 : vector<16xi32>
        tpu.vector_store_idx %arg17[%add3A_1004], %mul3A_979 {add = true} : memref<2016xf32, #tpu.memory_space<vmem>>[vector<16xi32>], vector<16xf32>,
        %get3A_1005 = arith.constant 0 : index
        %get3A_1006 = tpu.vector_load %arg18[%get3A_1005] {strides = array<i32>} : memref<16xi32, #tpu.memory_space<vmem>>, vector<16xi32>,
        %max3A_1007 = arith.maxsi %get3A_1006, %get3A_900 : vector<16xi32>
        %swap3A_1008 = arith.constant 0 : index
        %swap3A_1009 = tpu.vector_load %arg18[%swap3A_1008] {strides = array<i32>} : memref<16xi32, #tpu.memory_space<vmem>>, vector<16xi32>,
        tpu.vector_store %arg18[%swap3A_1008], %max3A_1007 {strides = array<i32>} : memref<16xi32, #tpu.memory_space<vmem>>, vector<16xi32>,
        %scan3A_1010 = arith.constant 4 : i32
        %scan3A_1011 = arith.addi %scan3A_556, %scan3A_1010 : i32
        %mul3A_1012 = arith.constant 16 : i32
        %mul3A_1013 = arith.muli %scan3A_1011, %mul3A_1012 : i32
        %get3A_1014 = arith.index_cast %mul3A_1013 : i32 to index
        %get3A_1015 = tpu.vector_load %arg13[%get3A_1014] {strides = array<i32>} : memref<2800xi32, #tpu.memory_space<vmem>>, vector<16xi32>,
        %get3A_1016 = arith.index_cast %mul3A_1013 : i32 to index
        %get3A_1017 = tpu.vector_load %arg10[%get3A_1016] {strides = array<i32>} : memref<2800xf32, #tpu.memory_space<vmem>>, vector<16xf32>,
        %get3A_1018 = arith.index_cast %mul3A_1013 : i32 to index
        %get3A_1019 = tpu.vector_load %arg11[%get3A_1018] {strides = array<i32>} : memref<2800xf32, #tpu.memory_space<vmem>>, vector<16xf32>,
        %get3A_1020 = arith.index_cast %mul3A_1013 : i32 to index
        %get3A_1021 = tpu.vector_load %arg12[%get3A_1020] {strides = array<i32>} : memref<2800xf32, #tpu.memory_space<vmem>>, vector<16xf32>,
        %jit3A_1022 = arith.constant 7 : i32
        %div3A_1023 = arith.divsi %scan3A_1011, %jit3A_1022 : i32
        %sign3A_1024 = arith.constant 0 : i32
        %sign3A_1025 = arith.cmpi sgt, %scan3A_1011, %sign3A_1024 : i32
        %sign3A_1026 = arith.extui %sign3A_1025 : i1 to i32
        %sign3A_1027 = arith.constant 0 : i32
        %sign3A_1028 = arith.cmpi slt, %scan3A_1011, %sign3A_1027 : i32
        %sign3A_1029 = arith.extui %sign3A_1028 : i1 to i32
        %sign3A_1030 = arith.subi %sign3A_1026, %sign3A_1029 : i32
        %sign3A_1031 = arith.constant 0 : i32
        %sign3A_1032 = arith.cmpi sgt, %jit3A_1022, %sign3A_1031 : i32
        %sign3A_1033 = arith.extui %sign3A_1032 : i1 to i32
        %sign3A_1034 = arith.constant 0 : i32
        %sign3A_1035 = arith.cmpi slt, %jit3A_1022, %sign3A_1034 : i32
        %sign3A_1036 = arith.extui %sign3A_1035 : i1 to i32
        %sign3A_1037 = arith.subi %sign3A_1033, %sign3A_1036 : i32
        %ne3A_1038 = arith.cmpi ne, %sign3A_1030, %sign3A_1037 : i32
        %rem3A_1039 = arith.remsi %scan3A_1011, %jit3A_1022 : i32
        %ne3A_1040 = arith.constant 0 : i32
        %ne3A_1041 = arith.cmpi ne, %rem3A_1039, %ne3A_1040 : i32
        %and3A_1042 = arith.andi %ne3A_1038, %ne3A_1041 : i1
        %sub3A_1043 = arith.constant 1 : i32
        %sub3A_1044 = arith.subi %div3A_1023, %sub3A_1043 : i32
        %select_n3A_1045 = arith.select %and3A_1042, %sub3A_1044, %div3A_1023 : i32
        %jit3A_1046 = arith.constant 7 : i32
        %eq3A_1047 = arith.constant 0 : i32
        %eq3A_1048 = arith.cmpi eq, %jit3A_1046, %eq3A_1047 : i32
        %jit3A_1049 = arith.constant 1 : i32
        %select_n3A_1050 = arith.select %eq3A_1048, %jit3A_1049, %jit3A_1046 : i32
        %rem3A_1051 = arith.remsi %scan3A_1011, %select_n3A_1050 : i32
        %ne3A_1052 = arith.constant 0 : i32
        %ne3A_1053 = arith.cmpi ne, %rem3A_1051, %ne3A_1052 : i32
        %lt3A_1054 = arith.constant 0 : i32
        %lt3A_1055 = arith.cmpi slt, %rem3A_1051, %lt3A_1054 : i32
        %lt3A_1056 = arith.constant 0 : i32
        %lt3A_1057 = arith.cmpi slt, %select_n3A_1050, %lt3A_1056 : i32
        %ne3A_1058 = arith.xori %lt3A_1055, %lt3A_1057 : i1
        %and3A_1059 = arith.andi %ne3A_1058, %ne3A_1053 : i1
        %add3A_1060 = arith.addi %rem3A_1051, %select_n3A_1050 : i32
        %select_n3A_1061 = arith.select %and3A_1059, %add3A_1060, %rem3A_1051 : i32
        %mul3A_1062 = arith.constant 16 : i32
        %mul3A_1063 = arith.muli %select_n3A_1061, %mul3A_1062 : i32
        %get3A_1064 = arith.index_cast %select_n3A_1045 : i32 to index
        %get3A_1065 = arith.index_cast %mul3A_1063 : i32 to index
        %get3A_1066 = tpu.vector_load %arg16[%get3A_1064, %get3A_1065] {strides = array<i32>} : memref<25x112xf32, #tpu.memory_space<vmem>>, vector<16xf32>,
        %neg3A_1067 = arith.constant 0.000000e+00 : f32
        %neg3A_1068 = vector.broadcast %neg3A_1067 : f32 to vector<16xf32>
        %neg3A_1069 = arith.subf %neg3A_1068, %get3A_1066 : vector<16xf32>
        %exp3A_1070 = math.exp %neg3A_1069 : vector<16xf32>
        %add3A_1071 = arith.constant 1.000000e+00 : f32
        %add3A_1072 = vector.broadcast %add3A_1071 : f32 to vector<16xf32>
        %add3A_1073 = arith.addf %add3A_1072, %exp3A_1070 : vector<16xf32>
        %div3A_1074 = arith.constant 1.000000e+00 : f32
        %div3A_1075 = vector.broadcast %div3A_1074 : f32 to vector<16xf32>
        %div3A_1076 = arith.divf %div3A_1075, %add3A_1073 : vector<16xf32>
        %neg3A_1077 = arith.constant 0.000000e+00 : f32
        %neg3A_1078 = vector.broadcast %neg3A_1077 : f32 to vector<16xf32>
        %neg3A_1079 = arith.subf %neg3A_1078, %get3A_1021 : vector<16xf32>
        %exp3A_1080 = math.exp %neg3A_1079 : vector<16xf32>
        %add3A_1081 = arith.constant 1.000000e+00 : f32
        %add3A_1082 = vector.broadcast %add3A_1081 : f32 to vector<16xf32>
        %add3A_1083 = arith.addf %add3A_1082, %exp3A_1080 : vector<16xf32>
        %div3A_1084 = arith.constant 1.000000e+00 : f32
        %div3A_1085 = vector.broadcast %div3A_1084 : f32 to vector<16xf32>
        %div3A_1086 = arith.divf %div3A_1085, %add3A_1083 : vector<16xf32>
        %exp3A_1087 = math.exp %div3A_1076 : vector<16xf32>
        %exp3A_1088 = math.exp %div3A_1086 : vector<16xf32>
        %exp3A_1089 = math.exp %get3A_1017 : vector<16xf32>
        %exp3A_1090 = math.exp %get3A_1019 : vector<16xf32>
        %sub3A_1091 = arith.subf %div3A_1086, %div3A_1076 : vector<16xf32>
        %mul3A_1092 = arith.mulf %exp3A_1088, %sub3A_1091 : vector<16xf32>
        %sub3A_1093 = arith.subf %get3A_1019, %get3A_1017 : vector<16xf32>
        %mul3A_1094 = arith.mulf %exp3A_1090, %sub3A_1093 : vector<16xf32>
        %gt3A_1095 = arith.constant 0 : i32
        %gt3A_1096 = vector.broadcast %gt3A_1095 : i32 to vector<16xi32>
        %gt3A_1097 = arith.cmpi sgt, %get3A_1015, %gt3A_1096 : vector<16xi32>
        %jit3A_1098 = arith.constant 20 : i32
        %broadcast_in_dim3A_1099 = vector.broadcast %jit3A_1098 : i32 to vector<16xi32>
        %select_n3A_1100 = arith.select %gt3A_1097, %get3A_1015, %broadcast_in_dim3A_1099 : vector<16xi1>, vector<16xi32>
        %mul3A_1101 = arith.constant 16 : i32
        %mul3A_1102 = vector.broadcast %mul3A_1101 : i32 to vector<16xi32>
        %mul3A_1103 = arith.muli %select_n3A_1100, %mul3A_1102 : vector<16xi32>
        %add3A_1104 = arith.addi %mul3A_1103, %iota3A : vector<16xi32>
        tpu.vector_store_idx %arg17[%add3A_1104], %exp3A_1087 {add = true} : memref<2016xf32, #tpu.memory_space<vmem>>[vector<16xi32>], vector<16xf32>,
        %add3A_1105 = arith.constant 336 : i32
        %add3A_1106 = vector.broadcast %add3A_1105 : i32 to vector<16xi32>
        %add3A_1107 = arith.addi %add3A_1104, %add3A_1106 : vector<16xi32>
        tpu.vector_store_idx %arg17[%add3A_1107], %exp3A_1088 {add = true} : memref<2016xf32, #tpu.memory_space<vmem>>[vector<16xi32>], vector<16xf32>,
        %add3A_1108 = arith.constant 672 : i32
        %add3A_1109 = vector.broadcast %add3A_1108 : i32 to vector<16xi32>
        %add3A_1110 = arith.addi %add3A_1104, %add3A_1109 : vector<16xi32>
        tpu.vector_store_idx %arg17[%add3A_1110], %mul3A_1092 {add = true} : memref<2016xf32, #tpu.memory_space<vmem>>[vector<16xi32>], vector<16xf32>,
        %add3A_1111 = arith.constant 1008 : i32
        %add3A_1112 = vector.broadcast %add3A_1111 : i32 to vector<16xi32>
        %add3A_1113 = arith.addi %add3A_1104, %add3A_1112 : vector<16xi32>
        tpu.vector_store_idx %arg17[%add3A_1113], %exp3A_1089 {add = true} : memref<2016xf32, #tpu.memory_space<vmem>>[vector<16xi32>], vector<16xf32>,
        %add3A_1114 = arith.constant 1344 : i32
        %add3A_1115 = vector.broadcast %add3A_1114 : i32 to vector<16xi32>
        %add3A_1116 = arith.addi %add3A_1104, %add3A_1115 : vector<16xi32>
        tpu.vector_store_idx %arg17[%add3A_1116], %exp3A_1090 {add = true} : memref<2016xf32, #tpu.memory_space<vmem>>[vector<16xi32>], vector<16xf32>,
        %add3A_1117 = arith.constant 1680 : i32
        %add3A_1118 = vector.broadcast %add3A_1117 : i32 to vector<16xi32>
        %add3A_1119 = arith.addi %add3A_1104, %add3A_1118 : vector<16xi32>
        tpu.vector_store_idx %arg17[%add3A_1119], %mul3A_1094 {add = true} : memref<2016xf32, #tpu.memory_space<vmem>>[vector<16xi32>], vector<16xf32>,
        %get3A_1120 = arith.constant 0 : index
        %get3A_1121 = tpu.vector_load %arg18[%get3A_1120] {strides = array<i32>} : memref<16xi32, #tpu.memory_space<vmem>>, vector<16xi32>,
        %max3A_1122 = arith.maxsi %get3A_1121, %get3A_1015 : vector<16xi32>
        %swap3A_1123 = arith.constant 0 : index
        %swap3A_1124 = tpu.vector_load %arg18[%swap3A_1123] {strides = array<i32>} : memref<16xi32, #tpu.memory_space<vmem>>, vector<16xi32>,
        tpu.vector_store %arg18[%swap3A_1123], %max3A_1122 {strides = array<i32>} : memref<16xi32, #tpu.memory_space<vmem>>, vector<16xi32>,
      }
      %scan3A_555 = arith.constant 175 : i32
      "tpu.region"() ({
        %run_scoped3A = tpu.sem_alloc : memref<!tpu.dma_semaphore, #tpu.memory_space<semaphore_mem>>
        %dma_start3A_556 = arith.constant 0 : i32
        %dma_start3A_557 = tpu.memref_slice %arg8[%select_n3A_33, %select_n3A, %dma_start3A_556] : memref<3x8x2016xf32, #tpu.memory_space<hbm>> -> memref<1x1x2016xf32, #tpu.memory_space<hbm>>
        %dma_start3A_558 = tpu.memref_squeeze %dma_start3A_557 : memref<1x1x2016xf32, #tpu.memory_space<hbm>> -> memref<2016xf32, #tpu.memory_space<hbm>>
        %dma_start3A_559 = arith.constant 0 : i32
        %dma_start3A_560 = tpu.memref_slice %arg8[%select_n3A_33, %select_n3A, %dma_start3A_559] : memref<3x8x2016xf32, #tpu.memory_space<hbm>> -> memref<1x1x2016xf32, #tpu.memory_space<hbm>>
        %dma_start3A_561 = tpu.memref_squeeze %dma_start3A_560 : memref<1x1x2016xf32, #tpu.memory_space<hbm>> -> memref<2016xf32, #tpu.memory_space<hbm>>
        tpu.enqueue_dma source(%arg17 : memref<2016xf32, #tpu.memory_space<vmem>>) target(%dma_start3A_561 : memref<2016xf32, #tpu.memory_space<hbm>>) target_semaphore(%run_scoped3A : memref<!tpu.dma_semaphore, #tpu.memory_space<semaphore_mem>>)
        %dma_wait3A_562 = arith.constant 0 : i32
        %dma_wait3A_563 = tpu.memref_slice %arg8[%select_n3A_33, %select_n3A, %dma_wait3A_562] : memref<3x8x2016xf32, #tpu.memory_space<hbm>> -> memref<1x1x2016xf32, #tpu.memory_space<hbm>>
        %dma_wait3A_564 = tpu.memref_squeeze %dma_wait3A_563 : memref<1x1x2016xf32, #tpu.memory_space<hbm>> -> memref<2016xf32, #tpu.memory_space<hbm>>
        %dma_wait3A_565 = arith.constant 0 : i32
        %dma_wait3A_566 = tpu.memref_slice %arg8[%select_n3A_33, %select_n3A, %dma_wait3A_565] : memref<3x8x2016xf32, #tpu.memory_space<hbm>> -> memref<1x1x2016xf32, #tpu.memory_space<hbm>>
        %dma_wait3A_567 = tpu.memref_squeeze %dma_wait3A_566 : memref<1x1x2016xf32, #tpu.memory_space<hbm>> -> memref<2016xf32, #tpu.memory_space<hbm>>
        tpu.wait_dma2 semaphore(%run_scoped3A : memref<!tpu.dma_semaphore, #tpu.memory_space<semaphore_mem>>) src(%arg17 : memref<2016xf32, #tpu.memory_space<vmem>>) dst(%dma_wait3A_567 : memref<2016xf32, #tpu.memory_space<hbm>>)
        tpu.yield
      }) : () -> ()
      "tpu.region"() ({
        %run_scoped3A = tpu.sem_alloc : memref<!tpu.dma_semaphore, #tpu.memory_space<semaphore_mem>>
        %dma_start3A_556 = arith.constant 0 : i32
        %dma_start3A_557 = tpu.memref_slice %arg9[%select_n3A_33, %select_n3A, %dma_start3A_556] : memref<3x8x16xi32, #tpu.memory_space<hbm>> -> memref<1x1x16xi32, #tpu.memory_space<hbm>>
        %dma_start3A_558 = tpu.memref_squeeze %dma_start3A_557 : memref<1x1x16xi32, #tpu.memory_space<hbm>> -> memref<16xi32, #tpu.memory_space<hbm>>
        %dma_start3A_559 = arith.constant 0 : i32
        %dma_start3A_560 = tpu.memref_slice %arg9[%select_n3A_33, %select_n3A, %dma_start3A_559] : memref<3x8x16xi32, #tpu.memory_space<hbm>> -> memref<1x1x16xi32, #tpu.memory_space<hbm>>
        %dma_start3A_561 = tpu.memref_squeeze %dma_start3A_560 : memref<1x1x16xi32, #tpu.memory_space<hbm>> -> memref<16xi32, #tpu.memory_space<hbm>>
        tpu.enqueue_dma source(%arg18 : memref<16xi32, #tpu.memory_space<vmem>>) target(%dma_start3A_561 : memref<16xi32, #tpu.memory_space<hbm>>) target_semaphore(%run_scoped3A : memref<!tpu.dma_semaphore, #tpu.memory_space<semaphore_mem>>)
        %dma_wait3A_562 = arith.constant 0 : i32
        %dma_wait3A_563 = tpu.memref_slice %arg9[%select_n3A_33, %select_n3A, %dma_wait3A_562] : memref<3x8x16xi32, #tpu.memory_space<hbm>> -> memref<1x1x16xi32, #tpu.memory_space<hbm>>
        %dma_wait3A_564 = tpu.memref_squeeze %dma_wait3A_563 : memref<1x1x16xi32, #tpu.memory_space<hbm>> -> memref<16xi32, #tpu.memory_space<hbm>>
        %dma_wait3A_565 = arith.constant 0 : i32
        %dma_wait3A_566 = tpu.memref_slice %arg9[%select_n3A_33, %select_n3A, %dma_wait3A_565] : memref<3x8x16xi32, #tpu.memory_space<hbm>> -> memref<1x1x16xi32, #tpu.memory_space<hbm>>
        %dma_wait3A_567 = tpu.memref_squeeze %dma_wait3A_566 : memref<1x1x16xi32, #tpu.memory_space<hbm>> -> memref<16xi32, #tpu.memory_space<hbm>>
        tpu.wait_dma2 semaphore(%run_scoped3A : memref<!tpu.dma_semaphore, #tpu.memory_space<semaphore_mem>>) src(%arg18 : memref<16xi32, #tpu.memory_space<vmem>>) dst(%dma_wait3A_567 : memref<16xi32, #tpu.memory_space<hbm>>)
        tpu.yield
      }) : () -> ()
    } else {
    }
    return
  }
}

module attributes {stable_mosaic.version = 14 : i64} {
  func.func @body(%arg0: i32, %arg1: i32, %arg2: i32, %arg3: memref<1x256x3200xf32, #tpu.memory_space<vmem>>, %arg4: memref<1x256x3200xf32, #tpu.memory_space<vmem>>, %arg5: memref<1x3200x80xf32, #tpu.memory_space<vmem>>, %arg6: memref<1x3200x80xf32, #tpu.memory_space<vmem>>, %arg7: memref<1x1x1x1xf32, #tpu.memory_space<smem>>, %arg8: memref<1x3200xf32, #tpu.memory_space<vmem>>, %arg9: memref<1x3200xf32, #tpu.memory_space<vmem>>) attributes {dimension_semantics = [#tpu.dimension_semantics<arbitrary>, #tpu.dimension_semantics<arbitrary>, #tpu.dimension_semantics<arbitrary>], iteration_bounds = array<i64: 8, 2, 1>, scalar_prefetch = 0 : i64, scratch_operands = 2 : i64, tpu.core_type = #tpu.core_type<tc>, window_params = [{transform_indices = @transform_0, window_bounds = array<i64: 1, 256, 3200>}, {transform_indices = @transform_1, window_bounds = array<i64: 1, 256, 3200>}, {transform_indices = @transform_2, window_bounds = array<i64: 1, 3200, 80>}, {transform_indices = @transform_3, window_bounds = array<i64: 1, 3200, 80>}, {transform_indices = @transform_4, window_bounds = array<i64: 1, 1, 1, 1>}]} {
    %get3A = arith.constant 0 : index
    %get3A_0 = arith.constant 0 : index
    %get3A_1 = arith.constant 0 : index
    %get3A_2 = vector.load %arg4[%get3A, %get3A_0, %get3A_1] : memref<1x256x3200xf32, #tpu.memory_space<vmem>>, vector<1x256x3200xf32>
    %get3A_3 = arith.constant 0 : index
    %get3A_4 = arith.constant 0 : index
    %get3A_5 = arith.constant 0 : index
    %get3A_6 = vector.load %arg3[%get3A_3, %get3A_4, %get3A_5] : memref<1x256x3200xf32, #tpu.memory_space<vmem>>, vector<1x256x3200xf32>
    %sub3A = arith.subf %get3A_2, %get3A_6 : vector<1x256x3200xf32>
    %mul3A = arith.mulf %sub3A, %sub3A : vector<1x256x3200xf32>
    %reshape3A = vector.shape_cast %mul3A : vector<1x256x3200xf32> to vector<256x3200xf32>
    %broadcast_in_dim3A = arith.constant 1.000000e+00 : f32
    %broadcast_in_dim3A_7 = vector.broadcast %broadcast_in_dim3A : f32 to vector<1x256xf32>
    %dot_general3A = arith.constant dense<0.000000e+00> : vector<1x3200xf32>
    %dot_general3A_8 = tpu.matmul %broadcast_in_dim3A_7, %reshape3A, %dot_general3A {dimension_numbers = #tpu.dot_dimension_numbers<[1], [0], [0], [1], [0, 0, 1, 1], [], []>, transpose_lhs_hint = false} : vector<1x256xf32>, vector<256x3200xf32>, vector<1x3200xf32> -> vector<1x3200xf32>
    %eq3A = arith.constant 0 : i32
    %eq3A_9 = arith.cmpi eq, %arg2, %eq3A : i32
    %convert_element_type3A = arith.extui %eq3A_9 : i1 to i32
    %cond3A = arith.constant 0 : i32
    %cond3A_10 = arith.cmpi ne, %convert_element_type3A, %cond3A : i32
    scf.if %cond3A_10 {
      %swap3A_53 = arith.constant 0 : index
      %swap3A_54 = arith.constant 0 : index
      %swap3A_55 = vector.load %arg8[%swap3A_53, %swap3A_54] : memref<1x3200xf32, #tpu.memory_space<vmem>>, vector<1x3200xf32>
      tpu.vector_store %arg8[%swap3A_53, %swap3A_54], %dot_general3A_8 {strides = array<i32>} : memref<1x3200xf32, #tpu.memory_space<vmem>>, vector<1x3200xf32>,
    } else {
    }
    %ne3A = arith.constant 0 : i32
    %ne3A_11 = arith.cmpi ne, %arg2, %ne3A : i32
    %convert_element_type3A_12 = arith.extui %ne3A_11 : i1 to i32
    %cond3A_13 = arith.constant 0 : i32
    %cond3A_14 = arith.cmpi ne, %convert_element_type3A_12, %cond3A_13 : i32
    scf.if %cond3A_14 {
      %get3A_53 = arith.constant 0 : index
      %get3A_54 = arith.constant 0 : index
      %get3A_55 = vector.load %arg8[%get3A_53, %get3A_54] : memref<1x3200xf32, #tpu.memory_space<vmem>>, vector<1x3200xf32>
      %add3A_56 = arith.addf %get3A_55, %dot_general3A_8 : vector<1x3200xf32>
      %swap3A_57 = arith.constant 0 : index
      %swap3A_58 = arith.constant 0 : index
      %swap3A_59 = vector.load %arg8[%swap3A_57, %swap3A_58] : memref<1x3200xf32, #tpu.memory_space<vmem>>, vector<1x3200xf32>
      tpu.vector_store %arg8[%swap3A_57, %swap3A_58], %add3A_56 {strides = array<i32>} : memref<1x3200xf32, #tpu.memory_space<vmem>>, vector<1x3200xf32>,
    } else {
    }
    %get3A_15 = arith.constant 0 : index
    %get3A_16 = arith.constant 0 : index
    %get3A_17 = arith.constant 0 : index
    %get3A_18 = vector.load %arg6[%get3A_15, %get3A_16, %get3A_17] : memref<1x3200x80xf32, #tpu.memory_space<vmem>>, vector<1x3200x80xf32>
    %neg3A = arith.constant 0.000000e+00 : f32
    %neg3A_19 = vector.broadcast %neg3A : f32 to vector<1x3200x80xf32>
    %neg3A_20 = arith.subf %neg3A_19, %get3A_18 : vector<1x3200x80xf32>
    %exp3A = math.exp %neg3A_20 : vector<1x3200x80xf32>
    %add3A = arith.constant 1.000000e+00 : f32
    %add3A_21 = vector.broadcast %add3A : f32 to vector<1x3200x80xf32>
    %add3A_22 = arith.addf %add3A_21, %exp3A : vector<1x3200x80xf32>
    %div3A = arith.constant 1.000000e+00 : f32
    %div3A_23 = vector.broadcast %div3A : f32 to vector<1x3200x80xf32>
    %div3A_24 = arith.divf %div3A_23, %add3A_22 : vector<1x3200x80xf32>
    %get3A_25 = arith.constant 0 : index
    %get3A_26 = arith.constant 0 : index
    %get3A_27 = arith.constant 0 : index
    %get3A_28 = vector.load %arg5[%get3A_25, %get3A_26, %get3A_27] : memref<1x3200x80xf32, #tpu.memory_space<vmem>>, vector<1x3200x80xf32>
    %neg3A_29 = arith.constant 0.000000e+00 : f32
    %neg3A_30 = vector.broadcast %neg3A_29 : f32 to vector<1x3200x80xf32>
    %neg3A_31 = arith.subf %neg3A_30, %get3A_28 : vector<1x3200x80xf32>
    %exp3A_32 = math.exp %neg3A_31 : vector<1x3200x80xf32>
    %add3A_33 = arith.constant 1.000000e+00 : f32
    %add3A_34 = vector.broadcast %add3A_33 : f32 to vector<1x3200x80xf32>
    %add3A_35 = arith.addf %add3A_34, %exp3A_32 : vector<1x3200x80xf32>
    %div3A_36 = arith.constant 1.000000e+00 : f32
    %div3A_37 = vector.broadcast %div3A_36 : f32 to vector<1x3200x80xf32>
    %div3A_38 = arith.divf %div3A_37, %add3A_35 : vector<1x3200x80xf32>
    %sub3A_39 = arith.subf %div3A_24, %div3A_38 : vector<1x3200x80xf32>
    %reshape3A_40 = vector.shape_cast %sub3A_39 : vector<1x3200x80xf32> to vector<3200x80xf32>
    %mul3A_41 = arith.mulf %reshape3A_40, %reshape3A_40 : vector<3200x80xf32>
    %broadcast_in_dim3A_42 = arith.constant 1.000000e+00 : f32
    %broadcast_in_dim3A_43 = vector.broadcast %broadcast_in_dim3A_42 : f32 to vector<1x80xf32>
    %dot_general3A_44 = arith.constant dense<0.000000e+00> : vector<1x3200xf32>
    %dot_general3A_45 = tpu.matmul %broadcast_in_dim3A_43, %mul3A_41, %dot_general3A_44 {dimension_numbers = #tpu.dot_dimension_numbers<[1], [1], [0], [0], [0, 0, 1, 0], [], []>, transpose_lhs_hint = false} : vector<1x80xf32>, vector<3200x80xf32>, vector<1x3200xf32> -> vector<1x3200xf32>
    %swap3A = arith.index_cast %arg2 : i32 to index
    %swap3A_46 = arith.constant 0 : index
    %swap3A_47 = vector.load %arg9[%swap3A, %swap3A_46] : memref<1x3200xf32, #tpu.memory_space<vmem>>, vector<1x3200xf32>
    tpu.vector_store %arg9[%swap3A, %swap3A_46], %dot_general3A_45 {strides = array<i32>} : memref<1x3200xf32, #tpu.memory_space<vmem>>, vector<1x3200xf32>,
    %eq3A_48 = arith.constant 0 : i32
    %eq3A_49 = arith.cmpi eq, %arg2, %eq3A_48 : i32
    %convert_element_type3A_50 = arith.extui %eq3A_49 : i1 to i32
    %cond3A_51 = arith.constant 0 : i32
    %cond3A_52 = arith.cmpi ne, %convert_element_type3A_50, %cond3A_51 : i32
    scf.if %cond3A_52 {
      %get3A_53 = arith.constant 0 : index
      %get3A_54 = arith.constant 0 : index
      %get3A_55 = vector.load %arg9[%get3A_53, %get3A_54] : memref<1x3200xf32, #tpu.memory_space<vmem>>, vector<1x3200xf32>
      %get3A_56 = arith.constant 0 : index
      %get3A_57 = arith.constant 0 : index
      %get3A_58 = vector.load %arg8[%get3A_56, %get3A_57] : memref<1x3200xf32, #tpu.memory_space<vmem>>, vector<1x3200xf32>
      %mul3A_59 = arith.mulf %get3A_55, %get3A_58 : vector<1x3200xf32>
      %mul3A_60 = arith.mulf %mul3A_59, %mul3A_59 : vector<1x3200xf32>
      %reduce_sum3A = vector.shape_cast %mul3A_60 : vector<1x3200xf32> to vector<1x1x3200xf32>
      %reduce_sum3A_61 = arith.constant dense<0.000000e+00> : vector<1xf32>
      %reduce_sum3A_62 = vector.multi_reduction <add>, %reduce_sum3A, %reduce_sum3A_61 [1, 2] : vector<1x1x3200xf32> to vector<1xf32>
      %reduce_sum3A_63 = vector.shape_cast %reduce_sum3A_62 : vector<1xf32> to vector<1x1x1xf32>
      %reduce_sum3A_64 = vector.extract %reduce_sum3A_63[0, 0, 0] : f32 from vector<1x1x1xf32>
      %add3A_65 = arith.constant 0.000000e+00 : f32
      %add3A_66 = arith.addf %add3A_65, %reduce_sum3A_64 : f32
      %mul3A_67 = arith.constant 2.38418574E-9 : f32
      %mul3A_68 = arith.mulf %add3A_66, %mul3A_67 : f32
      %swap3A_69 = arith.constant 0 : index
      %swap3A_70 = arith.constant 0 : index
      %swap3A_71 = arith.constant 0 : index
      %swap3A_72 = arith.constant 0 : index
      %swap3A_73 = memref.load %arg7[%swap3A_69, %swap3A_70, %swap3A_71, %swap3A_72] : memref<1x1x1x1xf32, #tpu.memory_space<smem>>
      memref.store %mul3A_68, %arg7[%swap3A_69, %swap3A_70, %swap3A_71, %swap3A_72] : memref<1x1x1x1xf32, #tpu.memory_space<smem>>
    } else {
    }
    return
  }
  func.func @transform_0(%arg0: i32, %arg1: i32, %arg2: i32) -> (i32, i32, i32) {
    %c0_i32 = arith.constant 0 : i32
    return %arg0, %arg2, %arg1 : i32, i32, i32
  }
  func.func @transform_1(%arg0: i32, %arg1: i32, %arg2: i32) -> (i32, i32, i32) {
    %c0_i32 = arith.constant 0 : i32
    return %arg0, %arg2, %arg1 : i32, i32, i32
  }
  func.func @transform_2(%arg0: i32, %arg1: i32, %arg2: i32) -> (i32, i32, i32) {
    %mul3A = arith.constant 1 : i32
    %mul3A_0 = arith.muli %arg1, %mul3A : i32
    %add3A = arith.addi %mul3A_0, %arg2 : i32
    %add3A_1 = arith.constant 0 : i32
    %add3A_2 = arith.addi %add3A, %add3A_1 : i32
    %c0_i32 = arith.constant 0 : i32
    %c0_i32_3 = arith.constant 0 : i32
    return %arg0, %add3A_2, %c0_i32 : i32, i32, i32
  }
  func.func @transform_3(%arg0: i32, %arg1: i32, %arg2: i32) -> (i32, i32, i32) {
    %mul3A = arith.constant 1 : i32
    %mul3A_0 = arith.muli %arg1, %mul3A : i32
    %add3A = arith.addi %mul3A_0, %arg2 : i32
    %add3A_1 = arith.constant 0 : i32
    %add3A_2 = arith.addi %add3A, %add3A_1 : i32
    %c0_i32 = arith.constant 0 : i32
    %c0_i32_3 = arith.constant 0 : i32
    return %arg0, %add3A_2, %c0_i32 : i32, i32, i32
  }
  func.func @transform_4(%arg0: i32, %arg1: i32, %arg2: i32) -> (i32, i32, i32, i32) {
    %c0_i32 = arith.constant 0 : i32
    %c0_i32_0 = arith.constant 0 : i32
    %c0_i32_1 = arith.constant 0 : i32
    return %arg0, %arg1, %c0_i32, %c0_i32_0 : i32, i32, i32, i32
  }
}

module attributes {stable_mosaic.version = 14 : i64} {
  func.func @body(%arg0: i32, %arg1: i32, %arg2: i32, %arg3: memref<1x128x1600xf32, #tpu.memory_space<vmem>>, %arg4: memref<1x128x1600xf32, #tpu.memory_space<vmem>>, %arg5: memref<1x800x80xf32, #tpu.memory_space<vmem>>, %arg6: memref<1x800x80xf32, #tpu.memory_space<vmem>>, %arg7: memref<1x1x1x1xf32, #tpu.memory_space<smem>>, %arg8: memref<1x1600xf32, #tpu.memory_space<vmem>>, %arg9: memref<2x800xf32, #tpu.memory_space<vmem>>) attributes {dimension_semantics = [#tpu.dimension_semantics<arbitrary>, #tpu.dimension_semantics<arbitrary>, #tpu.dimension_semantics<arbitrary>], iteration_bounds = array<i64: 8, 1, 2>, scalar_prefetch = 0 : i64, scratch_operands = 2 : i64, tpu.core_type = #tpu.core_type<tc>, window_params = [{transform_indices = @transform_0, window_bounds = array<i64: 1, 128, 1600>}, {transform_indices = @transform_1, window_bounds = array<i64: 1, 128, 1600>}, {transform_indices = @transform_2, window_bounds = array<i64: 1, 800, 80>}, {transform_indices = @transform_3, window_bounds = array<i64: 1, 800, 80>}, {transform_indices = @transform_4, window_bounds = array<i64: 1, 1, 1, 1>}]} {
    %get3A = arith.constant 0 : index
    %get3A_0 = arith.constant 0 : index
    %get3A_1 = arith.constant 0 : index
    %get3A_2 = vector.load %arg4[%get3A, %get3A_0, %get3A_1] : memref<1x128x1600xf32, #tpu.memory_space<vmem>>, vector<1x128x1600xf32>
    %get3A_3 = arith.constant 0 : index
    %get3A_4 = arith.constant 0 : index
    %get3A_5 = arith.constant 0 : index
    %get3A_6 = vector.load %arg3[%get3A_3, %get3A_4, %get3A_5] : memref<1x128x1600xf32, #tpu.memory_space<vmem>>, vector<1x128x1600xf32>
    %sub3A = arith.subf %get3A_2, %get3A_6 : vector<1x128x1600xf32>
    %mul3A = arith.mulf %sub3A, %sub3A : vector<1x128x1600xf32>
    %reshape3A = vector.shape_cast %mul3A : vector<1x128x1600xf32> to vector<128x1600xf32>
    %broadcast_in_dim3A = arith.constant 1.000000e+00 : f32
    %broadcast_in_dim3A_7 = vector.broadcast %broadcast_in_dim3A : f32 to vector<1x128xf32>
    %dot_general3A = arith.constant dense<0.000000e+00> : vector<1x1600xf32>
    %dot_general3A_8 = tpu.matmul %broadcast_in_dim3A_7, %reshape3A, %dot_general3A {dimension_numbers = #tpu.dot_dimension_numbers<[1], [0], [0], [1], [0, 0, 1, 1], [], []>, transpose_lhs_hint = false} : vector<1x128xf32>, vector<128x1600xf32>, vector<1x1600xf32> -> vector<1x1600xf32>
    %eq3A = arith.constant 0 : i32
    %eq3A_9 = arith.cmpi eq, %arg2, %eq3A : i32
    %convert_element_type3A = arith.extui %eq3A_9 : i1 to i32
    %cond3A = arith.constant 0 : i32
    %cond3A_10 = arith.cmpi ne, %convert_element_type3A, %cond3A : i32
    scf.if %cond3A_10 {
      %swap3A_53 = arith.constant 0 : index
      %swap3A_54 = arith.constant 0 : index
      %swap3A_55 = vector.load %arg8[%swap3A_53, %swap3A_54] : memref<1x1600xf32, #tpu.memory_space<vmem>>, vector<1x1600xf32>
      tpu.vector_store %arg8[%swap3A_53, %swap3A_54], %dot_general3A_8 {strides = array<i32>} : memref<1x1600xf32, #tpu.memory_space<vmem>>, vector<1x1600xf32>,
    } else {
    }
    %ne3A = arith.constant 0 : i32
    %ne3A_11 = arith.cmpi ne, %arg2, %ne3A : i32
    %convert_element_type3A_12 = arith.extui %ne3A_11 : i1 to i32
    %cond3A_13 = arith.constant 0 : i32
    %cond3A_14 = arith.cmpi ne, %convert_element_type3A_12, %cond3A_13 : i32
    scf.if %cond3A_14 {
      %get3A_53 = arith.constant 0 : index
      %get3A_54 = arith.constant 0 : index
      %get3A_55 = vector.load %arg8[%get3A_53, %get3A_54] : memref<1x1600xf32, #tpu.memory_space<vmem>>, vector<1x1600xf32>
      %add3A_56 = arith.addf %get3A_55, %dot_general3A_8 : vector<1x1600xf32>
      %swap3A_57 = arith.constant 0 : index
      %swap3A_58 = arith.constant 0 : index
      %swap3A_59 = vector.load %arg8[%swap3A_57, %swap3A_58] : memref<1x1600xf32, #tpu.memory_space<vmem>>, vector<1x1600xf32>
      tpu.vector_store %arg8[%swap3A_57, %swap3A_58], %add3A_56 {strides = array<i32>} : memref<1x1600xf32, #tpu.memory_space<vmem>>, vector<1x1600xf32>,
    } else {
    }
    %get3A_15 = arith.constant 0 : index
    %get3A_16 = arith.constant 0 : index
    %get3A_17 = arith.constant 0 : index
    %get3A_18 = vector.load %arg6[%get3A_15, %get3A_16, %get3A_17] : memref<1x800x80xf32, #tpu.memory_space<vmem>>, vector<1x800x80xf32>
    %neg3A = arith.constant 0.000000e+00 : f32
    %neg3A_19 = vector.broadcast %neg3A : f32 to vector<1x800x80xf32>
    %neg3A_20 = arith.subf %neg3A_19, %get3A_18 : vector<1x800x80xf32>
    %exp3A = math.exp %neg3A_20 : vector<1x800x80xf32>
    %add3A = arith.constant 1.000000e+00 : f32
    %add3A_21 = vector.broadcast %add3A : f32 to vector<1x800x80xf32>
    %add3A_22 = arith.addf %add3A_21, %exp3A : vector<1x800x80xf32>
    %div3A = arith.constant 1.000000e+00 : f32
    %div3A_23 = vector.broadcast %div3A : f32 to vector<1x800x80xf32>
    %div3A_24 = arith.divf %div3A_23, %add3A_22 : vector<1x800x80xf32>
    %get3A_25 = arith.constant 0 : index
    %get3A_26 = arith.constant 0 : index
    %get3A_27 = arith.constant 0 : index
    %get3A_28 = vector.load %arg5[%get3A_25, %get3A_26, %get3A_27] : memref<1x800x80xf32, #tpu.memory_space<vmem>>, vector<1x800x80xf32>
    %neg3A_29 = arith.constant 0.000000e+00 : f32
    %neg3A_30 = vector.broadcast %neg3A_29 : f32 to vector<1x800x80xf32>
    %neg3A_31 = arith.subf %neg3A_30, %get3A_28 : vector<1x800x80xf32>
    %exp3A_32 = math.exp %neg3A_31 : vector<1x800x80xf32>
    %add3A_33 = arith.constant 1.000000e+00 : f32
    %add3A_34 = vector.broadcast %add3A_33 : f32 to vector<1x800x80xf32>
    %add3A_35 = arith.addf %add3A_34, %exp3A_32 : vector<1x800x80xf32>
    %div3A_36 = arith.constant 1.000000e+00 : f32
    %div3A_37 = vector.broadcast %div3A_36 : f32 to vector<1x800x80xf32>
    %div3A_38 = arith.divf %div3A_37, %add3A_35 : vector<1x800x80xf32>
    %sub3A_39 = arith.subf %div3A_24, %div3A_38 : vector<1x800x80xf32>
    %reshape3A_40 = vector.shape_cast %sub3A_39 : vector<1x800x80xf32> to vector<800x80xf32>
    %mul3A_41 = arith.mulf %reshape3A_40, %reshape3A_40 : vector<800x80xf32>
    %broadcast_in_dim3A_42 = arith.constant 1.000000e+00 : f32
    %broadcast_in_dim3A_43 = vector.broadcast %broadcast_in_dim3A_42 : f32 to vector<1x80xf32>
    %dot_general3A_44 = arith.constant dense<0.000000e+00> : vector<1x800xf32>
    %dot_general3A_45 = tpu.matmul %broadcast_in_dim3A_43, %mul3A_41, %dot_general3A_44 {dimension_numbers = #tpu.dot_dimension_numbers<[1], [1], [0], [0], [0, 0, 1, 0], [], []>, transpose_lhs_hint = false} : vector<1x80xf32>, vector<800x80xf32>, vector<1x800xf32> -> vector<1x800xf32>
    %swap3A = arith.index_cast %arg2 : i32 to index
    %swap3A_46 = arith.constant 0 : index
    %swap3A_47 = vector.load %arg9[%swap3A, %swap3A_46] : memref<2x800xf32, #tpu.memory_space<vmem>>, vector<1x800xf32>
    tpu.vector_store %arg9[%swap3A, %swap3A_46], %dot_general3A_45 {strides = array<i32>} : memref<2x800xf32, #tpu.memory_space<vmem>>, vector<1x800xf32>,
    %eq3A_48 = arith.constant 1 : i32
    %eq3A_49 = arith.cmpi eq, %arg2, %eq3A_48 : i32
    %convert_element_type3A_50 = arith.extui %eq3A_49 : i1 to i32
    %cond3A_51 = arith.constant 0 : i32
    %cond3A_52 = arith.cmpi ne, %convert_element_type3A_50, %cond3A_51 : i32
    scf.if %cond3A_52 {
      %get3A_53 = arith.constant 0 : index
      %get3A_54 = arith.constant 0 : index
      %get3A_55 = vector.load %arg9[%get3A_53, %get3A_54] : memref<2x800xf32, #tpu.memory_space<vmem>>, vector<1x800xf32>
      %get3A_56 = arith.constant 0 : index
      %get3A_57 = arith.constant 0 : index
      %get3A_58 = vector.load %arg8[%get3A_56, %get3A_57] : memref<1x1600xf32, #tpu.memory_space<vmem>>, vector<1x800xf32>
      %mul3A_59 = arith.mulf %get3A_55, %get3A_58 : vector<1x800xf32>
      %mul3A_60 = arith.mulf %mul3A_59, %mul3A_59 : vector<1x800xf32>
      %reduce_sum3A = vector.shape_cast %mul3A_60 : vector<1x800xf32> to vector<1x1x800xf32>
      %reduce_sum3A_61 = arith.constant dense<0.000000e+00> : vector<1xf32>
      %reduce_sum3A_62 = vector.multi_reduction <add>, %reduce_sum3A, %reduce_sum3A_61 [1, 2] : vector<1x1x800xf32> to vector<1xf32>
      %reduce_sum3A_63 = vector.shape_cast %reduce_sum3A_62 : vector<1xf32> to vector<1x1x1xf32>
      %reduce_sum3A_64 = vector.extract %reduce_sum3A_63[0, 0, 0] : f32 from vector<1x1x1xf32>
      %add3A_65 = arith.constant 0.000000e+00 : f32
      %add3A_66 = arith.addf %add3A_65, %reduce_sum3A_64 : f32
      %get3A_67 = arith.constant 1 : index
      %get3A_68 = arith.constant 0 : index
      %get3A_69 = vector.load %arg9[%get3A_67, %get3A_68] : memref<2x800xf32, #tpu.memory_space<vmem>>, vector<1x800xf32>
      %get3A_70 = arith.constant 0 : index
      %get3A_71 = arith.constant 800 : index
      %get3A_72 = vector.load %arg8[%get3A_70, %get3A_71] : memref<1x1600xf32, #tpu.memory_space<vmem>>, vector<1x800xf32>
      %mul3A_73 = arith.mulf %get3A_69, %get3A_72 : vector<1x800xf32>
      %mul3A_74 = arith.mulf %mul3A_73, %mul3A_73 : vector<1x800xf32>
      %reduce_sum3A_75 = vector.shape_cast %mul3A_74 : vector<1x800xf32> to vector<1x1x800xf32>
      %reduce_sum3A_76 = arith.constant dense<0.000000e+00> : vector<1xf32>
      %reduce_sum3A_77 = vector.multi_reduction <add>, %reduce_sum3A_75, %reduce_sum3A_76 [1, 2] : vector<1x1x800xf32> to vector<1xf32>
      %reduce_sum3A_78 = vector.shape_cast %reduce_sum3A_77 : vector<1xf32> to vector<1x1x1xf32>
      %reduce_sum3A_79 = vector.extract %reduce_sum3A_78[0, 0, 0] : f32 from vector<1x1x1xf32>
      %add3A_80 = arith.addf %add3A_66, %reduce_sum3A_79 : f32
      %mul3A_81 = arith.constant 2.38418574E-9 : f32
      %mul3A_82 = arith.mulf %add3A_80, %mul3A_81 : f32
      %swap3A_83 = arith.constant 0 : index
      %swap3A_84 = arith.constant 0 : index
      %swap3A_85 = arith.constant 0 : index
      %swap3A_86 = arith.constant 0 : index
      %swap3A_87 = memref.load %arg7[%swap3A_83, %swap3A_84, %swap3A_85, %swap3A_86] : memref<1x1x1x1xf32, #tpu.memory_space<smem>>
      memref.store %mul3A_82, %arg7[%swap3A_83, %swap3A_84, %swap3A_85, %swap3A_86] : memref<1x1x1x1xf32, #tpu.memory_space<smem>>
    } else {
    }
    return
  }
  func.func @transform_0(%arg0: i32, %arg1: i32, %arg2: i32) -> (i32, i32, i32) {
    %c0_i32 = arith.constant 0 : i32
    return %arg0, %arg2, %arg1 : i32, i32, i32
  }
  func.func @transform_1(%arg0: i32, %arg1: i32, %arg2: i32) -> (i32, i32, i32) {
    %c0_i32 = arith.constant 0 : i32
    return %arg0, %arg2, %arg1 : i32, i32, i32
  }
  func.func @transform_2(%arg0: i32, %arg1: i32, %arg2: i32) -> (i32, i32, i32) {
    %mul3A = arith.constant 2 : i32
    %mul3A_0 = arith.muli %arg1, %mul3A : i32
    %add3A = arith.addi %mul3A_0, %arg2 : i32
    %add3A_1 = arith.constant 8 : i32
    %add3A_2 = arith.addi %add3A, %add3A_1 : i32
    %c0_i32 = arith.constant 0 : i32
    %c0_i32_3 = arith.constant 0 : i32
    return %arg0, %add3A_2, %c0_i32 : i32, i32, i32
  }
  func.func @transform_3(%arg0: i32, %arg1: i32, %arg2: i32) -> (i32, i32, i32) {
    %mul3A = arith.constant 2 : i32
    %mul3A_0 = arith.muli %arg1, %mul3A : i32
    %add3A = arith.addi %mul3A_0, %arg2 : i32
    %add3A_1 = arith.constant 8 : i32
    %add3A_2 = arith.addi %add3A, %add3A_1 : i32
    %c0_i32 = arith.constant 0 : i32
    %c0_i32_3 = arith.constant 0 : i32
    return %arg0, %add3A_2, %c0_i32 : i32, i32, i32
  }
  func.func @transform_4(%arg0: i32, %arg1: i32, %arg2: i32) -> (i32, i32, i32, i32) {
    %c0_i32 = arith.constant 0 : i32
    %c0_i32_0 = arith.constant 0 : i32
    %c0_i32_1 = arith.constant 0 : i32
    return %arg0, %arg1, %c0_i32, %c0_i32_0 : i32, i32, i32, i32
  }
}

module attributes {stable_mosaic.version = 14 : i64} {
  func.func @body(%arg0: i32, %arg1: i32, %arg2: i32, %arg3: memref<1x256x400xf32, #tpu.memory_space<vmem>>, %arg4: memref<1x256x400xf32, #tpu.memory_space<vmem>>, %arg5: memref<1x400x80xf32, #tpu.memory_space<vmem>>, %arg6: memref<1x400x80xf32, #tpu.memory_space<vmem>>, %arg7: memref<1x1x1x1xf32, #tpu.memory_space<smem>>, %arg8: memref<1x400xf32, #tpu.memory_space<vmem>>, %arg9: memref<1x400xf32, #tpu.memory_space<vmem>>) attributes {dimension_semantics = [#tpu.dimension_semantics<arbitrary>, #tpu.dimension_semantics<arbitrary>, #tpu.dimension_semantics<arbitrary>], iteration_bounds = array<i64: 8, 1, 1>, scalar_prefetch = 0 : i64, scratch_operands = 2 : i64, tpu.core_type = #tpu.core_type<tc>, window_params = [{transform_indices = @transform_0, window_bounds = array<i64: 1, 256, 400>}, {transform_indices = @transform_1, window_bounds = array<i64: 1, 256, 400>}, {transform_indices = @transform_2, window_bounds = array<i64: 1, 400, 80>}, {transform_indices = @transform_3, window_bounds = array<i64: 1, 400, 80>}, {transform_indices = @transform_4, window_bounds = array<i64: 1, 1, 1, 1>}]} {
    %get3A = arith.constant 0 : index
    %get3A_0 = arith.constant 0 : index
    %get3A_1 = arith.constant 0 : index
    %get3A_2 = vector.load %arg4[%get3A, %get3A_0, %get3A_1] : memref<1x256x400xf32, #tpu.memory_space<vmem>>, vector<1x256x400xf32>
    %get3A_3 = arith.constant 0 : index
    %get3A_4 = arith.constant 0 : index
    %get3A_5 = arith.constant 0 : index
    %get3A_6 = vector.load %arg3[%get3A_3, %get3A_4, %get3A_5] : memref<1x256x400xf32, #tpu.memory_space<vmem>>, vector<1x256x400xf32>
    %sub3A = arith.subf %get3A_2, %get3A_6 : vector<1x256x400xf32>
    %mul3A = arith.mulf %sub3A, %sub3A : vector<1x256x400xf32>
    %reshape3A = vector.shape_cast %mul3A : vector<1x256x400xf32> to vector<256x400xf32>
    %broadcast_in_dim3A = arith.constant 1.000000e+00 : f32
    %broadcast_in_dim3A_7 = vector.broadcast %broadcast_in_dim3A : f32 to vector<1x256xf32>
    %dot_general3A = arith.constant dense<0.000000e+00> : vector<1x400xf32>
    %dot_general3A_8 = tpu.matmul %broadcast_in_dim3A_7, %reshape3A, %dot_general3A {dimension_numbers = #tpu.dot_dimension_numbers<[1], [0], [0], [1], [0, 0, 1, 1], [], []>, transpose_lhs_hint = false} : vector<1x256xf32>, vector<256x400xf32>, vector<1x400xf32> -> vector<1x400xf32>
    %eq3A = arith.constant 0 : i32
    %eq3A_9 = arith.cmpi eq, %arg2, %eq3A : i32
    %convert_element_type3A = arith.extui %eq3A_9 : i1 to i32
    %cond3A = arith.constant 0 : i32
    %cond3A_10 = arith.cmpi ne, %convert_element_type3A, %cond3A : i32
    scf.if %cond3A_10 {
      %swap3A_53 = arith.constant 0 : index
      %swap3A_54 = arith.constant 0 : index
      %swap3A_55 = vector.load %arg8[%swap3A_53, %swap3A_54] : memref<1x400xf32, #tpu.memory_space<vmem>>, vector<1x400xf32>
      tpu.vector_store %arg8[%swap3A_53, %swap3A_54], %dot_general3A_8 {strides = array<i32>} : memref<1x400xf32, #tpu.memory_space<vmem>>, vector<1x400xf32>,
    } else {
    }
    %ne3A = arith.constant 0 : i32
    %ne3A_11 = arith.cmpi ne, %arg2, %ne3A : i32
    %convert_element_type3A_12 = arith.extui %ne3A_11 : i1 to i32
    %cond3A_13 = arith.constant 0 : i32
    %cond3A_14 = arith.cmpi ne, %convert_element_type3A_12, %cond3A_13 : i32
    scf.if %cond3A_14 {
      %get3A_53 = arith.constant 0 : index
      %get3A_54 = arith.constant 0 : index
      %get3A_55 = vector.load %arg8[%get3A_53, %get3A_54] : memref<1x400xf32, #tpu.memory_space<vmem>>, vector<1x400xf32>
      %add3A_56 = arith.addf %get3A_55, %dot_general3A_8 : vector<1x400xf32>
      %swap3A_57 = arith.constant 0 : index
      %swap3A_58 = arith.constant 0 : index
      %swap3A_59 = vector.load %arg8[%swap3A_57, %swap3A_58] : memref<1x400xf32, #tpu.memory_space<vmem>>, vector<1x400xf32>
      tpu.vector_store %arg8[%swap3A_57, %swap3A_58], %add3A_56 {strides = array<i32>} : memref<1x400xf32, #tpu.memory_space<vmem>>, vector<1x400xf32>,
    } else {
    }
    %get3A_15 = arith.constant 0 : index
    %get3A_16 = arith.constant 0 : index
    %get3A_17 = arith.constant 0 : index
    %get3A_18 = vector.load %arg6[%get3A_15, %get3A_16, %get3A_17] : memref<1x400x80xf32, #tpu.memory_space<vmem>>, vector<1x400x80xf32>
    %neg3A = arith.constant 0.000000e+00 : f32
    %neg3A_19 = vector.broadcast %neg3A : f32 to vector<1x400x80xf32>
    %neg3A_20 = arith.subf %neg3A_19, %get3A_18 : vector<1x400x80xf32>
    %exp3A = math.exp %neg3A_20 : vector<1x400x80xf32>
    %add3A = arith.constant 1.000000e+00 : f32
    %add3A_21 = vector.broadcast %add3A : f32 to vector<1x400x80xf32>
    %add3A_22 = arith.addf %add3A_21, %exp3A : vector<1x400x80xf32>
    %div3A = arith.constant 1.000000e+00 : f32
    %div3A_23 = vector.broadcast %div3A : f32 to vector<1x400x80xf32>
    %div3A_24 = arith.divf %div3A_23, %add3A_22 : vector<1x400x80xf32>
    %get3A_25 = arith.constant 0 : index
    %get3A_26 = arith.constant 0 : index
    %get3A_27 = arith.constant 0 : index
    %get3A_28 = vector.load %arg5[%get3A_25, %get3A_26, %get3A_27] : memref<1x400x80xf32, #tpu.memory_space<vmem>>, vector<1x400x80xf32>
    %neg3A_29 = arith.constant 0.000000e+00 : f32
    %neg3A_30 = vector.broadcast %neg3A_29 : f32 to vector<1x400x80xf32>
    %neg3A_31 = arith.subf %neg3A_30, %get3A_28 : vector<1x400x80xf32>
    %exp3A_32 = math.exp %neg3A_31 : vector<1x400x80xf32>
    %add3A_33 = arith.constant 1.000000e+00 : f32
    %add3A_34 = vector.broadcast %add3A_33 : f32 to vector<1x400x80xf32>
    %add3A_35 = arith.addf %add3A_34, %exp3A_32 : vector<1x400x80xf32>
    %div3A_36 = arith.constant 1.000000e+00 : f32
    %div3A_37 = vector.broadcast %div3A_36 : f32 to vector<1x400x80xf32>
    %div3A_38 = arith.divf %div3A_37, %add3A_35 : vector<1x400x80xf32>
    %sub3A_39 = arith.subf %div3A_24, %div3A_38 : vector<1x400x80xf32>
    %reshape3A_40 = vector.shape_cast %sub3A_39 : vector<1x400x80xf32> to vector<400x80xf32>
    %mul3A_41 = arith.mulf %reshape3A_40, %reshape3A_40 : vector<400x80xf32>
    %broadcast_in_dim3A_42 = arith.constant 1.000000e+00 : f32
    %broadcast_in_dim3A_43 = vector.broadcast %broadcast_in_dim3A_42 : f32 to vector<1x80xf32>
    %dot_general3A_44 = arith.constant dense<0.000000e+00> : vector<1x400xf32>
    %dot_general3A_45 = tpu.matmul %broadcast_in_dim3A_43, %mul3A_41, %dot_general3A_44 {dimension_numbers = #tpu.dot_dimension_numbers<[1], [1], [0], [0], [0, 0, 1, 0], [], []>, transpose_lhs_hint = false} : vector<1x80xf32>, vector<400x80xf32>, vector<1x400xf32> -> vector<1x400xf32>
    %swap3A = arith.index_cast %arg2 : i32 to index
    %swap3A_46 = arith.constant 0 : index
    %swap3A_47 = vector.load %arg9[%swap3A, %swap3A_46] : memref<1x400xf32, #tpu.memory_space<vmem>>, vector<1x400xf32>
    tpu.vector_store %arg9[%swap3A, %swap3A_46], %dot_general3A_45 {strides = array<i32>} : memref<1x400xf32, #tpu.memory_space<vmem>>, vector<1x400xf32>,
    %eq3A_48 = arith.constant 0 : i32
    %eq3A_49 = arith.cmpi eq, %arg2, %eq3A_48 : i32
    %convert_element_type3A_50 = arith.extui %eq3A_49 : i1 to i32
    %cond3A_51 = arith.constant 0 : i32
    %cond3A_52 = arith.cmpi ne, %convert_element_type3A_50, %cond3A_51 : i32
    scf.if %cond3A_52 {
      %get3A_53 = arith.constant 0 : index
      %get3A_54 = arith.constant 0 : index
      %get3A_55 = vector.load %arg9[%get3A_53, %get3A_54] : memref<1x400xf32, #tpu.memory_space<vmem>>, vector<1x400xf32>
      %get3A_56 = arith.constant 0 : index
      %get3A_57 = arith.constant 0 : index
      %get3A_58 = vector.load %arg8[%get3A_56, %get3A_57] : memref<1x400xf32, #tpu.memory_space<vmem>>, vector<1x400xf32>
      %mul3A_59 = arith.mulf %get3A_55, %get3A_58 : vector<1x400xf32>
      %mul3A_60 = arith.mulf %mul3A_59, %mul3A_59 : vector<1x400xf32>
      %reduce_sum3A = vector.shape_cast %mul3A_60 : vector<1x400xf32> to vector<1x1x400xf32>
      %reduce_sum3A_61 = arith.constant dense<0.000000e+00> : vector<1xf32>
      %reduce_sum3A_62 = vector.multi_reduction <add>, %reduce_sum3A, %reduce_sum3A_61 [1, 2] : vector<1x1x400xf32> to vector<1xf32>
      %reduce_sum3A_63 = vector.shape_cast %reduce_sum3A_62 : vector<1xf32> to vector<1x1x1xf32>
      %reduce_sum3A_64 = vector.extract %reduce_sum3A_63[0, 0, 0] : f32 from vector<1x1x1xf32>
      %add3A_65 = arith.constant 0.000000e+00 : f32
      %add3A_66 = arith.addf %add3A_65, %reduce_sum3A_64 : f32
      %mul3A_67 = arith.constant 2.38418574E-9 : f32
      %mul3A_68 = arith.mulf %add3A_66, %mul3A_67 : f32
      %swap3A_69 = arith.constant 0 : index
      %swap3A_70 = arith.constant 0 : index
      %swap3A_71 = arith.constant 0 : index
      %swap3A_72 = arith.constant 0 : index
      %swap3A_73 = memref.load %arg7[%swap3A_69, %swap3A_70, %swap3A_71, %swap3A_72] : memref<1x1x1x1xf32, #tpu.memory_space<smem>>
      memref.store %mul3A_68, %arg7[%swap3A_69, %swap3A_70, %swap3A_71, %swap3A_72] : memref<1x1x1x1xf32, #tpu.memory_space<smem>>
    } else {
    }
    return
  }
  func.func @transform_0(%arg0: i32, %arg1: i32, %arg2: i32) -> (i32, i32, i32) {
    %c0_i32 = arith.constant 0 : i32
    return %arg0, %arg2, %arg1 : i32, i32, i32
  }
  func.func @transform_1(%arg0: i32, %arg1: i32, %arg2: i32) -> (i32, i32, i32) {
    %c0_i32 = arith.constant 0 : i32
    return %arg0, %arg2, %arg1 : i32, i32, i32
  }
  func.func @transform_2(%arg0: i32, %arg1: i32, %arg2: i32) -> (i32, i32, i32) {
    %mul3A = arith.constant 1 : i32
    %mul3A_0 = arith.muli %arg1, %mul3A : i32
    %add3A = arith.addi %mul3A_0, %arg2 : i32
    %add3A_1 = arith.constant 20 : i32
    %add3A_2 = arith.addi %add3A, %add3A_1 : i32
    %c0_i32 = arith.constant 0 : i32
    %c0_i32_3 = arith.constant 0 : i32
    return %arg0, %add3A_2, %c0_i32 : i32, i32, i32
  }
  func.func @transform_3(%arg0: i32, %arg1: i32, %arg2: i32) -> (i32, i32, i32) {
    %mul3A = arith.constant 1 : i32
    %mul3A_0 = arith.muli %arg1, %mul3A : i32
    %add3A = arith.addi %mul3A_0, %arg2 : i32
    %add3A_1 = arith.constant 20 : i32
    %add3A_2 = arith.addi %add3A, %add3A_1 : i32
    %c0_i32 = arith.constant 0 : i32
    %c0_i32_3 = arith.constant 0 : i32
    return %arg0, %add3A_2, %c0_i32 : i32, i32, i32
  }
  func.func @transform_4(%arg0: i32, %arg1: i32, %arg2: i32) -> (i32, i32, i32, i32) {
    %c0_i32 = arith.constant 0 : i32
    %c0_i32_0 = arith.constant 0 : i32
    %c0_i32_1 = arith.constant 0 : i32
    return %arg0, %arg1, %c0_i32, %c0_i32_0 : i32, i32, i32, i32
  }
}

module attributes {stable_mosaic.version = 14 : i64} {
  func.func @_combine_body(%arg0: memref<3x8x126x16xf32, #tpu.memory_space<vmem>>, %arg1: memref<3x8x16xi32, #tpu.memory_space<vmem>>, %arg2: memref<8x2x1x1xf32, #tpu.memory_space<vmem>>, %arg3: memref<8x1x1x1xf32, #tpu.memory_space<vmem>>, %arg4: memref<8x1x1x1xf32, #tpu.memory_space<vmem>>, %arg5: memref<1x1xf32, #tpu.memory_space<smem>>) attributes {dimension_semantics = [], scalar_prefetch = 0 : i64, scratch_operands = 0 : i64, tpu.core_type = #tpu.core_type<tc>} {
    %get3A = arith.constant 0 : index
    %get3A_0 = arith.constant 0 : index
    %get3A_1 = arith.constant 0 : index
    %get3A_2 = arith.constant 0 : index
    %get3A_3 = vector.load %arg0[%get3A, %get3A_0, %get3A_1, %get3A_2] : memref<3x8x126x16xf32, #tpu.memory_space<vmem>>, vector<3x8x126x16xf32>
    %slice3A = vector.extract_strided_slice %get3A_3 {offsets = [0, 0, 0, 0], sizes = [1, 8, 126, 16], strides = [1, 1, 1, 1]} : vector<3x8x126x16xf32> to vector<1x8x126x16xf32>
    %squeeze3A = vector.shape_cast %slice3A : vector<1x8x126x16xf32> to vector<8x126x16xf32>
    %slice3A_4 = vector.extract_strided_slice %get3A_3 {offsets = [1, 0, 0, 0], sizes = [1, 8, 126, 16], strides = [1, 1, 1, 1]} : vector<3x8x126x16xf32> to vector<1x8x126x16xf32>
    %squeeze3A_5 = vector.shape_cast %slice3A_4 : vector<1x8x126x16xf32> to vector<8x126x16xf32>
    %add3A = arith.addf %squeeze3A, %squeeze3A_5 : vector<8x126x16xf32>
    %slice3A_6 = vector.extract_strided_slice %get3A_3 {offsets = [2, 0, 0, 0], sizes = [1, 8, 126, 16], strides = [1, 1, 1, 1]} : vector<3x8x126x16xf32> to vector<1x8x126x16xf32>
    %squeeze3A_7 = vector.shape_cast %slice3A_6 : vector<1x8x126x16xf32> to vector<8x126x16xf32>
    %add3A_8 = arith.addf %add3A, %squeeze3A_7 : vector<8x126x16xf32>
    %reduce_sum3A = arith.constant dense<0.000000e+00> : vector<8x126xf32>
    %reduce_sum3A_9 = vector.multi_reduction <add>, %add3A_8, %reduce_sum3A [2] : vector<8x126x16xf32> to vector<8x126xf32>
    %slice3A_10 = vector.extract_strided_slice %reduce_sum3A_9 {offsets = [0, 0], sizes = [8, 21], strides = [1, 1]} : vector<8x126xf32> to vector<8x21xf32>
    %slice3A_11 = vector.extract_strided_slice %reduce_sum3A_9 {offsets = [0, 21], sizes = [8, 21], strides = [1, 1]} : vector<8x126xf32> to vector<8x21xf32>
    %slice3A_12 = vector.extract_strided_slice %reduce_sum3A_9 {offsets = [0, 42], sizes = [8, 21], strides = [1, 1]} : vector<8x126xf32> to vector<8x21xf32>
    %slice3A_13 = vector.extract_strided_slice %reduce_sum3A_9 {offsets = [0, 63], sizes = [8, 21], strides = [1, 1]} : vector<8x126xf32> to vector<8x21xf32>
    %slice3A_14 = vector.extract_strided_slice %reduce_sum3A_9 {offsets = [0, 84], sizes = [8, 21], strides = [1, 1]} : vector<8x126xf32> to vector<8x21xf32>
    %slice3A_15 = vector.extract_strided_slice %reduce_sum3A_9 {offsets = [0, 105], sizes = [8, 21], strides = [1, 1]} : vector<8x126xf32> to vector<8x21xf32>
    %gt3A = arith.constant 5.000000e-01 : f32
    %gt3A_16 = vector.broadcast %gt3A : f32 to vector<8x21xf32>
    %gt3A_17 = arith.cmpf ogt, %slice3A_10, %gt3A_16 : vector<8x21xf32>
    %broadcast_in_dim3A = arith.constant 1.000000e+00 : f32
    %broadcast_in_dim3A_18 = vector.broadcast %broadcast_in_dim3A : f32 to vector<8x21xf32>
    %select_n3A = arith.select %gt3A_17, %slice3A_10, %broadcast_in_dim3A_18 : vector<8x21xi1>, vector<8x21xf32>
    %select_n3A_19 = arith.select %gt3A_17, %slice3A_11, %broadcast_in_dim3A_18 : vector<8x21xi1>, vector<8x21xf32>
    %select_n3A_20 = arith.select %gt3A_17, %slice3A_13, %broadcast_in_dim3A_18 : vector<8x21xi1>, vector<8x21xf32>
    %select_n3A_21 = arith.select %gt3A_17, %slice3A_14, %broadcast_in_dim3A_18 : vector<8x21xi1>, vector<8x21xf32>
    %div3A = arith.divf %slice3A_12, %select_n3A_19 : vector<8x21xf32>
    %log3A = math.log %select_n3A : vector<8x21xf32>
    %add3A_22 = arith.addf %div3A, %log3A : vector<8x21xf32>
    %log3A_23 = math.log %select_n3A_19 : vector<8x21xf32>
    %sub3A = arith.subf %add3A_22, %log3A_23 : vector<8x21xf32>
    %div3A_24 = arith.divf %slice3A_15, %select_n3A_21 : vector<8x21xf32>
    %log3A_25 = math.log %select_n3A_20 : vector<8x21xf32>
    %add3A_26 = arith.addf %div3A_24, %log3A_25 : vector<8x21xf32>
    %log3A_27 = math.log %select_n3A_21 : vector<8x21xf32>
    %sub3A_28 = arith.subf %add3A_26, %log3A_27 : vector<8x21xf32>
    %iota3A = tpu.iota {dimensions = array<i32: 1>} : vector<8x21xi32>
    %ge3A = arith.constant 1 : i32
    %ge3A_29 = vector.broadcast %ge3A : i32 to vector<8x21xi32>
    %ge3A_30 = arith.cmpi sge, %iota3A, %ge3A_29 : vector<8x21xi32>
    %and3A = arith.andi %gt3A_17, %ge3A_30 : vector<8x21xi1>
    %le3A = arith.constant 19 : i32
    %le3A_31 = vector.broadcast %le3A : i32 to vector<8x21xi32>
    %le3A_32 = arith.cmpi sle, %iota3A, %le3A_31 : vector<8x21xi32>
    %and3A_33 = arith.andi %and3A, %le3A_32 : vector<8x21xi1>
    %add3A_34 = arith.addf %sub3A, %sub3A_28 : vector<8x21xf32>
    %jit3A = arith.constant 0.000000e+00 : f32
    %broadcast_in_dim3A_35 = vector.broadcast %jit3A : f32 to vector<8x21xf32>
    %select_n3A_36 = arith.select %and3A_33, %add3A_34, %broadcast_in_dim3A_35 : vector<8x21xi1>, vector<8x21xf32>
    %reduce_sum3A_37 = arith.constant dense<0.000000e+00> : vector<8xf32>
    %reduce_sum3A_38 = vector.multi_reduction <add>, %select_n3A_36, %reduce_sum3A_37 [1] : vector<8x21xf32> to vector<8xf32>
    %broadcast_in_dim3A_39 = vector.shape_cast %reduce_sum3A_38 : vector<8xf32> to vector<8x1xf32>
    %get3A_40 = arith.constant 0 : index
    %get3A_41 = arith.constant 0 : index
    %get3A_42 = arith.constant 0 : index
    %get3A_43 = vector.load %arg1[%get3A_40, %get3A_41, %get3A_42] : memref<3x8x16xi32, #tpu.memory_space<vmem>>, vector<3x8x16xi32>
    %slice3A_44 = vector.extract_strided_slice %get3A_43 {offsets = [0, 0, 0], sizes = [1, 8, 16], strides = [1, 1, 1]} : vector<3x8x16xi32> to vector<1x8x16xi32>
    %squeeze3A_45 = vector.shape_cast %slice3A_44 : vector<1x8x16xi32> to vector<8x16xi32>
    %slice3A_46 = vector.extract_strided_slice %get3A_43 {offsets = [1, 0, 0], sizes = [1, 8, 16], strides = [1, 1, 1]} : vector<3x8x16xi32> to vector<1x8x16xi32>
    %squeeze3A_47 = vector.shape_cast %slice3A_46 : vector<1x8x16xi32> to vector<8x16xi32>
    %max3A = arith.maxsi %squeeze3A_45, %squeeze3A_47 : vector<8x16xi32>
    %slice3A_48 = vector.extract_strided_slice %get3A_43 {offsets = [2, 0, 0], sizes = [1, 8, 16], strides = [1, 1, 1]} : vector<3x8x16xi32> to vector<1x8x16xi32>
    %squeeze3A_49 = vector.shape_cast %slice3A_48 : vector<1x8x16xi32> to vector<8x16xi32>
    %max3A_50 = arith.maxsi %max3A, %squeeze3A_49 : vector<8x16xi32>
    %reduce_max3A = arith.constant dense<-2147483648> : vector<8xi32>
    %reduce_max3A_51 = vector.multi_reduction <maxsi>, %max3A_50, %reduce_max3A [1] : vector<8x16xi32> to vector<8xi32>
    %broadcast_in_dim3A_52 = vector.shape_cast %reduce_max3A_51 : vector<8xi32> to vector<8x1xi32>
    %convert_element_type3A = arith.sitofp %broadcast_in_dim3A_52 : vector<8x1xi32> to vector<8x1xf32>
    %add3A_53 = arith.constant 1.000000e+00 : f32
    %add3A_54 = vector.broadcast %add3A_53 : f32 to vector<8x1xf32>
    %add3A_55 = arith.addf %convert_element_type3A, %add3A_54 : vector<8x1xf32>
    %div3A_56 = arith.divf %broadcast_in_dim3A_39, %add3A_55 : vector<8x1xf32>
    %reduce_sum3A_57 = vector.shape_cast %div3A_56 : vector<8x1xf32> to vector<1x8x1xf32>
    %reduce_sum3A_58 = arith.constant dense<0.000000e+00> : vector<1xf32>
    %reduce_sum3A_59 = vector.multi_reduction <add>, %reduce_sum3A_57, %reduce_sum3A_58 [1, 2] : vector<1x8x1xf32> to vector<1xf32>
    %reduce_sum3A_60 = vector.shape_cast %reduce_sum3A_59 : vector<1xf32> to vector<1x1x1xf32>
    %reduce_sum3A_61 = vector.extract %reduce_sum3A_60[0, 0, 0] : f32 from vector<1x1x1xf32>
    %mul3A = arith.constant 1.250000e-01 : f32
    %mul3A_62 = arith.mulf %reduce_sum3A_61, %mul3A : f32
    %get3A_63 = arith.constant 0 : index
    %get3A_64 = arith.constant 0 : index
    %get3A_65 = arith.constant 0 : index
    %get3A_66 = arith.constant 0 : index
    %get3A_67 = vector.load %arg2[%get3A_63, %get3A_64, %get3A_65, %get3A_66] : memref<8x2x1x1xf32, #tpu.memory_space<vmem>>, vector<8x2x1x1xf32>
    %reduce_sum3A_68 = vector.shape_cast %get3A_67 : vector<8x2x1x1xf32> to vector<1x8x2x1x1xf32>
    %reduce_sum3A_69 = arith.constant dense<0.000000e+00> : vector<1xf32>
    %reduce_sum3A_70 = vector.multi_reduction <add>, %reduce_sum3A_68, %reduce_sum3A_69 [1, 2, 3, 4] : vector<1x8x2x1x1xf32> to vector<1xf32>
    %reduce_sum3A_71 = vector.shape_cast %reduce_sum3A_70 : vector<1xf32> to vector<1x1x1x1x1xf32>
    %reduce_sum3A_72 = vector.extract %reduce_sum3A_71[0, 0, 0, 0, 0] : f32 from vector<1x1x1x1x1xf32>
    %mul3A_73 = arith.constant 1.95312496E-5 : f32
    %mul3A_74 = arith.mulf %reduce_sum3A_72, %mul3A_73 : f32
    %get3A_75 = arith.constant 0 : index
    %get3A_76 = arith.constant 0 : index
    %get3A_77 = arith.constant 0 : index
    %get3A_78 = arith.constant 0 : index
    %get3A_79 = vector.load %arg3[%get3A_75, %get3A_76, %get3A_77, %get3A_78] : memref<8x1x1x1xf32, #tpu.memory_space<vmem>>, vector<8x1x1x1xf32>
    %reduce_sum3A_80 = vector.shape_cast %get3A_79 : vector<8x1x1x1xf32> to vector<1x8x1x1x1xf32>
    %reduce_sum3A_81 = arith.constant dense<0.000000e+00> : vector<1xf32>
    %reduce_sum3A_82 = vector.multi_reduction <add>, %reduce_sum3A_80, %reduce_sum3A_81 [1, 2, 3, 4] : vector<1x8x1x1x1xf32> to vector<1xf32>
    %reduce_sum3A_83 = vector.shape_cast %reduce_sum3A_82 : vector<1xf32> to vector<1x1x1x1x1xf32>
    %reduce_sum3A_84 = vector.extract %reduce_sum3A_83[0, 0, 0, 0, 0] : f32 from vector<1x1x1x1x1xf32>
    %mul3A_85 = arith.constant 7.812500e-05 : f32
    %mul3A_86 = arith.mulf %reduce_sum3A_84, %mul3A_85 : f32
    %get3A_87 = arith.constant 0 : index
    %get3A_88 = arith.constant 0 : index
    %get3A_89 = arith.constant 0 : index
    %get3A_90 = arith.constant 0 : index
    %get3A_91 = vector.load %arg4[%get3A_87, %get3A_88, %get3A_89, %get3A_90] : memref<8x1x1x1xf32, #tpu.memory_space<vmem>>, vector<8x1x1x1xf32>
    %reduce_sum3A_92 = vector.shape_cast %get3A_91 : vector<8x1x1x1xf32> to vector<1x8x1x1x1xf32>
    %reduce_sum3A_93 = arith.constant dense<0.000000e+00> : vector<1xf32>
    %reduce_sum3A_94 = vector.multi_reduction <add>, %reduce_sum3A_92, %reduce_sum3A_93 [1, 2, 3, 4] : vector<1x8x1x1x1xf32> to vector<1xf32>
    %reduce_sum3A_95 = vector.shape_cast %reduce_sum3A_94 : vector<1xf32> to vector<1x1x1x1x1xf32>
    %reduce_sum3A_96 = vector.extract %reduce_sum3A_95[0, 0, 0, 0, 0] : f32 from vector<1x1x1x1x1xf32>
    %mul3A_97 = arith.constant 3.125000e-04 : f32
    %mul3A_98 = arith.mulf %reduce_sum3A_96, %mul3A_97 : f32
    %add3A_99 = arith.addf %mul3A_74, %mul3A_86 : f32
    %add3A_100 = arith.addf %add3A_99, %mul3A_98 : f32
    %mul3A_101 = arith.constant 0.333333343 : f32
    %mul3A_102 = arith.mulf %add3A_100, %mul3A_101 : f32
    %mul3A_103 = arith.constant 1.500000e+00 : f32
    %mul3A_104 = arith.mulf %mul3A_103, %mul3A_102 : f32
    %mul3A_105 = arith.constant 4.000000e+00 : f32
    %mul3A_106 = arith.mulf %mul3A_105, %mul3A_62 : f32
    %add3A_107 = arith.addf %mul3A_104, %mul3A_106 : f32
    %swap3A = arith.constant 0 : index
    %swap3A_108 = arith.constant 0 : index
    %swap3A_109 = memref.load %arg5[%swap3A, %swap3A_108] : memref<1x1xf32, #tpu.memory_space<smem>>
    memref.store %add3A_107, %arg5[%swap3A, %swap3A_108] : memref<1x1xf32, #tpu.memory_space<smem>>
    return
  }
}

</mosaic_0001>

<sc_bundles>
// kernel: kernel.7.cloned.1.call-start
scs
__scs_entry_jumppad:
0x0: {  	(pc) =	sbr.rel $0x88, $3  }
0x1: {  	(tag) =	ssettag $0x0;
	lr =	simm.s32 $0x1  }
0x2: {  	[smem:$0x3F94] =	sst lr;
	_ =	strace $0xD0000000  }
0x3: {  	_ = 	snop  }
0x4: {  	_ = 	snop  }
0x5: {  	_ = 	snop  }
0x6: {  	_ = 	snop  }
0x7: {  	_ = 	snop  }
__scs_overlays_trampoline_lowered:
0x8: {  	[smem:$0x3FA3] =	sst s0  }
0x9: {  	[smem:$0x3FA4] =	sst s1  }
0xa: {  	[smem:$0x3FA5] =	sst s2  }
0xb: {  	[smem:$0x3FA6] =	sst s3  }
0xc: {  	[smem:$0x3FA7] =	sst s4  }
0xd: {  	[smem:$0x3FA8] =	sst s5  }
0xe: {  	[smem:$0x3FA9] =	sst s6  }
0xf: {  	[smem:$0x3FAA] =	sst s7  }
0x10: {  	[smem:$0x3FAB] =	sst s8  }
0x11: {  	[smem:$0x3FAC] =	sst s9;
	s0 =	simm.s32 @!p0 $0x0  }
0x12: {  	s1 =	sld [smem:$0x3F92];
	s0 =	simm.s32 @p0 $0x1  }
0x13: {  	[smem:$0x3FAD] =	sst s0;
	s0 =	simm.s32 @!p1 $0x0  }
0x14: {  	s2 =	sld [smem:$0x3F91];
	s0 =	simm.s32 @p1 $0x1  }
0x15: {  	[smem:$0x3FAE] =	sst s0;
	s0 =	simm.s32 @!p2 $0x0  }
0x16: {  	s3 =	sld [smem:$0x3FDB];
	s0 =	simm.s32 @p2 $0x1  }
0x17: {  	s4 =	simm.s32 $0x1BF5;
	[smem:$0x3FB0] =	sst s0  }
0x18: {  	s0 =	sld [smem:$0x3F93];
	_ =	swait.ge [sflag:s4], $0x0  }
0x19: {  	s7 =	sld [smem:$0x3F94]  }
0x1a: {  	s8 =	sadd.s32 $0xFFFFE003, lr  }
0x1b: {  	s9 =	sadd.s32 $0xFFFFFEF7, lr;
	s5 =	simm.s32 $0xFFFFFFFF;
	p2 =	slt.u32 s8, $0xFFFFF086  }
0x1c: {  	p1 =	slt.u32 s9, $0xF7A;
	s5 =	simm.s32 @!p2 $0x0  }
0x1d: {  	s5 =	simm.s32 @p1 $0x1;
	p0 =	seq.s32 s7, s2  }
0x1e: {  	s7 =	smul.u32 @!p0 $0xF7A, s2;
	p2 =	seq.s32 @!p0 s5, $0x0  }
0x1f: {  	s9 =	smul.u32 $0xF7A, s1;
	s8 =	simm.s32 @!p0 $0x1BF5;
	p2 =	por !p2, p0  }
0x20: {  	[sflag:s8] =	ssyncset.s32 @!p0 $0xFFFFF086;
	s6 =	sadd.s32 @!p0 s3, s7;
	s7 =	simm.s32 @!p0 $0x108  }
0x21: {  	s3 =	sadd.s32 s3, s9;
	s6 =	sadd.s32 @!p0 $0x88, s6;
	s7 =	simm.s32 @p2 $0x1082  }
0x22: {  	[simem:s7], [sflag:s8] =	dma.local @!p0 [hbm:s6], $0xF7A  }
0x23: {  	s9 =	sor.u32 $0xD0000000, s2;
	s6 =	simm.s32 $0x108;
	_ =	swait.ge @!p0 [sflag:s8], $0x0  }
0x24: {  	s3 =	sadd.s32 $0x88, s3;
	s6 =	simm.s32 @!p1 $0x1082;
	[sflag:s4] =	ssyncset.s32 $0xFFFFF086  }
0x25: {  	[simem:s6], [sflag:s4] =	dma.local [hbm:s3], $0xF7A  }
0x26: {  	[smem:$0x3F94] =	sst s1;
	(tag) =	ssettag s2;
	_ =	strace s9  }
0x27: {  	s1 =	sld [smem:$0x3FA4]  }
0x28: {  	s2 =	sld [smem:$0x3FA5]  }
0x29: {  	s4 =	sld [smem:$0x3FA7]  }
0x2a: {  	p0 =	seq.s32 s5, $0x0;
	s5 =	sld [smem:$0x3FA8]  }
0x2b: {  	s6 =	sld [smem:$0x3FA9]  }
0x2c: {  	s7 =	sld [smem:$0x3FAA]  }
0x2d: {  	s3 =	simm.s32 $0x108;
	s8 =	sld [smem:$0x3FAB]  }
0x2e: {  	s3 =	simm.s32 @!p0 $0x1082;
	s9 =	sld [smem:$0x3FAC]  }
0x2f: {  	lr =	sadd.s32 s0, s3;
	s0 =	sld [smem:$0x3FA3]  }
0x30: {  	s3 =	sld [smem:$0x3FA6]  }
0x31: {  	[smem:$0x3FAF] =	sst s10  }
0x32: {  	s10 =	sld [smem:$0x3FAD];
	_ =	sdelay $0x3  }
0x33: {  	p0 =	seq.s32 s10, $0x1;
	s10 =	sld [smem:$0x3FAF];
	_ =	sdelay $0x3  }
0x34: {  	[smem:$0x3FAF] =	sst s10  }
0x35: {  	s10 =	sld [smem:$0x3FAE];
	_ =	sdelay $0x3  }
0x36: {  	p1 =	seq.s32 s10, $0x1;
	s10 =	sld [smem:$0x3FAF];
	_ =	sdelay $0x3  }
0x37: {  	[smem:$0x3FAF] =	sst s10  }
0x38: {  	s10 =	sld [smem:$0x3FB0]  }
0x39: {  	_ = 	snop;
	(pc) =	sbr.ind lr, $3  }
0x3a: {  	_ = 	snop  }
0x3b: {  	_ = 	snop  }
0x3c: {  	p2 =	seq.s32 s10, $0x1;
	s10 =	sld [smem:$0x3FAF]  }
0x3d: {  	_ =	shalt  }
0x3e: {  	_ =	shalt  }
0x3f: {  	_ =	shalt  }
0x40: {  	_ =	shalt  }
0x41: {  	_ =	shalt  }
0x42: {  	_ =	shalt  }
0x43: {  	_ =	shalt  }
0x44: {  	_ =	shalt  }
0x45: {  	_ =	shalt  }
0x46: {  	_ =	shalt  }
0x47: {  	_ =	shalt  }
0x48: {  	_ =	shalt  }
0x49: {  	_ =	shalt  }
0x4a: {  	_ =	shalt  }
0x4b: {  	_ =	shalt  }
0x4c: {  	_ =	shalt  }
0x4d: {  	_ =	shalt  }
0x4e: {  	_ =	shalt  }
0x4f: {  	_ =	shalt  }
0x50: {  	_ =	shalt  }
0x51: {  	_ =	shalt  }
0x52: {  	_ =	shalt  }
0x53: {  	_ =	shalt  }
0x54: {  	_ =	shalt  }
0x55: {  	_ =	shalt  }
0x56: {  	_ =	shalt  }
0x57: {  	_ =	shalt  }
0x58: {  	_ =	shalt  }
0x59: {  	_ =	shalt  }
0x5a: {  	_ =	shalt  }
0x5b: {  	_ =	shalt  }
0x5c: {  	_ =	shalt  }
0x5d: {  	_ =	shalt  }
0x5e: {  	_ =	shalt  }
0x5f: {  	_ =	shalt  }
0x60: {  	_ =	shalt  }
0x61: {  	_ =	shalt  }
0x62: {  	_ =	shalt  }
0x63: {  	_ =	shalt  }
0x64: {  	_ =	shalt  }
0x65: {  	_ =	shalt  }
0x66: {  	_ =	shalt  }
0x67: {  	_ =	shalt  }
0x68: {  	_ =	shalt  }
0x69: {  	_ =	shalt  }
0x6a: {  	_ =	shalt  }
0x6b: {  	_ =	shalt  }
0x6c: {  	_ =	shalt  }
0x6d: {  	_ =	shalt  }
0x6e: {  	_ =	shalt  }
0x6f: {  	_ =	shalt  }
0x70: {  	_ =	shalt  }
0x71: {  	_ =	shalt  }
0x72: {  	_ =	shalt  }
0x73: {  	_ =	shalt  }
0x74: {  	_ =	shalt  }
0x75: {  	_ =	shalt  }
0x76: {  	_ =	shalt  }
0x77: {  	_ =	shalt  }
0x78: {  	_ =	shalt  }
0x79: {  	_ =	shalt  }
0x7a: {  	_ =	shalt  }
0x7b: {  	_ =	shalt  }
0x7c: {  	_ =	shalt  }
0x7d: {  	_ =	shalt  }
0x7e: {  	_ =	shalt  }
0x7f: {  	_ =	shalt  }
0x80: {  	_ =	shalt  }
0x81: {  	_ =	shalt  }
0x82: {  	_ =	shalt  }
0x83: {  	_ =	shalt  }
0x84: {  	_ =	shalt  }
0x85: {  	_ =	shalt  }
0x86: {  	_ =	shalt  }
0x87: {  	_ =	shalt  }
.Lfunc_end0:
.L_simem_size_0:
called_computation_lowered:
.L_overlay_start_0:
0x88: {  	s2 =	sld [smem:$0x3FD9]  }
0x89: {  	s3 =	sld [smem:$0x3FFE];
	_ =	sdelay $0x1  }
0x8a: {  	s1 =	srdreg.scid  }
0x8b: {  	s0 =	sand.u32 $0x1, s1  }
0x8c: {  	s16 =	sshll.u32 s0, $0xA;
	s2 =	sadd.s32 s3, s2  }
0x8d: {  	s2 =	sadd.s32 s2, s16  }
0x8e: {  	[smem:$0x3FBB] =	sst s2  }
0x8f: {  	_ = 	snop  }
0x90: {  	(tm) =	ssettm $0x1  }
0x91: {  	s17 =	sld [smem:$0x3FFB];
	_ =	sdelay $0x3  }
0x92: {  	_ =	strace s17  }
0x93: {  	s2 =	sld [smem:$0x3FFC];
	_ =	sdelay $0x3  }
0x94: {  	_ =	strace s2  }
0x95: {  	s2 =	sld [smem:$0x3FFD];
	_ =	sdelay $0x3  }
0x96: {  	_ =	strace s2  }
0x97: {  	_ =	strace $0x8FFFFFFF  }
0x98: {  	s18 =	sld [smem:$0x3FDB];
	_ =	sdelay $0x1  }
0x99: {  	s19 =	simm.s32 $_scs_section_size  }
0x9a: {  	s4 =	simm.s32 $_size__tile_overlayer_lowered;
	s5 =	simm.s32 $_tile_overlayer_lowered  }
0x9b: {  	s22 =	simm.s32 $0x1BFF;
	s21 =	sshll.u32 s5, $0x1;
	s2 =	sadd.s32 s19, s18  }
0x9c: {  	s6 =	simm.s32 $0x0;
	s20 =	sshll.u32 s4, $0x1;
	s4 =	sadd.s32 s21, s2  }
0x9d: {  	[timem:s6], [sflag:s22] =	dma.local [hbm:s4], s20  }
0x9e: {  	_ =	swait.ge [sflag:s22], s20  }
0x9f: {  	s3 =	ssub.s32 $0x0, s20;
	[sflag:s22] =	ssyncset.done $0x0  }
0xa0: {  	[sflag:s22] =	ssyncadd.s32 s3;
	_ =	sdelay $0x1  }
0xa1: {  	s23 =	simm.s32 $0x1B8B  }
0xa2: {  	_ =	swait.ge [sflag:s23], $0x1  }
0xa3: {  	[sflag:s23] =	ssyncset.done $0x0  }
0xa4: {  	s25 =	simm.s32 $0x1B8E;
	s24 =	sld [smem:$0x3FFE];
	[sflag:s23] =	ssyncadd.s32 $0xFFFFFFFF  }
0xa5: {  	s26 =	simm.s32 $execute0_lowered;
	[smem:$0x3FD2] =	sst s25  }
0xa6: {  	s4 =	sshll.u32 s26, $0x1;
	_ =	strace $0x80000046;
	[dreg:$0x1] =	wrdreg $0xFFFFFFFF  }
0xa7: {  	s28 =	simm.s32 $_size_execute0_lowered;
	s2 =	sadd.s32 s2, s4;
	[dreg:$0x0] =	wrdreg $0x0  }
0xa8: {  	s4 =	sshll.u32 s28, $0x1;
	[dreg:$0x2] =	wrdreg s2  }
0xa9: {  	[dreg:$0x3] =	wrdreg s4  }
0xaa: {  	[dreg:$0x4] =	wrdreg $0xC0  }
0xab: {  	_ =	task [dreg:s6], $0x5FFFF  }
0xac: {  	[dreg:$0x1] =	wrdreg $0xFFFFFFFF  }
0xad: {  	[dreg:$0x0] =	wrdreg $0x60  }
0xae: {  	[dreg:$0x2] =	wrdreg s24  }
0xaf: {  	[dreg:$0x3] =	wrdreg $0x9  }
0xb0: {  	_ =	task.clear_ibuf [dreg:s6], $0x4FFFF;
	_ =	strace $0x90000046  }
0xb1: {  	s29 =	simm.s32 $0x9;
	_ =	strace $0x80000048  }
0xb2: {  	_ =	swait.ge [sflag:s29], $0x1  }
0xb3: {  	[sflag:s29] =	ssyncadd.s32 $0xFFFFFFFF  }
0xb4: {  	_ =	strace $0x90000048  }
0xb5: {  	_ =	sfence  }
0xb6: {  	s30 =	sld [smem:$0x0];
	_ =	sdelay $0x2  }
0xb7: {  	s31 =	sshll.u32 s1, $0xD;
	s1 =	sshrl.u32 s1, $0x2  }
0xb8: {  	s3 =	sand.u32 $0x4000, s31;
	s1 =	sadd.s32 s1, s30  }
0xb9: {  	s0 =	sor.u32 s3, s0;
	s1 =	sshll.u32 s1, $0x11  }
0xba: {  	s0 =	sor.u32 s1, s0  }
0xbb: {  	s0 =	sadd.s32 $0x8F2B, s0  }
0xbc: {  	[sflag:s0] =	ssyncadd.remote.s32 $0x1  }
0xbd: {  	_ =	sfence.sel $0xFFFF  }
0xbe: {  	[dreg:$0x0] =	wrdreg $0xFFFFFFFF;
	(pc) =	sbr.abs _section_cstart, $3  }
0xbf: {  	[dreg:$0x1] =	wrdreg $0xFFFFFFFF  }
0xc0: {  	_ =	task.clear_ibuf [dreg:s6], $0x2FFFF;
	_ =	strace $0x9FFFFFFF  }
0xc1: {  	(tm) =	ssettm $0x7FFFFFFF  }
tec
execute0_lowered:
.L_overlay_start_1:
0x0: {  	(tag) =	ssettag $0x1  }
0x1: {  	s1 =	stileid.u32  }
0x2: {  	p0 =	sgt.u32 s1, $0xB  }
.Ltmp0:
0x3: {  	_ = 	snop;
	(pc) =	sbr.rel @p0 .LBB2_9-.Ltmp0, $4  }
0x4: {  	_ = 	snop  }
0x5: {  	s2 =	simm.s32 $0x0  }
0x6: {  	[smem:$0x7FF] =	sst s2  }
0x7: {  	s0 =	rddreg [dreg:$0x0];
	_ =	strace $0x80000047  }
0x8: {  	s1 =	srdreg.scid;
	s3 =	stileid.u32  }
0x9: {  	s1 =	sand.u32 $0x1, s1;
	s3 =	sshll.u32 s3, $0x1  }
0xa: {  	s5 =	sor.u32 s1, s3  }
0xb: {  	s3 =	smul.u32 $0x56, s5  }
0xc: {  	s10 =	sadd.s32 $0x1B2E00, s0  }
0xd: {  	s1 =	ssub.s32 $0x2, s1;
	s9 =	smulhi.u32 $0x55555556, s5;
	s4 =	sshrl.u32 s3, $0x8  }
0xe: {  	s18 =	simm.s32 $0x70;
	s13 =	sshrl.u32 s1, $0x1;
	s6 =	smul.u32 $0x3, s4  }
0xf: {  	s15 =	simm.s32 $0x5700;
	s20 =	simm.s32 $0x0;
	s30 =	ssub.s32 s1, s13  }
0x10: {  	s13 =	simm.s32 $0x2;
	s14 =	smul.u32 $0x20D0, s9;
	s6 =	ssub.s32 s5, s6  }
0x11: {  	s7 =	sshrl.u32 s3, $0xB;
	s4 =	smul.u32 $0x20D0, s4;
	s6 =	sand.u32 $0xFF, s6  }
0x12: {  	s3 =	sshrl.u32 s3, $0x1;
	s12 =	smul.u32 $0xAF0, s6;
	s6 =	sadd.s32 s6, s7  }
0x13: {  	s3 =	sand.u32 $0x380, s3;
	s7 =	sshll.u32 s6, $0xE;
	s6 =	sshll.u32 s6, $0xA  }
0x14: {  	s4 =	sadd.s32 s12, s4;
	s22 =	sor.u32 s3, s7;
	s6 =	sor.u32 s3, s6  }
0x15: {  	s3 =	sadd.s32 $0x10A800, s0;
	s31 =	sadd.s32 s12, s14;
	s14 =	simm.s32 $0x1  }
0x16: {  	s11 =	sshrl.u32 s4, $0x3;
	s4 =	sshrl.u32 s22, $0x3;
	s24 =	sshrl.u32 s6, $0x3  }
0x17: {  	s12 =	sadd.s32 $0x60, s31;
	s23 =	sadd.s32 s11, s0;
	s8 =	sadd.s32 s4, s0  }
0x18: {  	s25 =	sadd.s32 s24, s0;
	s10 =	sadd.s32 s10, s11;
	s26 =	sadd.s32 $0x1B5000, s23  }
0x19: {  	s11 =	smax.u32 s30, $0x1;
	s28 =	sadd.s32 $0x1B7200, s23;
	[dreg:$0x2] =	wrdreg s26  }
0x1a: {  	v0 =	vimm.f32 $0.0e+00;
	v1 =	vlaneseq.u32;
	s29 =	sadd.s32 $0x1AEA00, s23;
	s7 =	sadd.s32 $0x1B0C00, s23;
	[dreg:$0x3] =	wrdreg s28  }
0x1b: {  	v2 =	vimm.s32 $0x0;
	v3 =	vmul.u32 $0x50, v1;
	v4 =	vor.u32 $0x140, v1;
	s8 =	sadd.s32 $0x1B9400, s8;
	s9 =	sadd.s32 $0x1BAC00, s25;
	[dreg:$0x4] =	wrdreg s29  }
.LBB2_2:
0x1c: {  	s0 =	simm.s32 $0x40;
	s1 =	simm.s32 $0x0  }
.LBB2_3:
0x1d: {  	p0 =	sne.s32 s0, $0x1F40;
	[tilespmem:s1+$0x5700] =	vst v0;
	s1 =	smov.u32 s0;
	s0 =	sadd.s32 $0x40, s0  }
.Ltmp1:
0x1e: {  	(pc) =	sbr.rel @p0 .LBB2_3-.Ltmp1, $2  }
0x1f: {  	_ =	sdelay $0x2  }
0x20: {  	s1 =	sshra.s32 s1, $0x2  }
0x21: {  	[tilespmem:s1+$0x5700] =	vst v0  }
0x22: {  	[tilespmem:$0x5F00] =	vst v2  }
0x23: {  	[tilespmem:s2], [sflag:$0x2] =	stream.linear.gather [hbm4b:s10+s2], $0xAF0, $0x38;
	[tilespmem:$0x5F80] =	vst v63  }
0x24: {  	_ =	swait.ge [sflag:s13], $0xAF0  }
0x25: {  	[sflag:s13] =	ssyncset.done $0x0  }
0x26: {  	s19 =	simm.s32 $0xB00;
	s0 =	rddreg [dreg:$0x2];
	[sflag:s13] =	ssyncadd.s32 $0xFFFFF510  }
0x27: {  	[tilespmem:s19], [sflag:$0x2] =	stream.linear.gather [hbm4b:s0+s2], $0xAF0, $0x38;
	[tilespmem:$0x5F80] =	vst v63  }
0x28: {  	_ =	swait.ge [sflag:s13], $0xAF0  }
0x29: {  	[sflag:s13] =	ssyncset.done $0x0  }
0x2a: {  	s22 =	simm.s32 $0x1600;
	s21 =	rddreg [dreg:$0x3];
	[sflag:s13] =	ssyncadd.s32 $0xFFFFF510  }
0x2b: {  	[tilespmem:s22], [sflag:$0x2] =	stream.linear.gather [hbm4b:s21+s2], $0xAF0, $0x38;
	[tilespmem:$0x5F80] =	vst v63  }
0x2c: {  	_ =	swait.ge [sflag:s13], $0xAF0  }
0x2d: {  	[sflag:s13] =	ssyncset.done $0x0  }
0x2e: {  	s24 =	simm.s32 $0x2100;
	s23 =	rddreg [dreg:$0x4];
	[sflag:s13] =	ssyncadd.s32 $0xFFFFF510  }
0x2f: {  	[tilespmem:s24], [sflag:$0x2] =	stream.linear.gather [hbm4b:s23+s2], $0xAF0, $0x38;
	[tilespmem:$0x5F80] =	vst v63  }
0x30: {  	_ =	swait.ge [sflag:s13], $0xAF0  }
0x31: {  	[sflag:s13] =	ssyncset.done $0x0  }
0x32: {  	s25 =	simm.s32 $0x2C00;
	s26 =	simm.s32 $0xFFFFFFF9;
	[sflag:s13] =	ssyncadd.s32 $0xFFFFF510  }
0x33: {  	[tilespmem:s25], [sflag:$0x2] =	stream.linear.gather [hbm4b:s7+s2], $0xAF0, $0x38;
	[tilespmem:$0x5F80] =	vst v63  }
0x34: {  	s1 =	smul.u32 $0x25, s26;
	_ =	swait.ge [sflag:s13], $0xAF0  }
0x35: {  	s16 =	sadd.s32 $0xFFFFFFA0, s12;
	[sflag:s13] =	ssyncset.done $0x0  }
0x36: {  	s17 =	sadd.s32 $0x103, s1;
	s0 =	simm.s32 $0x2C30;
	[sflag:s13] =	ssyncadd.s32 $0xFFFFF510  }
0x37: {  	v6 =	vmov s16;
	s28 =	sshrl.u32 s17, $0x8;
	v5 =	vld [tilespmem:s0+$0xFFFFFFD0]  }
0x38: {  	v6 =	vmul.u32 $0x50, v6;
	s17 =	ssub.s32 $0x0, s28  }
0x39: {  	s17 =	sand.u32 $0xFE, s17  }
0x3a: {  	v6 =	vbroadcast v6, $0x0;
	s17 =	sshrl.u32 s17, $0x1  }
0x3b: {  	s16 =	sadd.s32 s28, s17  }
0x3c: {  	s16 =	sand.u32 $0xFC, s16;
	v5 =	vadd.s32 v5, v6  }
0x3d: {  	s29 =	sadd.s32 $0x128, s1;
	s16 =	sshll.u32 s16, $0x5;
	v5 =	vadd.s32 v3, v5  }
0x3e: {  	s30 =	sadd.s32 $0xFFFFFFB0, s12;
	s17 =	sshrl.u32 s29, $0x8;
	[tilespmem:s16+$0x3700] =	vst v5  }
0x3f: {  	s31 =	ssub.s32 $0xFFFFFFF9, s17;
	v6 =	vmov s30;
	v5 =	vld [tilespmem:s0+$0xFFFFFFE0]  }
0x40: {  	v6 =	vmul.u32 $0x50, v6;
	s16 =	sadd.s32 $0x8, s31  }
0x41: {  	s16 =	sand.u32 $0xFE, s16  }
0x42: {  	v6 =	vbroadcast v6, $0x0;
	s16 =	sshrl.u32 s16, $0x1  }
0x43: {  	s16 =	sadd.s32 s17, s16  }
0x44: {  	s16 =	sand.u32 $0xFC, s16;
	v5 =	vadd.s32 v5, v6  }
0x45: {  	s4 =	sadd.s32 $0x14D, s1;
	s16 =	sshll.u32 s16, $0x5;
	v5 =	vadd.s32 v3, v5  }
0x46: {  	s5 =	sadd.s32 $0xFFFFFFC0, s12;
	s17 =	sshrl.u32 s4, $0x8;
	[tilespmem:s16+$0x3710] =	vst v5  }
0x47: {  	s6 =	ssub.s32 $0xFFFFFFF9, s17;
	v6 =	vmov s5;
	v5 =	vld [tilespmem:s0+$0xFFFFFFF0]  }
0x48: {  	v6 =	vmul.u32 $0x50, v6;
	s16 =	sadd.s32 $0x9, s6  }
0x49: {  	s16 =	sand.u32 $0xFE, s16  }
0x4a: {  	v6 =	vbroadcast v6, $0x0;
	s16 =	sshrl.u32 s16, $0x1  }
0x4b: {  	s16 =	sadd.s32 s17, s16  }
0x4c: {  	s16 =	sand.u32 $0xFC, s16;
	v5 =	vadd.s32 v5, v6  }
0x4d: {  	s19 =	sadd.s32 $0x172, s1;
	s16 =	sshll.u32 s16, $0x5;
	v5 =	vadd.s32 v3, v5  }
0x4e: {  	s21 =	sadd.s32 $0xFFFFFFD0, s12;
	s17 =	sshrl.u32 s19, $0x8;
	[tilespmem:s16+$0x3720] =	vst v5  }
0x4f: {  	s22 =	ssub.s32 $0xFFFFFFF9, s17;
	v6 =	vmov s21;
	v5 =	vld [tilespmem:s0+$0x0]  }
0x50: {  	v6 =	vmul.u32 $0x50, v6;
	s16 =	sadd.s32 $0xA, s22  }
0x51: {  	s16 =	sand.u32 $0xFE, s16  }
0x52: {  	v6 =	vbroadcast v6, $0x0;
	s16 =	sshrl.u32 s16, $0x1  }
0x53: {  	s16 =	sadd.s32 s17, s16  }
0x54: {  	s16 =	sand.u32 $0xFC, s16;
	v5 =	vadd.s32 v5, v6  }
0x55: {  	s23 =	sadd.s32 $0x197, s1;
	s16 =	sshll.u32 s16, $0x5;
	v5 =	vadd.s32 v3, v5  }
0x56: {  	s24 =	sadd.s32 $0xFFFFFFE0, s12;
	s17 =	sshrl.u32 s23, $0x8;
	[tilespmem:s16+$0x3730] =	vst v5  }
0x57: {  	s25 =	ssub.s32 $0xFFFFFFF9, s17;
	v6 =	vmov s24;
	v5 =	vld [tilespmem:s0+$0x10]  }
0x58: {  	v6 =	vmul.u32 $0x50, v6;
	s16 =	sadd.s32 $0xB, s25  }
0x59: {  	s16 =	sand.u32 $0xFE, s16  }
0x5a: {  	v6 =	vbroadcast v6, $0x0;
	s16 =	sshrl.u32 s16, $0x1  }
0x5b: {  	s16 =	sadd.s32 s17, s16  }
0x5c: {  	s16 =	sand.u32 $0xFC, s16;
	v5 =	vadd.s32 v5, v6  }
0x5d: {  	s26 =	sadd.s32 $0x1BC, s1;
	s16 =	sshll.u32 s16, $0x5;
	v5 =	vadd.s32 v3, v5  }
0x5e: {  	s28 =	sadd.s32 $0xFFFFFFF0, s12;
	s17 =	sshrl.u32 s26, $0x8;
	[tilespmem:s16+$0x3740] =	vst v5  }
0x5f: {  	s29 =	ssub.s32 $0xFFFFFFF9, s17;
	v6 =	vmov s28;
	v5 =	vld [tilespmem:s0+$0x20]  }
0x60: {  	v6 =	vmul.u32 $0x50, v6;
	s16 =	sadd.s32 $0xC, s29  }
0x61: {  	s16 =	sand.u32 $0xFE, s16  }
0x62: {  	v6 =	vbroadcast v6, $0x0;
	s16 =	sshrl.u32 s16, $0x1  }
0x63: {  	s16 =	sadd.s32 s17, s16  }
0x64: {  	s16 =	sand.u32 $0xFC, s16;
	v5 =	vadd.s32 v5, v6  }
0x65: {  	s1 =	sadd.s32 $0x1E1, s1;
	s16 =	sshll.u32 s16, $0x5;
	v5 =	vadd.s32 v3, v5  }
0x66: {  	s1 =	sshrl.u32 s1, $0x8;
	[tilespmem:s16+$0x3750] =	vst v5  }
0x67: {  	s30 =	ssub.s32 $0xFFFFFFF9, s1;
	v6 =	vmov s12;
	v5 =	vld [tilespmem:s0+$0x30]  }
0x68: {  	s31 =	sadd.s32 $0xD, s30;
	v6 =	vmul.u32 $0x50, v6  }
0x69: {  	s0 =	sand.u32 $0xFE, s31  }
0x6a: {  	v6 =	vbroadcast v6, $0x0;
	s0 =	sshrl.u32 s0, $0x1  }
0x6b: {  	s19 =	simm.s32 $0x7;
	s21 =	simm.s32 $0x7;
	s1 =	sadd.s32 s1, s0  }
0x6c: {  	s16 =	simm.s32 $0x2CA0;
	s0 =	simm.s32 $0x0;
	s1 =	sand.u32 $0xFC, s1;
	v5 =	vadd.s32 v5, v6  }
0x6d: {  	s17 =	smul.u32 $0x25, s0;
	s22 =	sshll.u32 s1, $0x5;
	s1 =	sadd.s32 $0x70, s12;
	v5 =	vadd.s32 v3, v5  }
.LBB2_5:
0x6e: {  	s23 =	sadd.s32 $0xFFFFFFA0, s1  }
0x6f: {  	s24 =	sadd.s32 $0x103, s17;
	[tilespmem:s22+$0x3760] =	vst v5;
	s22 =	smov.u32 s21;
	s21 =	sadd.s32 $0x7, s21  }
0x70: {  	p0 =	slt.u32 s21, $0xA8;
	v5 =	vld [tilespmem:s16+$0xFFFFFFD0];
	v6 =	vmov s23;
	s23 =	sshrl.u32 s24, $0x8  }
0x71: {  	v6 =	vmul.u32 $0x50, v6;
	s24 =	ssub.s32 s19, s23;
	s19 =	smov.u32 s21  }
0x72: {  	s24 =	sand.u32 $0xFE, s24  }
0x73: {  	v6 =	vbroadcast v6, $0x0;
	s24 =	sshrl.u32 s24, $0x1  }
0x74: {  	s23 =	sadd.s32 s23, s24  }
0x75: {  	v5 =	vadd.s32 v5, v6;
	s23 =	sand.u32 $0xFC, s23  }
0x76: {  	s24 =	sadd.s32 $0x128, s17;
	v5 =	vadd.s32 v3, v5;
	s23 =	sshll.u32 s23, $0x5  }
0x77: {  	s24 =	sshrl.u32 s24, $0x8;
	[tilespmem:s23+$0x3700] =	vst v5;
	s23 =	sadd.s32 $0xFFFFFFB0, s1  }
0x78: {  	v5 =	vld [tilespmem:s16+$0xFFFFFFE0];
	v6 =	vmov s23;
	s23 =	ssub.s32 s0, s24  }
0x79: {  	v6 =	vmul.u32 $0x50, v6;
	s23 =	sadd.s32 $0x8, s23  }
0x7a: {  	s23 =	sand.u32 $0xFE, s23  }
0x7b: {  	v6 =	vbroadcast v6, $0x0;
	s23 =	sshrl.u32 s23, $0x1  }
0x7c: {  	s23 =	sadd.s32 s24, s23  }
0x7d: {  	v5 =	vadd.s32 v5, v6;
	s23 =	sand.u32 $0xFC, s23  }
0x7e: {  	s24 =	sadd.s32 $0x14D, s17;
	v5 =	vadd.s32 v3, v5;
	s23 =	sshll.u32 s23, $0x5  }
0x7f: {  	s24 =	sshrl.u32 s24, $0x8;
	[tilespmem:s23+$0x3710] =	vst v5;
	s23 =	sadd.s32 $0xFFFFFFC0, s1  }
0x80: {  	v5 =	vld [tilespmem:s16+$0xFFFFFFF0];
	v6 =	vmov s23;
	s23 =	ssub.s32 s0, s24  }
0x81: {  	v6 =	vmul.u32 $0x50, v6;
	s23 =	sadd.s32 $0x9, s23  }
0x82: {  	s23 =	sand.u32 $0xFE, s23  }
0x83: {  	v6 =	vbroadcast v6, $0x0;
	s23 =	sshrl.u32 s23, $0x1  }
0x84: {  	s23 =	sadd.s32 s24, s23  }
0x85: {  	v5 =	vadd.s32 v5, v6;
	s23 =	sand.u32 $0xFC, s23  }
0x86: {  	s24 =	sadd.s32 $0x172, s17;
	v5 =	vadd.s32 v3, v5;
	s23 =	sshll.u32 s23, $0x5  }
0x87: {  	s24 =	sshrl.u32 s24, $0x8;
	[tilespmem:s23+$0x3720] =	vst v5;
	s23 =	sadd.s32 $0xFFFFFFD0, s1  }
0x88: {  	v5 =	vld [tilespmem:s16+$0x0];
	v6 =	vmov s23;
	s23 =	ssub.s32 s0, s24  }
0x89: {  	v6 =	vmul.u32 $0x50, v6;
	s23 =	sadd.s32 $0xA, s23  }
0x8a: {  	s23 =	sand.u32 $0xFE, s23  }
0x8b: {  	v6 =	vbroadcast v6, $0x0;
	s23 =	sshrl.u32 s23, $0x1  }
0x8c: {  	s23 =	sadd.s32 s24, s23  }
0x8d: {  	v5 =	vadd.s32 v5, v6;
	s23 =	sand.u32 $0xFC, s23  }
0x8e: {  	s24 =	sadd.s32 $0x197, s17;
	v5 =	vadd.s32 v3, v5;
	s23 =	sshll.u32 s23, $0x5  }
0x8f: {  	s24 =	sshrl.u32 s24, $0x8;
	[tilespmem:s23+$0x3730] =	vst v5;
	s23 =	sadd.s32 $0xFFFFFFE0, s1  }
0x90: {  	v5 =	vld [tilespmem:s16+$0x10];
	v6 =	vmov s23;
	s23 =	ssub.s32 s0, s24  }
0x91: {  	v6 =	vmul.u32 $0x50, v6;
	s23 =	sadd.s32 $0xB, s23  }
0x92: {  	s23 =	sand.u32 $0xFE, s23  }
0x93: {  	v6 =	vbroadcast v6, $0x0;
	s23 =	sshrl.u32 s23, $0x1  }
0x94: {  	s23 =	sadd.s32 s24, s23  }
0x95: {  	v5 =	vadd.s32 v5, v6;
	s23 =	sand.u32 $0xFC, s23  }
0x96: {  	s24 =	sadd.s32 $0x1BC, s17;
	v5 =	vadd.s32 v3, v5;
	s23 =	sshll.u32 s23, $0x5  }
0x97: {  	s24 =	sshrl.u32 s24, $0x8;
	[tilespmem:s23+$0x3740] =	vst v5;
	s23 =	sadd.s32 $0xFFFFFFF0, s1  }
0x98: {  	v5 =	vld [tilespmem:s16+$0x20];
	v6 =	vmov s23;
	s23 =	ssub.s32 s0, s24  }
0x99: {  	v6 =	vmul.u32 $0x50, v6;
	s23 =	sadd.s32 $0xC, s23  }
0x9a: {  	s23 =	sand.u32 $0xFE, s23  }
0x9b: {  	v6 =	vbroadcast v6, $0x0;
	s23 =	sshrl.u32 s23, $0x1  }
0x9c: {  	s23 =	sadd.s32 s24, s23  }
0x9d: {  	v5 =	vadd.s32 v5, v6;
	s23 =	sand.u32 $0xFC, s23  }
0x9e: {  	s17 =	sadd.s32 $0x1E1, s17;
	v5 =	vadd.s32 v3, v5;
	s23 =	sshll.u32 s23, $0x5  }
0x9f: {  	s17 =	sshrl.u32 s17, $0x8;
	[tilespmem:s23+$0x3750] =	vst v5  }
0xa0: {  	v6 =	vmov s1;
	s23 =	ssub.s32 s0, s17;
	s0 =	smov.u32 s22;
	v5 =	vld [tilespmem:s16+$0x30]  }
0xa1: {  	v6 =	vmul.u32 $0x50, v6;
	s22 =	sadd.s32 $0xD, s23  }
.Ltmp2:
0xa2: {  	s22 =	sand.u32 $0xFE, s22;
	(pc) =	sbr.rel @p0 .LBB2_5-.Ltmp2, $4  }
0xa3: {  	v6 =	vbroadcast v6, $0x0;
	s22 =	sshrl.u32 s22, $0x1  }
0xa4: {  	s22 =	sadd.s32 s17, s22  }
0xa5: {  	s17 =	smul.u32 $0x25, s0;
	s22 =	sand.u32 $0xFC, s22;
	v5 =	vadd.s32 v5, v6  }
0xa6: {  	s1 =	sadd.s32 $0x70, s1;
	s16 =	sadd.s32 $0x70, s16;
	s22 =	sshll.u32 s22, $0x5;
	v5 =	vadd.s32 v3, v5  }
0xa7: {  	s21 =	sadd.s32 $0xFFFFFFA0, s1;
	s23 =	sadd.s32 $0x103, s17;
	[tilespmem:s22+$0x3760] =	vst v5  }
0xa8: {  	v5 =	vld [tilespmem:s16+$0xFFFFFFD0];
	v6 =	vmov s21;
	s24 =	sshrl.u32 s23, $0x8  }
0xa9: {  	v6 =	vmul.u32 $0x50, v6;
	s19 =	ssub.s32 s19, s24  }
0xaa: {  	s19 =	sand.u32 $0xFE, s19  }
0xab: {  	v6 =	vbroadcast v6, $0x0;
	s19 =	sshrl.u32 s19, $0x1  }
0xac: {  	s19 =	sadd.s32 s24, s19  }
0xad: {  	v5 =	vadd.s32 v5, v6;
	s19 =	sand.u32 $0xFC, s19  }
0xae: {  	s25 =	sadd.s32 $0x128, s17;
	v5 =	vadd.s32 v3, v5;
	s19 =	sshll.u32 s19, $0x5  }
0xaf: {  	s26 =	sadd.s32 $0xFFFFFFB0, s1;
	s21 =	sshrl.u32 s25, $0x8;
	[tilespmem:s19+$0x3700] =	vst v5  }
0xb0: {  	s28 =	ssub.s32 s0, s21;
	v6 =	vmov s26;
	v5 =	vld [tilespmem:s16+$0xFFFFFFE0]  }
0xb1: {  	v6 =	vmul.u32 $0x50, v6;
	s19 =	sadd.s32 $0x8, s28  }
0xb2: {  	s19 =	sand.u32 $0xFE, s19  }
0xb3: {  	v6 =	vbroadcast v6, $0x0;
	s19 =	sshrl.u32 s19, $0x1  }
0xb4: {  	s19 =	sadd.s32 s21, s19  }
0xb5: {  	s19 =	sand.u32 $0xFC, s19;
	v5 =	vadd.s32 v5, v6  }
0xb6: {  	s4 =	sadd.s32 $0x14D, s17;
	s19 =	sshll.u32 s19, $0x5;
	v5 =	vadd.s32 v3, v5  }
0xb7: {  	s5 =	sadd.s32 $0xFFFFFFC0, s1;
	s21 =	sshrl.u32 s4, $0x8;
	[tilespmem:s19+$0x3710] =	vst v5  }
0xb8: {  	s6 =	ssub.s32 s0, s21;
	v6 =	vmov s5;
	v5 =	vld [tilespmem:s16+$0xFFFFFFF0]  }
0xb9: {  	v6 =	vmul.u32 $0x50, v6;
	s19 =	sadd.s32 $0x9, s6  }
0xba: {  	s19 =	sand.u32 $0xFE, s19  }
0xbb: {  	v6 =	vbroadcast v6, $0x0;
	s19 =	sshrl.u32 s19, $0x1  }
0xbc: {  	s19 =	sadd.s32 s21, s19  }
0xbd: {  	s19 =	sand.u32 $0xFC, s19;
	v5 =	vadd.s32 v5, v6  }
0xbe: {  	s22 =	sadd.s32 $0x172, s17;
	s19 =	sshll.u32 s19, $0x5;
	v5 =	vadd.s32 v3, v5  }
0xbf: {  	s23 =	sadd.s32 $0xFFFFFFD0, s1;
	s21 =	sshrl.u32 s22, $0x8;
	[tilespmem:s19+$0x3720] =	vst v5  }
0xc0: {  	s24 =	ssub.s32 s0, s21;
	v6 =	vmov s23;
	v5 =	vld [tilespmem:s16+$0x0]  }
0xc1: {  	v6 =	vmul.u32 $0x50, v6;
	s19 =	sadd.s32 $0xA, s24  }
0xc2: {  	s19 =	sand.u32 $0xFE, s19  }
0xc3: {  	v6 =	vbroadcast v6, $0x0;
	s19 =	sshrl.u32 s19, $0x1  }
0xc4: {  	s19 =	sadd.s32 s21, s19  }
0xc5: {  	s19 =	sand.u32 $0xFC, s19;
	v5 =	vadd.s32 v5, v6  }
0xc6: {  	s25 =	sadd.s32 $0x197, s17;
	s19 =	sshll.u32 s19, $0x5;
	v5 =	vadd.s32 v3, v5  }
0xc7: {  	s26 =	sadd.s32 $0xFFFFFFE0, s1;
	s21 =	sshrl.u32 s25, $0x8;
	[tilespmem:s19+$0x3730] =	vst v5  }
0xc8: {  	s28 =	ssub.s32 s0, s21;
	v6 =	vmov s26;
	v5 =	vld [tilespmem:s16+$0x10]  }
0xc9: {  	v6 =	vmul.u32 $0x50, v6;
	s19 =	sadd.s32 $0xB, s28  }
0xca: {  	s19 =	sand.u32 $0xFE, s19  }
0xcb: {  	v6 =	vbroadcast v6, $0x0;
	s19 =	sshrl.u32 s19, $0x1  }
0xcc: {  	s19 =	sadd.s32 s21, s19  }
0xcd: {  	s19 =	sand.u32 $0xFC, s19;
	v5 =	vadd.s32 v5, v6  }
0xce: {  	s4 =	sadd.s32 $0x1BC, s17;
	s19 =	sshll.u32 s19, $0x5;
	v5 =	vadd.s32 v3, v5  }
0xcf: {  	s5 =	sadd.s32 $0xFFFFFFF0, s1;
	s21 =	sshrl.u32 s4, $0x8;
	[tilespmem:s19+$0x3740] =	vst v5  }
0xd0: {  	s6 =	ssub.s32 s0, s21;
	v6 =	vmov s5;
	v5 =	vld [tilespmem:s16+$0x20]  }
0xd1: {  	v6 =	vmul.u32 $0x50, v6;
	s19 =	sadd.s32 $0xC, s6  }
0xd2: {  	s19 =	sand.u32 $0xFE, s19  }
0xd3: {  	v6 =	vbroadcast v6, $0x0;
	s19 =	sshrl.u32 s19, $0x1  }
0xd4: {  	s19 =	sadd.s32 s21, s19  }
0xd5: {  	s19 =	sand.u32 $0xFC, s19;
	v5 =	vadd.s32 v5, v6  }
0xd6: {  	s22 =	sadd.s32 $0x1E1, s17;
	s19 =	sshll.u32 s19, $0x5;
	v5 =	vadd.s32 v3, v5  }
0xd7: {  	s17 =	sshrl.u32 s22, $0x8;
	[tilespmem:s19+$0x3750] =	vst v5  }
0xd8: {  	s23 =	ssub.s32 s0, s17;
	v6 =	vmov s1;
	v5 =	vld [tilespmem:s16+$0x30]  }
0xd9: {  	s0 =	sadd.s32 $0xD, s23;
	v6 =	vmul.u32 $0x50, v6  }
0xda: {  	s0 =	sand.u32 $0xFE, s0  }
0xdb: {  	s0 =	sshrl.u32 s0, $0x1;
	v6 =	vbroadcast v6, $0x0  }
0xdc: {  	s0 =	sadd.s32 s17, s0  }
0xdd: {  	s0 =	sand.u32 $0xFC, s0;
	v5 =	vadd.s32 v5, v6  }
0xde: {  	s0 =	sshll.u32 s0, $0x5;
	v5 =	vadd.s32 v3, v5  }
0xdf: {  	s24 =	simm.s32 $0x3700;
	s25 =	simm.s32 $0x4700;
	[tilespmem:s0+$0x3760] =	vst v5  }
0xe0: {  	[tilespmem:s25], [sflag:$0x1] =	stream.indirect.gather [hbm4b:s3+s18], $0x1, s24, s18, $0xb8;
	[tilespmem:$0x5F80] =	vst v63  }
0xe1: {  	s26 =	simm.s32 $0x3780;
	s28 =	simm.s32 $0x4780  }
0xe2: {  	[tilespmem:s28], [sflag:$0x1] =	stream.indirect.gather [hbm4b:s3+s18], $0x1, s26, s18, $0xb8;
	[tilespmem:$0x5F80] =	vst v63  }
0xe3: {  	s4 =	simm.s32 $0x4800;
	s1 =	simm.s32 $0x3800  }
0xe4: {  	[tilespmem:s4], [sflag:$0x1] =	stream.indirect.gather [hbm4b:s3+s18], $0x1, s1, s18, $0xb8;
	[tilespmem:$0x5F80] =	vst v63  }
0xe5: {  	s5 =	simm.s32 $0x3880;
	s6 =	simm.s32 $0x4880  }
0xe6: {  	[tilespmem:s6], [sflag:$0x1] =	stream.indirect.gather [hbm4b:s3+s18], $0x1, s5, s18, $0xb8;
	[tilespmem:$0x5F80] =	vst v63  }
0xe7: {  	s17 =	simm.s32 $0x4900;
	s16 =	simm.s32 $0x3900  }
0xe8: {  	[tilespmem:s17], [sflag:$0x1] =	stream.indirect.gather [hbm4b:s3+s18], $0x1, s16, s18, $0xb8;
	[tilespmem:$0x5F80] =	vst v63  }
0xe9: {  	s21 =	simm.s32 $0x4980;
	s19 =	simm.s32 $0x3980  }
0xea: {  	[tilespmem:s21], [sflag:$0x1] =	stream.indirect.gather [hbm4b:s3+s18], $0x1, s19, s18, $0xb8;
	[tilespmem:$0x5F80] =	vst v63  }
0xeb: {  	s22 =	simm.s32 $0x3A00;
	s23 =	simm.s32 $0x4A00  }
0xec: {  	[tilespmem:s23], [sflag:$0x1] =	stream.indirect.gather [hbm4b:s3+s18], $0x1, s22, s18, $0xb8;
	[tilespmem:$0x5F80] =	vst v63  }
0xed: {  	s24 =	simm.s32 $0x3A80;
	s25 =	simm.s32 $0x4A80  }
0xee: {  	[tilespmem:s25], [sflag:$0x1] =	stream.indirect.gather [hbm4b:s3+s18], $0x1, s24, s18, $0xb8;
	[tilespmem:$0x5F80] =	vst v63  }
0xef: {  	s26 =	simm.s32 $0x3B00;
	s28 =	simm.s32 $0x4B00  }
0xf0: {  	[tilespmem:s28], [sflag:$0x1] =	stream.indirect.gather [hbm4b:s3+s18], $0x1, s26, s18, $0xb8;
	[tilespmem:$0x5F80] =	vst v63  }
0xf1: {  	s1 =	simm.s32 $0x3B80;
	s4 =	simm.s32 $0x4B80  }
0xf2: {  	[tilespmem:s4], [sflag:$0x1] =	stream.indirect.gather [hbm4b:s3+s18], $0x1, s1, s18, $0xb8;
	[tilespmem:$0x5F80] =	vst v63  }
0xf3: {  	s5 =	simm.s32 $0x3C00;
	s6 =	simm.s32 $0x4C00  }
0xf4: {  	[tilespmem:s6], [sflag:$0x1] =	stream.indirect.gather [hbm4b:s3+s18], $0x1, s5, s18, $0xb8;
	[tilespmem:$0x5F80] =	vst v63  }
0xf5: {  	s16 =	simm.s32 $0x3C80;
	s17 =	simm.s32 $0x4C80  }
0xf6: {  	[tilespmem:s17], [sflag:$0x1] =	stream.indirect.gather [hbm4b:s3+s18], $0x1, s16, s18, $0xb8;
	[tilespmem:$0x5F80] =	vst v63  }
0xf7: {  	s19 =	simm.s32 $0x3D00;
	s21 =	simm.s32 $0x4D00  }
0xf8: {  	[tilespmem:s21], [sflag:$0x1] =	stream.indirect.gather [hbm4b:s3+s18], $0x1, s19, s18, $0xb8;
	[tilespmem:$0x5F80] =	vst v63  }
0xf9: {  	s22 =	simm.s32 $0x3D80;
	s23 =	simm.s32 $0x4D80  }
0xfa: {  	[tilespmem:s23], [sflag:$0x1] =	stream.indirect.gather [hbm4b:s3+s18], $0x1, s22, s18, $0xb8;
	[tilespmem:$0x5F80] =	vst v63  }
0xfb: {  	s24 =	simm.s32 $0x3E00;
	s25 =	simm.s32 $0x4E00  }
0xfc: {  	[tilespmem:s25], [sflag:$0x1] =	stream.indirect.gather [hbm4b:s3+s18], $0x1, s24, s18, $0xb8;
	[tilespmem:$0x5F80] =	vst v63  }
0xfd: {  	s26 =	simm.s32 $0x3E80;
	s28 =	simm.s32 $0x4E80  }
0xfe: {  	[tilespmem:s28], [sflag:$0x1] =	stream.indirect.gather [hbm4b:s3+s18], $0x1, s26, s18, $0xb8;
	[tilespmem:$0x5F80] =	vst v63  }
0xff: {  	s1 =	simm.s32 $0x3F00;
	s4 =	simm.s32 $0x4F00  }
0x100: {  	[tilespmem:s4], [sflag:$0x1] =	stream.indirect.gather [hbm4b:s3+s18], $0x1, s1, s18, $0xb8;
	[tilespmem:$0x5F80] =	vst v63  }
0x101: {  	s5 =	simm.s32 $0x3F80;
	s6 =	simm.s32 $0x4F80  }
0x102: {  	[tilespmem:s6], [sflag:$0x1] =	stream.indirect.gather [hbm4b:s3+s18], $0x1, s5, s18, $0xb8;
	[tilespmem:$0x5F80] =	vst v63  }
0x103: {  	s16 =	simm.s32 $0x4000;
	s17 =	simm.s32 $0x5000  }
0x104: {  	[tilespmem:s17], [sflag:$0x1] =	stream.indirect.gather [hbm4b:s3+s18], $0x1, s16, s18, $0xb8;
	[tilespmem:$0x5F80] =	vst v63  }
0x105: {  	s19 =	simm.s32 $0x4080;
	s21 =	simm.s32 $0x5080  }
0x106: {  	[tilespmem:s21], [sflag:$0x1] =	stream.indirect.gather [hbm4b:s3+s18], $0x1, s19, s18, $0xb8;
	[tilespmem:$0x5F80] =	vst v63  }
0x107: {  	s22 =	simm.s32 $0x4100;
	s23 =	simm.s32 $0x5100  }
0x108: {  	[tilespmem:s23], [sflag:$0x1] =	stream.indirect.gather [hbm4b:s3+s18], $0x1, s22, s18, $0xb8;
	[tilespmem:$0x5F80] =	vst v63  }
0x109: {  	s24 =	simm.s32 $0x4180;
	s25 =	simm.s32 $0x5180  }
0x10a: {  	[tilespmem:s25], [sflag:$0x1] =	stream.indirect.gather [hbm4b:s3+s18], $0x1, s24, s18, $0xb8;
	[tilespmem:$0x5F80] =	vst v63  }
0x10b: {  	s26 =	simm.s32 $0x4200;
	s28 =	simm.s32 $0x5200  }
0x10c: {  	[tilespmem:s28], [sflag:$0x1] =	stream.indirect.gather [hbm4b:s3+s18], $0x1, s26, s18, $0xb8;
	[tilespmem:$0x5F80] =	vst v63  }
0x10d: {  	s1 =	simm.s32 $0x4280;
	s4 =	simm.s32 $0x5280  }
0x10e: {  	[tilespmem:s4], [sflag:$0x1] =	stream.indirect.gather [hbm4b:s3+s18], $0x1, s1, s18, $0xb8;
	[tilespmem:$0x5F80] =	vst v63  }
0x10f: {  	s5 =	simm.s32 $0x4300;
	s6 =	simm.s32 $0x5300  }
0x110: {  	[tilespmem:s6], [sflag:$0x1] =	stream.indirect.gather [hbm4b:s3+s18], $0x1, s5, s18, $0xb8;
	[tilespmem:$0x5F80] =	vst v63  }
0x111: {  	_ =	swait.ge [sflag:s14], $0x70  }
0x112: {  	[sflag:s14] =	ssyncset.done $0x0  }
0x113: {  	[sflag:s14] =	ssyncadd.s32 $0xFFFFFF90  }
0x114: {  	_ =	swait.ge [sflag:s14], $0x70  }
0x115: {  	[sflag:s14] =	ssyncset.done $0x0  }
0x116: {  	[sflag:s14] =	ssyncadd.s32 $0xFFFFFF90  }
0x117: {  	_ =	swait.ge [sflag:s14], $0x70  }
0x118: {  	[sflag:s14] =	ssyncset.done $0x0  }
0x119: {  	[sflag:s14] =	ssyncadd.s32 $0xFFFFFF90  }
0x11a: {  	_ =	swait.ge [sflag:s14], $0x70  }
0x11b: {  	[sflag:s14] =	ssyncset.done $0x0  }
0x11c: {  	[sflag:s14] =	ssyncadd.s32 $0xFFFFFF90  }
0x11d: {  	_ =	swait.ge [sflag:s14], $0x70  }
0x11e: {  	[sflag:s14] =	ssyncset.done $0x0  }
0x11f: {  	[sflag:s14] =	ssyncadd.s32 $0xFFFFFF90  }
0x120: {  	_ =	swait.ge [sflag:s14], $0x70  }
0x121: {  	[sflag:s14] =	ssyncset.done $0x0  }
0x122: {  	[sflag:s14] =	ssyncadd.s32 $0xFFFFFF90  }
0x123: {  	_ =	swait.ge [sflag:s14], $0x70  }
0x124: {  	[sflag:s14] =	ssyncset.done $0x0  }
0x125: {  	[sflag:s14] =	ssyncadd.s32 $0xFFFFFF90  }
0x126: {  	_ =	swait.ge [sflag:s14], $0x70  }
0x127: {  	[sflag:s14] =	ssyncset.done $0x0  }
0x128: {  	[sflag:s14] =	ssyncadd.s32 $0xFFFFFF90  }
0x129: {  	_ =	swait.ge [sflag:s14], $0x70  }
0x12a: {  	[sflag:s14] =	ssyncset.done $0x0  }
0x12b: {  	[sflag:s14] =	ssyncadd.s32 $0xFFFFFF90  }
0x12c: {  	_ =	swait.ge [sflag:s14], $0x70  }
0x12d: {  	[sflag:s14] =	ssyncset.done $0x0  }
0x12e: {  	[sflag:s14] =	ssyncadd.s32 $0xFFFFFF90  }
0x12f: {  	_ =	swait.ge [sflag:s14], $0x70  }
0x130: {  	[sflag:s14] =	ssyncset.done $0x0  }
0x131: {  	[sflag:s14] =	ssyncadd.s32 $0xFFFFFF90  }
0x132: {  	_ =	swait.ge [sflag:s14], $0x70  }
0x133: {  	[sflag:s14] =	ssyncset.done $0x0  }
0x134: {  	[sflag:s14] =	ssyncadd.s32 $0xFFFFFF90  }
0x135: {  	_ =	swait.ge [sflag:s14], $0x70  }
0x136: {  	[sflag:s14] =	ssyncset.done $0x0  }
0x137: {  	[sflag:s14] =	ssyncadd.s32 $0xFFFFFF90  }
0x138: {  	_ =	swait.ge [sflag:s14], $0x70  }
0x139: {  	[sflag:s14] =	ssyncset.done $0x0  }
0x13a: {  	[sflag:s14] =	ssyncadd.s32 $0xFFFFFF90  }
0x13b: {  	_ =	swait.ge [sflag:s14], $0x70  }
0x13c: {  	[sflag:s14] =	ssyncset.done $0x0  }
0x13d: {  	[sflag:s14] =	ssyncadd.s32 $0xFFFFFF90  }
0x13e: {  	_ =	swait.ge [sflag:s14], $0x70  }
0x13f: {  	[sflag:s14] =	ssyncset.done $0x0  }
0x140: {  	[sflag:s14] =	ssyncadd.s32 $0xFFFFFF90  }
0x141: {  	_ =	swait.ge [sflag:s14], $0x70  }
0x142: {  	[sflag:s14] =	ssyncset.done $0x0  }
0x143: {  	[sflag:s14] =	ssyncadd.s32 $0xFFFFFF90  }
0x144: {  	_ =	swait.ge [sflag:s14], $0x70  }
0x145: {  	[sflag:s14] =	ssyncset.done $0x0  }
0x146: {  	[sflag:s14] =	ssyncadd.s32 $0xFFFFFF90  }
0x147: {  	_ =	swait.ge [sflag:s14], $0x70  }
0x148: {  	[sflag:s14] =	ssyncset.done $0x0  }
0x149: {  	[sflag:s14] =	ssyncadd.s32 $0xFFFFFF90  }
0x14a: {  	_ =	swait.ge [sflag:s14], $0x70  }
0x14b: {  	[sflag:s14] =	ssyncset.done $0x0  }
0x14c: {  	[sflag:s14] =	ssyncadd.s32 $0xFFFFFF90  }
0x14d: {  	s16 =	simm.s32 $0xFFFFFFFB;
	_ =	swait.ge [sflag:s14], $0x70  }
0x14e: {  	s1 =	smul.u32 $0x25, s16;
	[sflag:s14] =	ssyncset.done $0x0  }
0x14f: {  	[sflag:s14] =	ssyncadd.s32 $0xFFFFFF90  }
0x150: {  	s0 =	sadd.s32 $0xB9, s1;
	_ =	swait.ge [sflag:s14], $0x70  }
0x151: {  	s0 =	sshrl.u32 s0, $0x8;
	[sflag:s14] =	ssyncset.done $0x0  }
0x152: {  	s17 =	ssub.s32 $0x0, s0;
	[sflag:s14] =	ssyncadd.s32 $0xFFFFFF90  }
0x153: {  	s16 =	sand.u32 $0xFE, s17;
	_ =	swait.ge [sflag:s14], $0x70  }
0x154: {  	s16 =	sshrl.u32 s16, $0x1;
	[sflag:s14] =	ssyncset.done $0x0  }
0x155: {  	s0 =	sadd.s32 s0, s16;
	[sflag:s14] =	ssyncadd.s32 $0xFFFFFF90  }
0x156: {  	s0 =	sand.u32 $0xFC, s0;
	_ =	swait.ge [sflag:s14], $0x70  }
0x157: {  	s19 =	sshrl.u32 s0, $0x2;
	[sflag:s14] =	ssyncset.done $0x0  }
0x158: {  	s0 =	smul.u32 $0x7, s19;
	[sflag:s14] =	ssyncadd.s32 $0xFFFFFF90  }
0x159: {  	_ =	swait.ge [sflag:s14], $0x70  }
0x15a: {  	s0 =	ssub.s32 $0x0, s0;
	[sflag:s14] =	ssyncset.done $0x0  }
0x15b: {  	s21 =	sand.u32 $0xFF, s0;
	s0 =	simm.s32 $0x1620;
	[sflag:s14] =	ssyncadd.s32 $0xFFFFFF90  }
0x15c: {  	s16 =	sshll.u32 s19, $0x7;
	s17 =	sshll.u32 s21, $0x4;
	v5 =	vld [tilespmem:s0+$0xFFFFFFE0]  }
0x15d: {  	s16 =	sor.u32 s17, s16  }
0x15e: {  	v6 =	vld [tilespmem:s16+$0x4700];
	_ =	sdelay $0x2  }
0x15f: {  	v5 =	vsub.f32 $0.0e+00, v5;
	_ =	sdelay $0x1  }
0x160: {  	v6 =	vsub.f32 $0.0e+00, v6;
	v5 =	vmul.f32 $1.442695020e+00, v5;
	_ =	sdelay $0x1  }
0x161: {  	v6 =	vmul.f32 $1.442695020e+00, v6;
	(erf) = vpow2.f32 v5;
	_ =	sdelay $0x1  }
0x162: {  	(erf) = vpow2.f32 v6;
	_ =	sdelay $0x6  }
0x163: {  	v5 =	vpop (erf)  }
0x164: {  	v5 =	vadd.f32 $1.000000000e+00, v5  }
0x165: {  	v6 =	vpop (erf)  }
0x166: {  	v6 =	vadd.f32 $1.000000000e+00, v6;
	(erf) = vrcp.f32 v5;
	_ =	sdelay $0x1  }
0x167: {  	(erf) = vrcp.f32 v6;
	_ =	sdelay $0x5  }
0x168: {  	s21 =	simm.s32 $0xB20  }
0x169: {  	s17 =	simm.s32 $0x20;
	v5 =	vld [tilespmem:s21+$0xFFFFFFE0];
	v7 =	vpop (erf)  }
0x16a: {  	v6 =	vld [tilespmem:s17+$0xFFFFFFE0];
	v8 =	vmul.f32 $1.442695020e+00, v7  }
0x16b: {  	s16 =	simm.s32 $0x2120;
	v9 =	vpop (erf)  }
0x16c: {  	v10 =	vld [tilespmem:s16+$0xFFFFFFE0];
	v11 =	vmul.f32 $1.442695020e+00, v9;
	(erf) = vpow2.f32 v8;
	_ =	sdelay $0x1  }
0x16d: {  	v8 =	vmul.f32 $1.442695020e+00, v5;
	(erf) = vpow2.f32 v11  }
0x16e: {  	v17 =	vmul.f32 $1.442695020e+00, v6  }
0x16f: {  	(erf) = vpow2.f32 v8  }
0x170: {  	v8 =	vshll.u32 v10, $0x4;
	(erf) = vpow2.f32 v17  }
0x171: {  	vm0 =	vgt.s32 v10, $0x0;
	v8 =	vor.u32 v1, v8  }
0x172: {  	v8 =	vsel vm0, v8, v4  }
0x173: {  	v7 =	vsub.f32 v7, v9;
	v18 =	vadd.s32 $0x150, v8  }
0x174: {  	v12 =	vadd.s32 $0x2A0, v8;
	v13 =	vpop (erf)  }
0x175: {  	v19 =	vadd.s32 $0x3F0, v8;
	v7 =	vmul.f32 v7, v13  }
0x176: {  	v14 =	vadd.s32 $0x540, v8;
	v15 =	vpop (erf)  }
0x177: {  	[tilespmem:v8+s15+$0x0] =	vst.idx.add.f32.msk $0xffff, v15;
	v8 =	vadd.s32 $0x690, v8  }
0x178: {  	s22 =	sadd.s32 $0xDE, s1;
	v5 =	vsub.f32 v5, v6;
	v6 =	vpop (erf);
	[tilespmem:v18+s15+$0x0] =	vst.idx.add.f32.msk $0xffff, v13  }
0x179: {  	s19 =	sshrl.u32 s22, $0x8;
	[tilespmem:v12+s15+$0x0] =	vst.idx.add.f32.msk $0xffff, v7;
	v7 =	vpop (erf)  }
0x17a: {  	s23 =	ssub.s32 $0x1, s19;
	v5 =	vmul.f32 v6, v5;
	[tilespmem:v19+s15+$0x0] =	vst.idx.add.f32.msk $0xffff, v7  }
0x17b: {  	s22 =	sand.u32 $0xFE, s23;
	[tilespmem:v14+s15+$0x0] =	vst.idx.add.f32.msk $0xffff, v6  }
0x17c: {  	s22 =	sshrl.u32 s22, $0x1;
	[tilespmem:v8+s15+$0x0] =	vst.idx.add.f32.msk $0xffff, v5  }
0x17d: {  	s19 =	sadd.s32 s19, s22;
	v5 =	vld [tilespmem:$0x5F00]  }
0x17e: {  	s19 =	sand.u32 $0xFC, s19  }
0x17f: {  	s19 =	sshrl.u32 s19, $0x2  }
0x180: {  	s24 =	smul.u32 $0x7, s19;
	_ =	sdelay $0x1  }
0x181: {  	s22 =	ssub.s32 $0x1, s24;
	vm8 =	vgt.s32 v5, v10  }
0x182: {  	s22 =	sand.u32 $0xFF, s22;
	v5 =	vsel vm8, v5, v10  }
0x183: {  	s19 =	sshll.u32 s19, $0x7;
	s22 =	sshll.u32 s22, $0x4;
	[tilespmem:$0x5F00] =	vst v5  }
0x184: {  	s19 =	sor.u32 s22, s19;
	v5 =	vld [tilespmem:s0+$0xFFFFFFF0]  }
0x185: {  	v6 =	vld [tilespmem:s19+$0x4700];
	_ =	sdelay $0x3  }
0x186: {  	v5 =	vsub.f32 $0.0e+00, v5  }
0x187: {  	v6 =	vsub.f32 $0.0e+00, v6  }
0x188: {  	v5 =	vmul.f32 $1.442695020e+00, v5  }
0x189: {  	v6 =	vmul.f32 $1.442695020e+00, v6  }
0x18a: {  	(erf) = vpow2.f32 v5  }
0x18b: {  	(erf) = vpow2.f32 v6;
	_ =	sdelay $0x7  }
0x18c: {  	v5 =	vpop (erf)  }
0x18d: {  	v5 =	vadd.f32 $1.000000000e+00, v5;
	v6 =	vpop (erf)  }
0x18e: {  	v6 =	vadd.f32 $1.000000000e+00, v6  }
0x18f: {  	(erf) = vrcp.f32 v5  }
0x190: {  	(erf) = vrcp.f32 v6;
	_ =	sdelay $0x6  }
0x191: {  	v5 =	vld [tilespmem:s21+$0xFFFFFFF0]  }
0x192: {  	v6 =	vld [tilespmem:s17+$0xFFFFFFF0];
	v7 =	vpop (erf)  }
0x193: {  	v8 =	vmul.f32 $1.442695020e+00, v7;
	v20 =	vpop (erf)  }
0x194: {  	v21 =	vld [tilespmem:s16+$0xFFFFFFF0];
	v22 =	vmul.f32 $1.442695020e+00, v20  }
0x195: {  	(erf) = vpow2.f32 v8  }
0x196: {  	v8 =	vmul.f32 $1.442695020e+00, v5;
	(erf) = vpow2.f32 v22  }
0x197: {  	v23 =	vmul.f32 $1.442695020e+00, v6  }
0x198: {  	(erf) = vpow2.f32 v8  }
0x199: {  	v8 =	vshll.u32 v21, $0x4;
	(erf) = vpow2.f32 v23  }
0x19a: {  	vm9 =	vgt.s32 v21, $0x0;
	v8 =	vor.u32 v1, v8  }
0x19b: {  	v8 =	vsel vm9, v8, v4  }
0x19c: {  	v24 =	vadd.s32 $0x150, v8  }
0x19d: {  	v25 =	vadd.s32 $0x2A0, v8  }
0x19e: {  	v7 =	vsub.f32 v7, v20;
	v26 =	vadd.s32 $0x3F0, v8;
	v27 =	vpop (erf)  }
0x19f: {  	v28 =	vadd.s32 $0x540, v8;
	v29 =	vpop (erf)  }
0x1a0: {  	v16 =	vadd.s32 $0x690, v8;
	v7 =	vmul.f32 v7, v27;
	[tilespmem:v8+s15+$0x0] =	vst.idx.add.f32.msk $0xffff, v29  }
0x1a1: {  	v5 =	vsub.f32 v5, v6;
	v6 =	vpop (erf);
	[tilespmem:v24+s15+$0x0] =	vst.idx.add.f32.msk $0xffff, v27  }
0x1a2: {  	s25 =	sadd.s32 $0x103, s1;
	v8 =	vpop (erf);
	[tilespmem:v25+s15+$0x0] =	vst.idx.add.f32.msk $0xffff, v7  }
0x1a3: {  	s19 =	sshrl.u32 s25, $0x8;
	v5 =	vmul.f32 v6, v5;
	[tilespmem:v26+s15+$0x0] =	vst.idx.add.f32.msk $0xffff, v8  }
0x1a4: {  	s26 =	ssub.s32 $0x2, s19;
	[tilespmem:v28+s15+$0x0] =	vst.idx.add.f32.msk $0xffff, v6  }
0x1a5: {  	s22 =	sand.u32 $0xFE, s26;
	[tilespmem:v16+s15+$0x0] =	vst.idx.add.f32.msk $0xffff, v5  }
0x1a6: {  	s22 =	sshrl.u32 s22, $0x1;
	v5 =	vld [tilespmem:$0x5F00]  }
0x1a7: {  	s19 =	sadd.s32 s19, s22  }
0x1a8: {  	s19 =	sand.u32 $0xFC, s19  }
0x1a9: {  	s19 =	sshrl.u32 s19, $0x2  }
0x1aa: {  	s28 =	smul.u32 $0x7, s19  }
0x1ab: {  	vm10 =	vgt.s32 v5, v21  }
0x1ac: {  	s22 =	ssub.s32 $0x2, s28;
	v5 =	vsel vm10, v5, v21  }
0x1ad: {  	s22 =	sand.u32 $0xFF, s22;
	[tilespmem:$0x5F00] =	vst v5  }
0x1ae: {  	s19 =	sshll.u32 s19, $0x7;
	s22 =	sshll.u32 s22, $0x4;
	v5 =	vld [tilespmem:s0+$0x0]  }
0x1af: {  	s19 =	sor.u32 s22, s19  }
0x1b0: {  	v6 =	vld [tilespmem:s19+$0x4700];
	_ =	sdelay $0x2  }
0x1b1: {  	v5 =	vsub.f32 $0.0e+00, v5;
	_ =	sdelay $0x1  }
0x1b2: {  	v6 =	vsub.f32 $0.0e+00, v6;
	v5 =	vmul.f32 $1.442695020e+00, v5;
	_ =	sdelay $0x1  }
0x1b3: {  	v6 =	vmul.f32 $1.442695020e+00, v6;
	(erf) = vpow2.f32 v5;
	_ =	sdelay $0x1  }
0x1b4: {  	(erf) = vpow2.f32 v6;
	_ =	sdelay $0x6  }
0x1b5: {  	v5 =	vpop (erf)  }
0x1b6: {  	v5 =	vadd.f32 $1.000000000e+00, v5  }
0x1b7: {  	v6 =	vpop (erf)  }
0x1b8: {  	v6 =	vadd.f32 $1.000000000e+00, v6;
	(erf) = vrcp.f32 v5;
	_ =	sdelay $0x1  }
0x1b9: {  	(erf) = vrcp.f32 v6;
	_ =	sdelay $0x6  }
0x1ba: {  	v5 =	vld [tilespmem:s21+$0x0];
	v7 =	vpop (erf)  }
0x1bb: {  	v6 =	vld [tilespmem:s17+$0x0];
	v8 =	vmul.f32 $1.442695020e+00, v7  }
0x1bc: {  	v30 =	vpop (erf)  }
0x1bd: {  	v31 =	vld [tilespmem:s16+$0x0];
	v32 =	vmul.f32 $1.442695020e+00, v30;
	(erf) = vpow2.f32 v8;
	_ =	sdelay $0x1  }
0x1be: {  	v8 =	vmul.f32 $1.442695020e+00, v5;
	(erf) = vpow2.f32 v32  }
0x1bf: {  	v33 =	vmul.f32 $1.442695020e+00, v6  }
0x1c0: {  	(erf) = vpow2.f32 v8  }
0x1c1: {  	v8 =	vshll.u32 v31, $0x4;
	(erf) = vpow2.f32 v33  }
0x1c2: {  	vm11 =	vgt.s32 v31, $0x0;
	v8 =	vor.u32 v1, v8  }
0x1c3: {  	v8 =	vsel vm11, v8, v4  }
0x1c4: {  	v7 =	vsub.f32 v7, v30;
	v34 =	vadd.s32 $0x150, v8  }
0x1c5: {  	v35 =	vadd.s32 $0x2A0, v8;
	v37 =	vpop (erf)  }
0x1c6: {  	v36 =	vadd.s32 $0x3F0, v8;
	v7 =	vmul.f32 v7, v37  }
0x1c7: {  	v38 =	vadd.s32 $0x540, v8;
	v39 =	vpop (erf)  }
0x1c8: {  	v40 =	vadd.s32 $0x690, v8;
	[tilespmem:v8+s15+$0x0] =	vst.idx.add.f32.msk $0xffff, v39  }
0x1c9: {  	s4 =	sadd.s32 $0x128, s1;
	v5 =	vsub.f32 v5, v6;
	v6 =	vpop (erf);
	[tilespmem:v34+s15+$0x0] =	vst.idx.add.f32.msk $0xffff, v37  }
0x1ca: {  	s19 =	sshrl.u32 s4, $0x8;
	[tilespmem:v35+s15+$0x0] =	vst.idx.add.f32.msk $0xffff, v7;
	v7 =	vpop (erf)  }
0x1cb: {  	s5 =	ssub.s32 $0x3, s19;
	v5 =	vmul.f32 v6, v5;
	[tilespmem:v36+s15+$0x0] =	vst.idx.add.f32.msk $0xffff, v7  }
0x1cc: {  	s22 =	sand.u32 $0xFE, s5;
	[tilespmem:v38+s15+$0x0] =	vst.idx.add.f32.msk $0xffff, v6  }
0x1cd: {  	s22 =	sshrl.u32 s22, $0x1;
	[tilespmem:v40+s15+$0x0] =	vst.idx.add.f32.msk $0xffff, v5  }
0x1ce: {  	s19 =	sadd.s32 s19, s22;
	v5 =	vld [tilespmem:$0x5F00]  }
0x1cf: {  	s19 =	sand.u32 $0xFC, s19  }
0x1d0: {  	s19 =	sshrl.u32 s19, $0x2  }
0x1d1: {  	s6 =	smul.u32 $0x7, s19;
	_ =	sdelay $0x1  }
0x1d2: {  	s22 =	ssub.s32 $0x3, s6;
	vm12 =	vgt.s32 v5, v31  }
0x1d3: {  	s22 =	sand.u32 $0xFF, s22;
	v5 =	vsel vm12, v5, v31  }
0x1d4: {  	s19 =	sshll.u32 s19, $0x7;
	s22 =	sshll.u32 s22, $0x4;
	[tilespmem:$0x5F00] =	vst v5  }
0x1d5: {  	s19 =	sor.u32 s22, s19;
	v5 =	vld [tilespmem:s0+$0x10]  }
0x1d6: {  	v6 =	vld [tilespmem:s19+$0x4700];
	_ =	sdelay $0x3  }
0x1d7: {  	v5 =	vsub.f32 $0.0e+00, v5  }
0x1d8: {  	v6 =	vsub.f32 $0.0e+00, v6  }
0x1d9: {  	v5 =	vmul.f32 $1.442695020e+00, v5  }
0x1da: {  	v6 =	vmul.f32 $1.442695020e+00, v6  }
0x1db: {  	(erf) = vpow2.f32 v5  }
0x1dc: {  	(erf) = vpow2.f32 v6;
	_ =	sdelay $0x7  }
0x1dd: {  	v5 =	vpop (erf)  }
0x1de: {  	v5 =	vadd.f32 $1.000000000e+00, v5;
	v6 =	vpop (erf)  }
0x1df: {  	v6 =	vadd.f32 $1.000000000e+00, v6  }
0x1e0: {  	(erf) = vrcp.f32 v5  }
0x1e1: {  	(erf) = vrcp.f32 v6;
	_ =	sdelay $0x1  }
0x1e2: {  	v5 =	vld [tilespmem:s17+$0x10]  }
0x1e3: {  	v6 =	vld [tilespmem:s21+$0x10];
	_ =	sdelay $0x3  }
0x1e4: {  	v7 =	vmul.f32 $1.442695020e+00, v5  }
0x1e5: {  	v8 =	vmul.f32 $1.442695020e+00, v6;
	v41 =	vpop (erf)  }
0x1e6: {  	(erf) = vpow2.f32 v7;
	v42 =	vmul.f32 $1.442695020e+00, v41;
	v43 =	vpop (erf)  }
0x1e7: {  	v7 =	vld [tilespmem:s16+$0x10];
	(erf) = vpow2.f32 v8;
	v44 =	vmul.f32 $1.442695020e+00, v43  }
0x1e8: {  	(erf) = vpow2.f32 v42  }
0x1e9: {  	(erf) = vpow2.f32 v44;
	_ =	sdelay $0x2  }
0x1ea: {  	v8 =	vshll.u32 v7, $0x4  }
0x1eb: {  	vm13 =	vgt.s32 v7, $0x0;
	v8 =	vor.u32 v1, v8  }
0x1ec: {  	v8 =	vsel vm13, v8, v4  }
0x1ed: {  	v45 =	vadd.s32 $0x150, v8;
	v46 =	vpop (erf)  }
0x1ee: {  	v47 =	vadd.s32 $0x2A0, v8;
	v48 =	vpop (erf)  }
0x1ef: {  	v9 =	vsub.f32 v41, v43;
	v49 =	vadd.s32 $0x3F0, v8;
	v50 =	vpop (erf)  }
0x1f0: {  	v51 =	vadd.s32 $0x540, v8;
	v17 =	vpop (erf)  }
0x1f1: {  	v9 =	vmul.f32 v9, v50;
	[tilespmem:v8+s15+$0x0] =	vst.idx.add.f32.msk $0xffff, v17;
	v8 =	vadd.s32 $0x690, v8  }
0x1f2: {  	s1 =	sadd.s32 $0x14D, s1;
	v5 =	vsub.f32 v6, v5;
	[tilespmem:v45+s15+$0x0] =	vst.idx.add.f32.msk $0xffff, v50  }
0x1f3: {  	s1 =	sshrl.u32 s1, $0x8;
	[tilespmem:v47+s15+$0x0] =	vst.idx.add.f32.msk $0xffff, v9  }
0x1f4: {  	s22 =	ssub.s32 $0x4, s1;
	v5 =	vmul.f32 v48, v5;
	[tilespmem:v49+s15+$0x0] =	vst.idx.add.f32.msk $0xffff, v46  }
0x1f5: {  	s19 =	sand.u32 $0xFE, s22;
	[tilespmem:v51+s15+$0x0] =	vst.idx.add.f32.msk $0xffff, v48  }
0x1f6: {  	s19 =	sshrl.u32 s19, $0x1;
	[tilespmem:v8+s15+$0x0] =	vst.idx.add.f32.msk $0xffff, v5  }
0x1f7: {  	s1 =	sadd.s32 s1, s19;
	v5 =	vld [tilespmem:$0x5F00]  }
0x1f8: {  	s1 =	sand.u32 $0xFC, s1  }
0x1f9: {  	s1 =	sshrl.u32 s1, $0x2  }
0x1fa: {  	s23 =	smul.u32 $0x7, s1;
	_ =	sdelay $0x1  }
0x1fb: {  	s19 =	ssub.s32 $0x4, s23;
	vm14 =	vgt.s32 v5, v7  }
0x1fc: {  	s19 =	sand.u32 $0xFF, s19;
	v5 =	vsel vm14, v5, v7  }
0x1fd: {  	s1 =	sshll.u32 s1, $0x7;
	s19 =	sshll.u32 s19, $0x4;
	[tilespmem:$0x5F00] =	vst v5  }
0x1fe: {  	s1 =	sor.u32 s19, s1;
	v5 =	vld [tilespmem:s0+$0x20]  }
0x1ff: {  	v6 =	vld [tilespmem:s1+$0x4700];
	_ =	sdelay $0x3  }
0x200: {  	v5 =	vsub.f32 $0.0e+00, v5  }
0x201: {  	v6 =	vsub.f32 $0.0e+00, v6  }
0x202: {  	v5 =	vmul.f32 $1.442695020e+00, v5  }
0x203: {  	v6 =	vmul.f32 $1.442695020e+00, v6  }
0x204: {  	(erf) = vpow2.f32 v5  }
0x205: {  	(erf) = vpow2.f32 v6;
	_ =	sdelay $0x7  }
0x206: {  	v5 =	vpop (erf)  }
0x207: {  	v5 =	vadd.f32 $1.000000000e+00, v5;
	v6 =	vpop (erf)  }
0x208: {  	v6 =	vadd.f32 $1.000000000e+00, v6  }
0x209: {  	(erf) = vrcp.f32 v5  }
0x20a: {  	(erf) = vrcp.f32 v6;
	_ =	sdelay $0x1  }
0x20b: {  	v6 =	vld [tilespmem:s21+$0x20]  }
0x20c: {  	v7 =	vld [tilespmem:s17+$0x20];
	_ =	sdelay $0x3  }
0x20d: {  	v5 =	vmul.f32 $1.442695020e+00, v6  }
0x20e: {  	v8 =	vmul.f32 $1.442695020e+00, v7;
	v52 =	vpop (erf)  }
0x20f: {  	(erf) = vpow2.f32 v5;
	v53 =	vmul.f32 $1.442695020e+00, v52;
	v54 =	vpop (erf)  }
0x210: {  	v5 =	vld [tilespmem:s16+$0x20];
	(erf) = vpow2.f32 v8;
	v55 =	vmul.f32 $1.442695020e+00, v54  }
0x211: {  	(erf) = vpow2.f32 v53  }
0x212: {  	(erf) = vpow2.f32 v55;
	_ =	sdelay $0x2  }
0x213: {  	v8 =	vshll.u32 v5, $0x4  }
0x214: {  	s24 =	simm.s32 $0x0;
	vm15 =	vgt.s32 v5, $0x0;
	v8 =	vor.u32 v1, v8  }
0x215: {  	s1 =	smul.u32 $0x25, s24;
	v8 =	vsel vm15, v8, v4  }
0x216: {  	s30 =	simm.s32 $0x9;
	v56 =	vadd.s32 $0x150, v8;
	v57 =	vpop (erf)  }
0x217: {  	s31 =	simm.s32 $0x7;
	s25 =	simm.s32 $0x5;
	s28 =	sadd.s32 $0x103, s1;
	v58 =	vadd.s32 $0x2A0, v8;
	v59 =	vpop (erf)  }
0x218: {  	s22 =	simm.s32 $0x70;
	s23 =	simm.s32 $0xB70;
	s19 =	sshrl.u32 s28, $0x8;
	v9 =	vsub.f32 v52, v54;
	v60 =	vadd.s32 $0x3F0, v8;
	v61 =	vpop (erf)  }
0x219: {  	s24 =	simm.s32 $0x1670;
	s17 =	simm.s32 $0x6;
	s29 =	ssub.s32 $0x7, s19;
	v62 =	vadd.s32 $0x540, v8;
	v63 =	vpop (erf)  }
0x21a: {  	s0 =	sadd.s32 $0xB9, s1;
	s26 =	sadd.s32 $0xDE, s1;
	s29 =	sand.u32 $0xFE, s29;
	v9 =	vmul.f32 v9, v61;
	[tilespmem:v8+s15+$0x0] =	vst.idx.add.f32.msk $0xffff, v63;
	v8 =	vadd.s32 $0x690, v8  }
0x21b: {  	s0 =	sshrl.u32 s0, $0x8;
	s4 =	sshrl.u32 s29, $0x1;
	v6 =	vsub.f32 v6, v7;
	s16 =	sshrl.u32 s26, $0x8;
	[tilespmem:v56+s15+$0x0] =	vst.idx.add.f32.msk $0xffff, v61  }
0x21c: {  	s19 =	sadd.s32 s19, s4;
	s26 =	ssub.s32 $0x5, s0;
	s28 =	ssub.s32 $0x6, s16;
	[tilespmem:v58+s15+$0x0] =	vst.idx.add.f32.msk $0xffff, v9  }
0x21d: {  	s6 =	sand.u32 $0xFC, s19;
	s26 =	sand.u32 $0xFE, s26;
	s28 =	sand.u32 $0xFE, s28;
	v6 =	vmul.f32 v57, v6;
	[tilespmem:v60+s15+$0x0] =	vst.idx.add.f32.msk $0xffff, v59  }
0x21e: {  	s21 =	simm.s32 $0x2170;
	s26 =	sshrl.u32 s26, $0x1;
	s28 =	sshrl.u32 s28, $0x1;
	[tilespmem:v62+s15+$0x0] =	vst.idx.add.f32.msk $0xffff, v57  }
0x21f: {  	s0 =	sadd.s32 s0, s26;
	s26 =	simm.s32 $0x5;
	s28 =	sadd.s32 s16, s28;
	[tilespmem:v8+s15+$0x0] =	vst.idx.add.f32.msk $0xffff, v6  }
0x220: {  	s16 =	simm.s32 $0x8;
	s0 =	sand.u32 $0xFC, s0;
	s5 =	sand.u32 $0xFC, s28;
	v6 =	vld [tilespmem:$0x5F00]  }
0x221: {  	s29 =	sshrl.u32 s0, $0x2;
	s0 =	sshrl.u32 s6, $0x2;
	s19 =	sshrl.u32 s5, $0x2  }
.LBB2_7:
0x222: {  	s4 =	smul.u32 $0x7, s29  }
0x223: {  	s5 =	sadd.s32 $0x128, s1;
	s1 =	sadd.s32 $0x14D, s1;
	s28 =	smov.u32 s25  }
0x224: {  	s25 =	sadd.s32 $0x5, s25;
	s5 =	sshrl.u32 s5, $0x8;
	s1 =	sshrl.u32 s1, $0x8  }
0x225: {  	s4 =	ssub.s32 s26, s4;
	s26 =	ssub.s32 s16, s5;
	s6 =	ssub.s32 s30, s1;
	vm0 =	vgt.s32 v6, v5  }
0x226: {  	s4 =	sand.u32 $0xFF, s4;
	s26 =	sand.u32 $0xFE, s26;
	s6 =	sand.u32 $0xFE, s6;
	v5 =	vsel vm0, v6, v5  }
0x227: {  	s29 =	sshll.u32 s29, $0x7;
	s4 =	sshll.u32 s4, $0x4;
	s26 =	sshrl.u32 s26, $0x1;
	[tilespmem:$0x5F00] =	vst v5  }
0x228: {  	s6 =	sshrl.u32 s6, $0x1;
	v5 =	vld [tilespmem:s24+$0xFFFFFFE0];
	s4 =	sor.u32 s4, s29;
	s5 =	sadd.s32 s5, s26  }
0x229: {  	p0 =	slt.u32 s25, $0xAA;
	v6 =	vld [tilespmem:s4+$0x4700];
	s4 =	sand.u32 $0xFC, s5;
	s5 =	sadd.s32 s1, s6  }
0x22a: {  	s26 =	smov.u32 s25;
	s1 =	sshrl.u32 s4, $0x2;
	s4 =	sand.u32 $0xFC, s5  }
0x22b: {  	s5 =	smul.u32 $0x7, s1;
	s29 =	sshrl.u32 s4, $0x2  }
0x22c: {  	s4 =	smul.u32 $0x7, s29  }
0x22d: {  	v5 =	vsub.f32 $0.0e+00, v5;
	s5 =	ssub.s32 s16, s5  }
0x22e: {  	v6 =	vsub.f32 $0.0e+00, v6;
	s5 =	sand.u32 $0xFF, s5;
	s4 =	ssub.s32 s30, s4  }
0x22f: {  	v5 =	vmul.f32 $1.442695020e+00, v5;
	s16 =	sshll.u32 s5, $0x4;
	s4 =	sand.u32 $0xFF, s4  }
0x230: {  	v6 =	vmul.f32 $1.442695020e+00, v6;
	s30 =	sshll.u32 s4, $0x4  }
0x231: {  	(erf) = vpow2.f32 v5  }
0x232: {  	(erf) = vpow2.f32 v6;
	_ =	sdelay $0x7  }
0x233: {  	v5 =	vpop (erf)  }
0x234: {  	v5 =	vadd.f32 $1.000000000e+00, v5;
	v6 =	vpop (erf)  }
0x235: {  	v6 =	vadd.f32 $1.000000000e+00, v6  }
0x236: {  	(erf) = vrcp.f32 v5  }
0x237: {  	(erf) = vrcp.f32 v6;
	_ =	sdelay $0x6  }
0x238: {  	v5 =	vld [tilespmem:s23+$0xFFFFFFE0]  }
0x239: {  	v6 =	vld [tilespmem:s22+$0xFFFFFFE0];
	v7 =	vpop (erf)  }
0x23a: {  	v8 =	vmul.f32 $1.442695020e+00, v7;
	v9 =	vpop (erf)  }
0x23b: {  	v10 =	vld [tilespmem:s21+$0xFFFFFFE0];
	v11 =	vmul.f32 $1.442695020e+00, v9;
	v7 =	vsub.f32 v7, v9  }
0x23c: {  	(erf) = vpow2.f32 v8  }
0x23d: {  	v8 =	vmul.f32 $1.442695020e+00, v5;
	(erf) = vpow2.f32 v11  }
0x23e: {  	v9 =	vmul.f32 $1.442695020e+00, v6;
	v5 =	vsub.f32 v5, v6  }
0x23f: {  	(erf) = vpow2.f32 v8  }
0x240: {  	v6 =	vshll.u32 v10, $0x4;
	(erf) = vpow2.f32 v9  }
0x241: {  	vm0 =	vgt.s32 v10, $0x0;
	v6 =	vor.u32 v1, v6  }
0x242: {  	v6 =	vsel vm0, v6, v4  }
0x243: {  	v8 =	vadd.s32 $0x150, v6  }
0x244: {  	v9 =	vadd.s32 $0x2A0, v6  }
0x245: {  	v11 =	vadd.s32 $0x3F0, v6;
	v12 =	vpop (erf)  }
0x246: {  	v13 =	vadd.s32 $0x540, v6;
	v14 =	vpop (erf)  }
0x247: {  	v15 =	vmul.f32 v7, v12;
	[tilespmem:v6+s15+$0x0] =	vst.idx.add.f32.msk $0xffff, v14;
	v6 =	vadd.s32 $0x690, v6  }
0x248: {  	[tilespmem:v8+s15+$0x0] =	vst.idx.add.f32.msk $0xffff, v12;
	v8 =	vpop (erf)  }
0x249: {  	[tilespmem:v9+s15+$0x0] =	vst.idx.add.f32.msk $0xffff, v15;
	v7 =	vpop (erf)  }
0x24a: {  	v5 =	vmul.f32 v8, v5;
	[tilespmem:v11+s15+$0x0] =	vst.idx.add.f32.msk $0xffff, v7  }
0x24b: {  	[tilespmem:v13+s15+$0x0] =	vst.idx.add.f32.msk $0xffff, v8  }
0x24c: {  	[tilespmem:v6+s15+$0x0] =	vst.idx.add.f32.msk $0xffff, v5  }
0x24d: {  	v5 =	vld [tilespmem:$0x5F00];
	_ =	sdelay $0x1  }
0x24e: {  	s4 =	smul.u32 $0x7, s19;
	_ =	sdelay $0x1  }
0x24f: {  	s4 =	ssub.s32 s17, s4  }
0x250: {  	s4 =	sand.u32 $0xFF, s4;
	vm0 =	vgt.s32 v5, v10  }
0x251: {  	s5 =	sshll.u32 s19, $0x7;
	s4 =	sshll.u32 s4, $0x4;
	v5 =	vsel vm0, v5, v10  }
0x252: {  	s4 =	sor.u32 s4, s5;
	[tilespmem:$0x5F00] =	vst v5  }
0x253: {  	v5 =	vld [tilespmem:s24+$0xFFFFFFF0]  }
0x254: {  	v6 =	vld [tilespmem:s4+$0x4700];
	_ =	sdelay $0x3  }
0x255: {  	v5 =	vsub.f32 $0.0e+00, v5  }
0x256: {  	v6 =	vsub.f32 $0.0e+00, v6  }
0x257: {  	v5 =	vmul.f32 $1.442695020e+00, v5  }
0x258: {  	v6 =	vmul.f32 $1.442695020e+00, v6  }
0x259: {  	(erf) = vpow2.f32 v5  }
0x25a: {  	(erf) = vpow2.f32 v6;
	_ =	sdelay $0x7  }
0x25b: {  	v5 =	vpop (erf)  }
0x25c: {  	v5 =	vadd.f32 $1.000000000e+00, v5;
	v6 =	vpop (erf)  }
0x25d: {  	v6 =	vadd.f32 $1.000000000e+00, v6  }
0x25e: {  	(erf) = vrcp.f32 v5  }
0x25f: {  	(erf) = vrcp.f32 v6;
	_ =	sdelay $0x5  }
0x260: {  	v5 =	vld [tilespmem:s23+$0xFFFFFFF0]  }
0x261: {  	v6 =	vld [tilespmem:s22+$0xFFFFFFF0]  }
0x262: {  	v7 =	vpop (erf)  }
0x263: {  	v8 =	vld [tilespmem:s21+$0xFFFFFFF0];
	v9 =	vmul.f32 $1.442695020e+00, v7;
	v10 =	vpop (erf)  }
0x264: {  	v11 =	vmul.f32 $1.442695020e+00, v10;
	v7 =	vsub.f32 v7, v10  }
0x265: {  	v10 =	vmul.f32 $1.442695020e+00, v5;
	(erf) = vpow2.f32 v9  }
0x266: {  	v9 =	vmul.f32 $1.442695020e+00, v6;
	v5 =	vsub.f32 v5, v6;
	(erf) = vpow2.f32 v11  }
0x267: {  	(erf) = vpow2.f32 v10  }
0x268: {  	v6 =	vshll.u32 v8, $0x4;
	(erf) = vpow2.f32 v9  }
0x269: {  	vm0 =	vgt.s32 v8, $0x0;
	v6 =	vor.u32 v1, v6  }
0x26a: {  	v6 =	vsel vm0, v6, v4  }
0x26b: {  	v9 =	vadd.s32 $0x150, v6  }
0x26c: {  	v10 =	vadd.s32 $0x2A0, v6  }
0x26d: {  	v11 =	vadd.s32 $0x3F0, v6  }
0x26e: {  	v12 =	vadd.s32 $0x540, v6;
	v13 =	vpop (erf)  }
0x26f: {  	v14 =	vadd.s32 $0x690, v6;
	v7 =	vmul.f32 v7, v13;
	v15 =	vpop (erf)  }
0x270: {  	[tilespmem:v6+s15+$0x0] =	vst.idx.add.f32.msk $0xffff, v15;
	v6 =	vpop (erf)  }
0x271: {  	[tilespmem:v9+s15+$0x0] =	vst.idx.add.f32.msk $0xffff, v13;
	v9 =	vpop (erf)  }
0x272: {  	v5 =	vmul.f32 v6, v5;
	[tilespmem:v10+s15+$0x0] =	vst.idx.add.f32.msk $0xffff, v7  }
0x273: {  	[tilespmem:v11+s15+$0x0] =	vst.idx.add.f32.msk $0xffff, v9  }
0x274: {  	[tilespmem:v12+s15+$0x0] =	vst.idx.add.f32.msk $0xffff, v6  }
0x275: {  	[tilespmem:v14+s15+$0x0] =	vst.idx.add.f32.msk $0xffff, v5  }
0x276: {  	v5 =	vld [tilespmem:$0x5F00];
	_ =	sdelay $0x1  }
0x277: {  	s4 =	smul.u32 $0x7, s0;
	_ =	sdelay $0x1  }
0x278: {  	s4 =	ssub.s32 s31, s4  }
0x279: {  	s4 =	sand.u32 $0xFF, s4;
	vm0 =	vgt.s32 v5, v8  }
0x27a: {  	s0 =	sshll.u32 s0, $0x7;
	s4 =	sshll.u32 s4, $0x4;
	v5 =	vsel vm0, v5, v8  }
0x27b: {  	s0 =	sor.u32 s4, s0;
	[tilespmem:$0x5F00] =	vst v5  }
0x27c: {  	v5 =	vld [tilespmem:s24+$0x0]  }
0x27d: {  	v6 =	vld [tilespmem:s0+$0x4700];
	_ =	sdelay $0x3  }
0x27e: {  	v5 =	vsub.f32 $0.0e+00, v5  }
0x27f: {  	v6 =	vsub.f32 $0.0e+00, v6  }
0x280: {  	v5 =	vmul.f32 $1.442695020e+00, v5  }
0x281: {  	v6 =	vmul.f32 $1.442695020e+00, v6  }
0x282: {  	(erf) = vpow2.f32 v5  }
0x283: {  	(erf) = vpow2.f32 v6;
	_ =	sdelay $0x7  }
0x284: {  	v5 =	vpop (erf)  }
0x285: {  	v5 =	vadd.f32 $1.000000000e+00, v5;
	v6 =	vpop (erf)  }
0x286: {  	v6 =	vadd.f32 $1.000000000e+00, v6  }
0x287: {  	(erf) = vrcp.f32 v5  }
0x288: {  	(erf) = vrcp.f32 v6;
	_ =	sdelay $0x4  }
0x289: {  	v5 =	vld [tilespmem:s23+$0x0]  }
0x28a: {  	v6 =	vld [tilespmem:s22+$0x0];
	_ =	sdelay $0x1  }
0x28b: {  	v7 =	vld [tilespmem:s21+$0x0];
	v8 =	vpop (erf)  }
0x28c: {  	v9 =	vmul.f32 $1.442695020e+00, v8;
	v10 =	vpop (erf)  }
0x28d: {  	v11 =	vmul.f32 $1.442695020e+00, v10;
	v12 =	vmul.f32 $1.442695020e+00, v5;
	v8 =	vsub.f32 v8, v10  }
0x28e: {  	v10 =	vmul.f32 $1.442695020e+00, v6;
	v5 =	vsub.f32 v5, v6;
	(erf) = vpow2.f32 v9  }
0x28f: {  	(erf) = vpow2.f32 v11  }
0x290: {  	vm0 =	vgt.s32 v7, $0x0;
	v6 =	vshll.u32 v7, $0x4;
	(erf) = vpow2.f32 v12  }
0x291: {  	v6 =	vor.u32 v1, v6  }
0x292: {  	v6 =	vsel vm0, v6, v4;
	(erf) = vpow2.f32 v10  }
0x293: {  	v9 =	vadd.s32 $0x150, v6  }
0x294: {  	v10 =	vadd.s32 $0x2A0, v6  }
0x295: {  	v11 =	vadd.s32 $0x3F0, v6  }
0x296: {  	v12 =	vadd.s32 $0x540, v6  }
0x297: {  	v13 =	vadd.s32 $0x690, v6;
	v14 =	vpop (erf)  }
0x298: {  	v16 =	vmul.f32 v8, v14;
	v15 =	vpop (erf)  }
0x299: {  	[tilespmem:v6+s15+$0x0] =	vst.idx.add.f32.msk $0xffff, v15;
	v6 =	vpop (erf)  }
0x29a: {  	v5 =	vmul.f32 v6, v5;
	[tilespmem:v9+s15+$0x0] =	vst.idx.add.f32.msk $0xffff, v14  }
0x29b: {  	[tilespmem:v10+s15+$0x0] =	vst.idx.add.f32.msk $0xffff, v16;
	v8 =	vpop (erf)  }
0x29c: {  	[tilespmem:v11+s15+$0x0] =	vst.idx.add.f32.msk $0xffff, v8  }
0x29d: {  	[tilespmem:v12+s15+$0x0] =	vst.idx.add.f32.msk $0xffff, v6  }
0x29e: {  	[tilespmem:v13+s15+$0x0] =	vst.idx.add.f32.msk $0xffff, v5  }
0x29f: {  	v5 =	vld [tilespmem:$0x5F00];
	_ =	sdelay $0x4  }
0x2a0: {  	vm0 =	vgt.s32 v5, v7  }
0x2a1: {  	s0 =	sshll.u32 s1, $0x7;
	v5 =	vsel vm0, v5, v7  }
0x2a2: {  	s0 =	sor.u32 s16, s0;
	[tilespmem:$0x5F00] =	vst v5  }
0x2a3: {  	v5 =	vld [tilespmem:s24+$0x10]  }
0x2a4: {  	v6 =	vld [tilespmem:s0+$0x4700]  }
0x2a5: {  	v7 =	vld [tilespmem:s22+$0x10]  }
0x2a6: {  	v8 =	vld [tilespmem:s23+$0x10]  }
0x2a7: {  	v9 =	vld [tilespmem:s21+$0x10]  }
0x2a8: {  	v5 =	vsub.f32 $0.0e+00, v5  }
0x2a9: {  	v6 =	vsub.f32 $0.0e+00, v6  }
0x2aa: {  	v5 =	vmul.f32 $1.442695020e+00, v5;
	v10 =	vmul.f32 $1.442695020e+00, v7  }
0x2ab: {  	v6 =	vmul.f32 $1.442695020e+00, v6;
	v11 =	vmul.f32 $1.442695020e+00, v8;
	v7 =	vsub.f32 v8, v7  }
0x2ac: {  	v8 =	vshll.u32 v9, $0x4;
	(erf) = vpow2.f32 v5  }
0x2ad: {  	v5 =	vor.u32 v1, v8;
	(erf) = vpow2.f32 v6;
	_ =	sdelay $0x7  }
0x2ae: {  	v6 =	vpop (erf)  }
0x2af: {  	v6 =	vadd.f32 $1.000000000e+00, v6;
	v8 =	vpop (erf)  }
0x2b0: {  	v8 =	vadd.f32 $1.000000000e+00, v8  }
0x2b1: {  	(erf) = vrcp.f32 v6  }
0x2b2: {  	(erf) = vrcp.f32 v8;
	_ =	sdelay $0x7  }
0x2b3: {  	v6 =	vpop (erf)  }
0x2b4: {  	v8 =	vmul.f32 $1.442695020e+00, v6;
	v12 =	vpop (erf);
	(erf) = vpow2.f32 v10  }
0x2b5: {  	v10 =	vmul.f32 $1.442695020e+00, v12;
	v6 =	vsub.f32 v6, v12;
	(erf) = vpow2.f32 v11  }
0x2b6: {  	(erf) = vpow2.f32 v8  }
0x2b7: {  	(erf) = vpow2.f32 v10  }
0x2b8: {  	vm0 =	vgt.s32 v9, $0x0  }
0x2b9: {  	v5 =	vsel vm0, v5, v4  }
0x2ba: {  	v8 =	vadd.s32 $0x150, v5  }
0x2bb: {  	v10 =	vadd.s32 $0x2A0, v5  }
0x2bc: {  	v11 =	vadd.s32 $0x3F0, v5  }
0x2bd: {  	v12 =	vadd.s32 $0x540, v5;
	v13 =	vpop (erf)  }
0x2be: {  	v14 =	vadd.s32 $0x690, v5;
	v15 =	vpop (erf)  }
0x2bf: {  	v16 =	vpop (erf)  }
0x2c0: {  	v6 =	vmul.f32 v6, v16;
	v17 =	vpop (erf)  }
0x2c1: {  	v7 =	vmul.f32 v15, v7;
	[tilespmem:v5+s15+$0x0] =	vst.idx.add.f32.msk $0xffff, v17  }
0x2c2: {  	[tilespmem:v8+s15+$0x0] =	vst.idx.add.f32.msk $0xffff, v16  }
0x2c3: {  	[tilespmem:v10+s15+$0x0] =	vst.idx.add.f32.msk $0xffff, v6  }
0x2c4: {  	[tilespmem:v11+s15+$0x0] =	vst.idx.add.f32.msk $0xffff, v13  }
0x2c5: {  	[tilespmem:v12+s15+$0x0] =	vst.idx.add.f32.msk $0xffff, v15  }
0x2c6: {  	[tilespmem:v14+s15+$0x0] =	vst.idx.add.f32.msk $0xffff, v7  }
0x2c7: {  	v5 =	vld [tilespmem:$0x5F00];
	_ =	sdelay $0x4  }
0x2c8: {  	vm0 =	vgt.s32 v5, v9  }
0x2c9: {  	s0 =	sshll.u32 s29, $0x7;
	v5 =	vsel vm0, v5, v9  }
0x2ca: {  	s0 =	sor.u32 s30, s0;
	[tilespmem:$0x5F00] =	vst v5  }
0x2cb: {  	v6 =	vld [tilespmem:s24+$0x20]  }
0x2cc: {  	v7 =	vld [tilespmem:s0+$0x4700]  }
0x2cd: {  	v8 =	vld [tilespmem:s22+$0x20]  }
0x2ce: {  	v9 =	vld [tilespmem:s23+$0x20]  }
0x2cf: {  	v5 =	vld [tilespmem:s21+$0x20]  }
0x2d0: {  	v6 =	vsub.f32 $0.0e+00, v6  }
0x2d1: {  	v7 =	vsub.f32 $0.0e+00, v7  }
0x2d2: {  	v6 =	vmul.f32 $1.442695020e+00, v6;
	v10 =	vmul.f32 $1.442695020e+00, v8  }
0x2d3: {  	v7 =	vmul.f32 $1.442695020e+00, v7;
	v11 =	vmul.f32 $1.442695020e+00, v9;
	v8 =	vsub.f32 v9, v8  }
0x2d4: {  	v9 =	vshll.u32 v5, $0x4;
	(erf) = vpow2.f32 v6  }
0x2d5: {  	v6 =	vor.u32 v1, v9;
	(erf) = vpow2.f32 v7;
	_ =	sdelay $0x7  }
0x2d6: {  	v7 =	vpop (erf)  }
0x2d7: {  	v7 =	vadd.f32 $1.000000000e+00, v7;
	v9 =	vpop (erf)  }
0x2d8: {  	v9 =	vadd.f32 $1.000000000e+00, v9  }
0x2d9: {  	(erf) = vrcp.f32 v7  }
0x2da: {  	(erf) = vrcp.f32 v9;
	_ =	sdelay $0x7  }
0x2db: {  	v7 =	vpop (erf)  }
0x2dc: {  	v9 =	vmul.f32 $1.442695020e+00, v7;
	v12 =	vpop (erf);
	(erf) = vpow2.f32 v11  }
0x2dd: {  	v11 =	vmul.f32 $1.442695020e+00, v12;
	v7 =	vsub.f32 v7, v12;
	(erf) = vpow2.f32 v10  }
0x2de: {  	(erf) = vpow2.f32 v9  }
0x2df: {  	vm0 =	vgt.s32 v5, $0x0;
	(erf) = vpow2.f32 v11  }
0x2e0: {  	v6 =	vsel vm0, v6, v4  }
0x2e1: {  	v9 =	vadd.s32 $0x150, v6  }
0x2e2: {  	v10 =	vadd.s32 $0x2A0, v6  }
0x2e3: {  	v11 =	vadd.s32 $0x3F0, v6  }
0x2e4: {  	v12 =	vadd.s32 $0x540, v6  }
0x2e5: {  	v13 =	vadd.s32 $0x690, v6;
	v14 =	vpop (erf)  }
0x2e6: {  	s1 =	smul.u32 $0x25, s28;
	v15 =	vpop (erf)  }
0x2e7: {  	s24 =	sadd.s32 $0x50, s24;
	s22 =	sadd.s32 $0x50, s22;
	s21 =	sadd.s32 $0x50, s21;
	v16 =	vpop (erf)  }
0x2e8: {  	s17 =	sadd.s32 $0x6, s28;
	s30 =	sadd.s32 $0x9, s28;
	s23 =	sadd.s32 $0x50, s23;
	v8 =	vmul.f32 v14, v8;
	v7 =	vmul.f32 v7, v16;
	v17 =	vpop (erf)  }
0x2e9: {  	s31 =	sadd.s32 $0x7, s28;
	s16 =	sadd.s32 $0x8, s28;
	s4 =	sadd.s32 $0xDE, s1;
	[tilespmem:v6+s15+$0x0] =	vst.idx.add.f32.msk $0xffff, v17  }
0x2ea: {  	s5 =	sadd.s32 $0x103, s1;
	s4 =	sshrl.u32 s4, $0x8;
	s0 =	sadd.s32 $0xB9, s1;
	[tilespmem:v9+s15+$0x0] =	vst.idx.add.f32.msk $0xffff, v16  }
0x2eb: {  	s5 =	sshrl.u32 s5, $0x8;
	s19 =	ssub.s32 s17, s4;
	s0 =	sshrl.u32 s0, $0x8;
	[tilespmem:v10+s15+$0x0] =	vst.idx.add.f32.msk $0xffff, v7  }
0x2ec: {  	s19 =	sand.u32 $0xFE, s19;
	s28 =	ssub.s32 s31, s5;
	s6 =	ssub.s32 s26, s0;
	[tilespmem:v11+s15+$0x0] =	vst.idx.add.f32.msk $0xffff, v15  }
.Ltmp3:
0x2ed: {  	s28 =	sand.u32 $0xFE, s28;
	s6 =	sand.u32 $0xFE, s6;
	[tilespmem:v12+s15+$0x0] =	vst.idx.add.f32.msk $0xffff, v14;
	(pc) =	sbr.rel @p0 .LBB2_7-.Ltmp3, $4  }
0x2ee: {  	s19 =	sshrl.u32 s19, $0x1;
	s28 =	sshrl.u32 s28, $0x1;
	s6 =	sshrl.u32 s6, $0x1;
	[tilespmem:v13+s15+$0x0] =	vst.idx.add.f32.msk $0xffff, v8  }
0x2ef: {  	s4 =	sadd.s32 s4, s19;
	s5 =	sadd.s32 s5, s28;
	s0 =	sadd.s32 s0, s6;
	v6 =	vld [tilespmem:$0x5F00]  }
0x2f0: {  	s4 =	sand.u32 $0xFC, s4;
	s5 =	sand.u32 $0xFC, s5;
	s0 =	sand.u32 $0xFC, s0  }
0x2f1: {  	s19 =	sshrl.u32 s4, $0x2;
	s29 =	sshrl.u32 s0, $0x2;
	s0 =	sshrl.u32 s5, $0x2  }
0x2f2: {  	_ = 	snop  }
0x2f3: {  	s4 =	smul.u32 $0x7, s29  }
0x2f4: {  	vm0 =	vgt.s32 v6, v5  }
0x2f5: {  	s4 =	ssub.s32 s26, s4;
	v5 =	vsel vm0, v6, v5  }
0x2f6: {  	s4 =	sand.u32 $0xFF, s4;
	[tilespmem:$0x5F00] =	vst v5  }
0x2f7: {  	s5 =	sshll.u32 s29, $0x7;
	s4 =	sshll.u32 s4, $0x4;
	v5 =	vld [tilespmem:s24+$0xFFFFFFE0]  }
0x2f8: {  	s4 =	sor.u32 s4, s5  }
0x2f9: {  	v6 =	vld [tilespmem:s4+$0x4700];
	_ =	sdelay $0x2  }
0x2fa: {  	v5 =	vsub.f32 $0.0e+00, v5;
	_ =	sdelay $0x1  }
0x2fb: {  	v6 =	vsub.f32 $0.0e+00, v6;
	v5 =	vmul.f32 $1.442695020e+00, v5;
	_ =	sdelay $0x1  }
0x2fc: {  	v6 =	vmul.f32 $1.442695020e+00, v6;
	(erf) = vpow2.f32 v5;
	_ =	sdelay $0x1  }
0x2fd: {  	(erf) = vpow2.f32 v6;
	_ =	sdelay $0x6  }
0x2fe: {  	v5 =	vpop (erf)  }
0x2ff: {  	v5 =	vadd.f32 $1.000000000e+00, v5  }
0x300: {  	v6 =	vpop (erf)  }
0x301: {  	v6 =	vadd.f32 $1.000000000e+00, v6;
	(erf) = vrcp.f32 v5;
	_ =	sdelay $0x1  }
0x302: {  	(erf) = vrcp.f32 v6;
	_ =	sdelay $0x6  }
0x303: {  	v5 =	vld [tilespmem:s23+$0xFFFFFFE0];
	v7 =	vpop (erf)  }
0x304: {  	v6 =	vld [tilespmem:s22+$0xFFFFFFE0];
	v8 =	vmul.f32 $1.442695020e+00, v7  }
0x305: {  	v9 =	vpop (erf)  }
0x306: {  	v10 =	vld [tilespmem:s21+$0xFFFFFFE0];
	v11 =	vmul.f32 $1.442695020e+00, v9;
	(erf) = vpow2.f32 v8;
	_ =	sdelay $0x1  }
0x307: {  	v48 =	vmul.f32 $1.442695020e+00, v5;
	(erf) = vpow2.f32 v11  }
0x308: {  	v49 =	vmul.f32 $1.442695020e+00, v6  }
0x309: {  	(erf) = vpow2.f32 v48  }
0x30a: {  	v50 =	vshll.u32 v10, $0x4;
	(erf) = vpow2.f32 v49  }
0x30b: {  	vm6 =	vgt.s32 v10, $0x0;
	v8 =	vor.u32 v1, v50  }
0x30c: {  	v8 =	vsel vm6, v8, v4  }
0x30d: {  	v7 =	vsub.f32 v7, v9;
	v51 =	vadd.s32 $0x150, v8  }
0x30e: {  	v12 =	vadd.s32 $0x2A0, v8;
	v13 =	vpop (erf)  }
0x30f: {  	v52 =	vadd.s32 $0x3F0, v8;
	v7 =	vmul.f32 v7, v13  }
0x310: {  	v14 =	vadd.s32 $0x540, v8;
	v15 =	vpop (erf)  }
0x311: {  	[tilespmem:v8+s15+$0x0] =	vst.idx.add.f32.msk $0xffff, v15;
	v8 =	vadd.s32 $0x690, v8  }
0x312: {  	v5 =	vsub.f32 v5, v6;
	v6 =	vpop (erf);
	[tilespmem:v51+s15+$0x0] =	vst.idx.add.f32.msk $0xffff, v13  }
0x313: {  	[tilespmem:v12+s15+$0x0] =	vst.idx.add.f32.msk $0xffff, v7;
	v7 =	vpop (erf)  }
0x314: {  	v5 =	vmul.f32 v6, v5;
	[tilespmem:v52+s15+$0x0] =	vst.idx.add.f32.msk $0xffff, v7  }
0x315: {  	[tilespmem:v14+s15+$0x0] =	vst.idx.add.f32.msk $0xffff, v6  }
0x316: {  	[tilespmem:v8+s15+$0x0] =	vst.idx.add.f32.msk $0xffff, v5  }
0x317: {  	v5 =	vld [tilespmem:$0x5F00];
	_ =	sdelay $0x2  }
0x318: {  	s26 =	smul.u32 $0x7, s19;
	_ =	sdelay $0x1  }
0x319: {  	s4 =	ssub.s32 s17, s26;
	vm7 =	vgt.s32 v5, v10  }
0x31a: {  	s4 =	sand.u32 $0xFF, s4;
	v5 =	vsel vm7, v5, v10  }
0x31b: {  	s28 =	sshll.u32 s19, $0x7;
	s4 =	sshll.u32 s4, $0x4;
	[tilespmem:$0x5F00] =	vst v5  }
0x31c: {  	s4 =	sor.u32 s4, s28;
	v5 =	vld [tilespmem:s24+$0xFFFFFFF0]  }
0x31d: {  	v6 =	vld [tilespmem:s4+$0x4700];
	_ =	sdelay $0x3  }
0x31e: {  	v5 =	vsub.f32 $0.0e+00, v5  }
0x31f: {  	v6 =	vsub.f32 $0.0e+00, v6  }
0x320: {  	v5 =	vmul.f32 $1.442695020e+00, v5  }
0x321: {  	v6 =	vmul.f32 $1.442695020e+00, v6  }
0x322: {  	(erf) = vpow2.f32 v5  }
0x323: {  	(erf) = vpow2.f32 v6;
	_ =	sdelay $0x7  }
0x324: {  	v5 =	vpop (erf)  }
0x325: {  	v5 =	vadd.f32 $1.000000000e+00, v5;
	v6 =	vpop (erf)  }
0x326: {  	v6 =	vadd.f32 $1.000000000e+00, v6  }
0x327: {  	(erf) = vrcp.f32 v5  }
0x328: {  	(erf) = vrcp.f32 v6;
	_ =	sdelay $0x6  }
0x329: {  	v5 =	vld [tilespmem:s23+$0xFFFFFFF0]  }
0x32a: {  	v6 =	vld [tilespmem:s22+$0xFFFFFFF0];
	v7 =	vpop (erf)  }
0x32b: {  	v53 =	vmul.f32 $1.442695020e+00, v7;
	v54 =	vpop (erf)  }
0x32c: {  	v55 =	vld [tilespmem:s21+$0xFFFFFFF0];
	v56 =	vmul.f32 $1.442695020e+00, v54  }
0x32d: {  	(erf) = vpow2.f32 v53  }
0x32e: {  	v57 =	vmul.f32 $1.442695020e+00, v5;
	(erf) = vpow2.f32 v56  }
0x32f: {  	v58 =	vmul.f32 $1.442695020e+00, v6  }
0x330: {  	(erf) = vpow2.f32 v57  }
0x331: {  	v59 =	vshll.u32 v55, $0x4;
	(erf) = vpow2.f32 v58  }
0x332: {  	vm8 =	vgt.s32 v55, $0x0;
	v8 =	vor.u32 v1, v59  }
0x333: {  	v8 =	vsel vm8, v8, v4  }
0x334: {  	v60 =	vadd.s32 $0x150, v8  }
0x335: {  	v61 =	vadd.s32 $0x2A0, v8  }
0x336: {  	v62 =	vadd.s32 $0x3F0, v8;
	v7 =	vsub.f32 v7, v54;
	v63 =	vpop (erf)  }
0x337: {  	v20 =	vadd.s32 $0x540, v8;
	v21 =	vpop (erf)  }
0x338: {  	v16 =	vadd.s32 $0x690, v8;
	v7 =	vmul.f32 v7, v63;
	[tilespmem:v8+s15+$0x0] =	vst.idx.add.f32.msk $0xffff, v21  }
0x339: {  	v5 =	vsub.f32 v5, v6;
	v6 =	vpop (erf);
	[tilespmem:v60+s15+$0x0] =	vst.idx.add.f32.msk $0xffff, v63  }
0x33a: {  	v22 =	vpop (erf);
	[tilespmem:v61+s15+$0x0] =	vst.idx.add.f32.msk $0xffff, v7  }
0x33b: {  	v5 =	vmul.f32 v6, v5;
	[tilespmem:v62+s15+$0x0] =	vst.idx.add.f32.msk $0xffff, v22  }
0x33c: {  	[tilespmem:v20+s15+$0x0] =	vst.idx.add.f32.msk $0xffff, v6  }
0x33d: {  	[tilespmem:v16+s15+$0x0] =	vst.idx.add.f32.msk $0xffff, v5  }
0x33e: {  	v5 =	vld [tilespmem:$0x5F00];
	_ =	sdelay $0x3  }
0x33f: {  	s29 =	smul.u32 $0x7, s0  }
0x340: {  	vm9 =	vgt.s32 v5, v55  }
0x341: {  	s4 =	ssub.s32 s31, s29;
	v5 =	vsel vm9, v5, v55  }
0x342: {  	s4 =	sand.u32 $0xFF, s4;
	[tilespmem:$0x5F00] =	vst v5  }
0x343: {  	s5 =	sshll.u32 s0, $0x7;
	s4 =	sshll.u32 s4, $0x4;
	v5 =	vld [tilespmem:s24+$0x0]  }
0x344: {  	s0 =	sor.u32 s4, s5  }
0x345: {  	v6 =	vld [tilespmem:s0+$0x4700];
	_ =	sdelay $0x2  }
0x346: {  	v5 =	vsub.f32 $0.0e+00, v5;
	_ =	sdelay $0x1  }
0x347: {  	v6 =	vsub.f32 $0.0e+00, v6;
	v5 =	vmul.f32 $1.442695020e+00, v5;
	_ =	sdelay $0x1  }
0x348: {  	v6 =	vmul.f32 $1.442695020e+00, v6;
	(erf) = vpow2.f32 v5;
	_ =	sdelay $0x1  }
0x349: {  	(erf) = vpow2.f32 v6;
	_ =	sdelay $0x6  }
0x34a: {  	v5 =	vpop (erf)  }
0x34b: {  	v5 =	vadd.f32 $1.000000000e+00, v5  }
0x34c: {  	v6 =	vpop (erf)  }
0x34d: {  	v6 =	vadd.f32 $1.000000000e+00, v6;
	(erf) = vrcp.f32 v5;
	_ =	sdelay $0x1  }
0x34e: {  	(erf) = vrcp.f32 v6;
	_ =	sdelay $0x6  }
0x34f: {  	v5 =	vld [tilespmem:s23+$0x0];
	v7 =	vpop (erf)  }
0x350: {  	v6 =	vld [tilespmem:s22+$0x0];
	v23 =	vmul.f32 $1.442695020e+00, v7  }
0x351: {  	v24 =	vpop (erf)  }
0x352: {  	v25 =	vld [tilespmem:s21+$0x0];
	v26 =	vmul.f32 $1.442695020e+00, v24;
	(erf) = vpow2.f32 v23;
	_ =	sdelay $0x1  }
0x353: {  	v27 =	vmul.f32 $1.442695020e+00, v5;
	(erf) = vpow2.f32 v26  }
0x354: {  	v28 =	vmul.f32 $1.442695020e+00, v6  }
0x355: {  	(erf) = vpow2.f32 v27  }
0x356: {  	v29 =	vshll.u32 v25, $0x4;
	(erf) = vpow2.f32 v28  }
0x357: {  	vm10 =	vgt.s32 v25, $0x0;
	v8 =	vor.u32 v1, v29  }
0x358: {  	v8 =	vsel vm10, v8, v4  }
0x359: {  	v30 =	vadd.s32 $0x150, v8;
	v7 =	vsub.f32 v7, v24  }
0x35a: {  	v31 =	vadd.s32 $0x2A0, v8;
	v33 =	vpop (erf)  }
0x35b: {  	v32 =	vadd.s32 $0x3F0, v8;
	v7 =	vmul.f32 v7, v33  }
0x35c: {  	v34 =	vadd.s32 $0x540, v8;
	v35 =	vpop (erf)  }
0x35d: {  	v36 =	vadd.s32 $0x690, v8;
	[tilespmem:v8+s15+$0x0] =	vst.idx.add.f32.msk $0xffff, v35  }
0x35e: {  	s6 =	sadd.s32 $0x128, s1;
	v5 =	vsub.f32 v5, v6;
	v6 =	vpop (erf);
	[tilespmem:v30+s15+$0x0] =	vst.idx.add.f32.msk $0xffff, v33  }
0x35f: {  	s0 =	sshrl.u32 s6, $0x8;
	[tilespmem:v31+s15+$0x0] =	vst.idx.add.f32.msk $0xffff, v7;
	v7 =	vpop (erf)  }
0x360: {  	s17 =	ssub.s32 s16, s0;
	v5 =	vmul.f32 v6, v5;
	[tilespmem:v32+s15+$0x0] =	vst.idx.add.f32.msk $0xffff, v7  }
0x361: {  	s4 =	sand.u32 $0xFE, s17;
	[tilespmem:v34+s15+$0x0] =	vst.idx.add.f32.msk $0xffff, v6  }
0x362: {  	s4 =	sshrl.u32 s4, $0x1;
	[tilespmem:v36+s15+$0x0] =	vst.idx.add.f32.msk $0xffff, v5  }
0x363: {  	s0 =	sadd.s32 s0, s4;
	v5 =	vld [tilespmem:$0x5F00]  }
0x364: {  	s0 =	sand.u32 $0xFC, s0  }
0x365: {  	s0 =	sshrl.u32 s0, $0x2  }
0x366: {  	s19 =	smul.u32 $0x7, s0;
	_ =	sdelay $0x1  }
0x367: {  	s4 =	ssub.s32 s16, s19;
	vm11 =	vgt.s32 v5, v25  }
0x368: {  	s4 =	sand.u32 $0xFF, s4;
	v5 =	vsel vm11, v5, v25  }
0x369: {  	s0 =	sshll.u32 s0, $0x7;
	s4 =	sshll.u32 s4, $0x4;
	[tilespmem:$0x5F00] =	vst v5  }
0x36a: {  	s0 =	sor.u32 s4, s0;
	v5 =	vld [tilespmem:s24+$0x10]  }
0x36b: {  	v6 =	vld [tilespmem:s0+$0x4700];
	_ =	sdelay $0x3  }
0x36c: {  	v5 =	vsub.f32 $0.0e+00, v5  }
0x36d: {  	v6 =	vsub.f32 $0.0e+00, v6  }
0x36e: {  	v5 =	vmul.f32 $1.442695020e+00, v5  }
0x36f: {  	v6 =	vmul.f32 $1.442695020e+00, v6  }
0x370: {  	(erf) = vpow2.f32 v5  }
0x371: {  	(erf) = vpow2.f32 v6;
	_ =	sdelay $0x7  }
0x372: {  	v5 =	vpop (erf)  }
0x373: {  	v5 =	vadd.f32 $1.000000000e+00, v5;
	v6 =	vpop (erf)  }
0x374: {  	v6 =	vadd.f32 $1.000000000e+00, v6  }
0x375: {  	(erf) = vrcp.f32 v5  }
0x376: {  	(erf) = vrcp.f32 v6;
	_ =	sdelay $0x1  }
0x377: {  	v5 =	vld [tilespmem:s22+$0x10]  }
0x378: {  	v6 =	vld [tilespmem:s23+$0x10];
	_ =	sdelay $0x3  }
0x379: {  	v7 =	vmul.f32 $1.442695020e+00, v5  }
0x37a: {  	v37 =	vmul.f32 $1.442695020e+00, v6;
	v38 =	vpop (erf)  }
0x37b: {  	(erf) = vpow2.f32 v7;
	v39 =	vmul.f32 $1.442695020e+00, v38;
	v40 =	vpop (erf)  }
0x37c: {  	v7 =	vld [tilespmem:s21+$0x10];
	(erf) = vpow2.f32 v37;
	v41 =	vmul.f32 $1.442695020e+00, v40  }
0x37d: {  	(erf) = vpow2.f32 v39  }
0x37e: {  	(erf) = vpow2.f32 v41;
	_ =	sdelay $0x2  }
0x37f: {  	v42 =	vshll.u32 v7, $0x4  }
0x380: {  	vm12 =	vgt.s32 v7, $0x0;
	v8 =	vor.u32 v1, v42  }
0x381: {  	v8 =	vsel vm12, v8, v4  }
0x382: {  	v43 =	vadd.s32 $0x150, v8;
	v44 =	vpop (erf)  }
0x383: {  	v45 =	vadd.s32 $0x2A0, v8;
	v46 =	vpop (erf)  }
0x384: {  	v9 =	vsub.f32 v38, v40;
	v47 =	vadd.s32 $0x3F0, v8;
	v48 =	vpop (erf)  }
0x385: {  	v49 =	vadd.s32 $0x540, v8;
	v17 =	vpop (erf)  }
0x386: {  	v9 =	vmul.f32 v9, v48;
	[tilespmem:v8+s15+$0x0] =	vst.idx.add.f32.msk $0xffff, v17;
	v8 =	vadd.s32 $0x690, v8  }
0x387: {  	s25 =	sadd.s32 $0x14D, s1;
	v5 =	vsub.f32 v6, v5;
	[tilespmem:v43+s15+$0x0] =	vst.idx.add.f32.msk $0xffff, v48  }
0x388: {  	s0 =	sshrl.u32 s25, $0x8;
	[tilespmem:v45+s15+$0x0] =	vst.idx.add.f32.msk $0xffff, v9  }
0x389: {  	s26 =	ssub.s32 s30, s0;
	v5 =	vmul.f32 v46, v5;
	[tilespmem:v47+s15+$0x0] =	vst.idx.add.f32.msk $0xffff, v44  }
0x38a: {  	s1 =	sand.u32 $0xFE, s26;
	[tilespmem:v49+s15+$0x0] =	vst.idx.add.f32.msk $0xffff, v46  }
0x38b: {  	s1 =	sshrl.u32 s1, $0x1;
	[tilespmem:v8+s15+$0x0] =	vst.idx.add.f32.msk $0xffff, v5  }
0x38c: {  	s0 =	sadd.s32 s0, s1;
	v5 =	vld [tilespmem:$0x5F00]  }
0x38d: {  	s0 =	sand.u32 $0xFC, s0  }
0x38e: {  	s0 =	sshrl.u32 s0, $0x2  }
0x38f: {  	s28 =	smul.u32 $0x7, s0;
	_ =	sdelay $0x1  }
0x390: {  	s1 =	ssub.s32 s30, s28;
	vm13 =	vgt.s32 v5, v7  }
0x391: {  	s1 =	sand.u32 $0xFF, s1;
	v5 =	vsel vm13, v5, v7  }
0x392: {  	s0 =	sshll.u32 s0, $0x7;
	s1 =	sshll.u32 s1, $0x4;
	[tilespmem:$0x5F00] =	vst v5  }
0x393: {  	s0 =	sor.u32 s1, s0;
	v5 =	vld [tilespmem:s24+$0x20]  }
0x394: {  	v6 =	vld [tilespmem:s0+$0x4700];
	_ =	sdelay $0x3  }
0x395: {  	v5 =	vsub.f32 $0.0e+00, v5  }
0x396: {  	v6 =	vsub.f32 $0.0e+00, v6  }
0x397: {  	v5 =	vmul.f32 $1.442695020e+00, v5  }
0x398: {  	v6 =	vmul.f32 $1.442695020e+00, v6  }
0x399: {  	(erf) = vpow2.f32 v5  }
0x39a: {  	(erf) = vpow2.f32 v6;
	_ =	sdelay $0x7  }
0x39b: {  	v5 =	vpop (erf)  }
0x39c: {  	v5 =	vadd.f32 $1.000000000e+00, v5;
	v6 =	vpop (erf)  }
0x39d: {  	v6 =	vadd.f32 $1.000000000e+00, v6  }
0x39e: {  	(erf) = vrcp.f32 v5  }
0x39f: {  	(erf) = vrcp.f32 v6;
	_ =	sdelay $0x1  }
0x3a0: {  	v5 =	vld [tilespmem:s23+$0x20]  }
0x3a1: {  	v6 =	vld [tilespmem:s22+$0x20];
	_ =	sdelay $0x3  }
0x3a2: {  	v7 =	vmul.f32 $1.442695020e+00, v5  }
0x3a3: {  	v50 =	vmul.f32 $1.442695020e+00, v6;
	v51 =	vpop (erf)  }
0x3a4: {  	(erf) = vpow2.f32 v7;
	v52 =	vmul.f32 $1.442695020e+00, v51;
	v53 =	vpop (erf)  }
0x3a5: {  	v7 =	vld [tilespmem:s21+$0x20];
	(erf) = vpow2.f32 v50;
	v54 =	vmul.f32 $1.442695020e+00, v53  }
0x3a6: {  	(erf) = vpow2.f32 v52  }
0x3a7: {  	(erf) = vpow2.f32 v54;
	_ =	sdelay $0x2  }
0x3a8: {  	v55 =	vshll.u32 v7, $0x4  }
0x3a9: {  	vm14 =	vgt.s32 v7, $0x0;
	v8 =	vor.u32 v1, v55  }
0x3aa: {  	v8 =	vsel vm14, v8, v4  }
0x3ab: {  	v56 =	vadd.s32 $0x150, v8;
	v57 =	vpop (erf)  }
0x3ac: {  	v58 =	vadd.s32 $0x2A0, v8;
	v59 =	vpop (erf)  }
0x3ad: {  	v9 =	vsub.f32 v51, v53;
	v60 =	vadd.s32 $0x3F0, v8;
	v61 =	vpop (erf)  }
0x3ae: {  	v62 =	vadd.s32 $0x540, v8;
	v63 =	vpop (erf)  }
0x3af: {  	v9 =	vmul.f32 v9, v61;
	[tilespmem:v8+s15+$0x0] =	vst.idx.add.f32.msk $0xffff, v63;
	v8 =	vadd.s32 $0x690, v8  }
0x3b0: {  	v5 =	vsub.f32 v5, v6;
	[tilespmem:v56+s15+$0x0] =	vst.idx.add.f32.msk $0xffff, v61  }
0x3b1: {  	[tilespmem:v58+s15+$0x0] =	vst.idx.add.f32.msk $0xffff, v9  }
0x3b2: {  	v5 =	vmul.f32 v57, v5;
	[tilespmem:v60+s15+$0x0] =	vst.idx.add.f32.msk $0xffff, v59  }
0x3b3: {  	[tilespmem:v62+s15+$0x0] =	vst.idx.add.f32.msk $0xffff, v57  }
0x3b4: {  	[tilespmem:v8+s15+$0x0] =	vst.idx.add.f32.msk $0xffff, v5  }
0x3b5: {  	v5 =	vld [tilespmem:$0x5F00];
	_ =	sdelay $0x4  }
0x3b6: {  	vm15 =	vgt.s32 v5, v7  }
0x3b7: {  	v5 =	vsel vm15, v5, v7  }
0x3b8: {  	s29 =	simm.s32 $0x80;
	s30 =	simm.s32 $0x400;
	[tilespmem:$0x5F00] =	vst v5  }
0x3b9: {  	[hbm4b:s8+s29] =	stream.strided.scatter [tilespmem:s15], [sflag:$0x2], $0x800, s30, s29, $0x38;
	[tilespmem:$0x5F80] =	vst v63  }
0x3ba: {  	s20 =	sadd.s32 $0x1, s20;
	_ =	swait.ge [sflag:s13], $0x800  }
0x3bb: {  	p0 =	sne.s32 s20, s11;
	[sflag:s13] =	ssyncset.done $0x0  }
.Ltmp4:
0x3bc: {  	s31 =	simm.s32 $0x5F00;
	[sflag:s13] =	ssyncadd.s32 $0xFFFFF800;
	(pc) =	sbr.rel @p0 .LBB2_2-.Ltmp4, $4  }
0x3bd: {  	[hbm4b:s9+s2] =	stream.linear.scatter [tilespmem:s31], [sflag:$0x2], $0x80, $0x38;
	[tilespmem:$0x5F80] =	vst v63  }
0x3be: {  	_ =	swait.ge [sflag:s13], $0x80  }
0x3bf: {  	[sflag:s13] =	ssyncset.done $0x0  }
0x3c0: {  	[sflag:s13] =	ssyncadd.s32 $0xFFFFFF80  }
.LBB2_9:
0x3c1: {  	_ =	sfence.sel $0x180000  }
0x3c2: {  	[bflag:$0x0] =	sbarrier.arrive $0xFFFF  }
0x3c3: {  	_ =	strace $0x90000047  }
0x3c4: {  	s0 =	stileid.u32;
	[bflag:$0x2] =	sbarrier.arrive $0xFFFF  }
0x3c5: {  	p0 =	sne.s32 s0, $0x0;
	s0 =	rddreg [dreg:$0x1]  }
0x3c6: {  	s0 =	sadd.s32 @!p0 $0x100000, s0  }
0x3c7: {  	[sflag:s0] =	ssyncadd.tile.s32 @!p0 $0x1;
	_ =	shalt  }
.Lfunc_end2:
_tile_overlayer_lowered:
.L_overlay_start_2:
0x3c8: {  	(tag) =	ssettag $0x2  }
0x3c9: {  	s0 =	rddreg [dreg:$0x0];
	s2 =	stileid.u32  }
0x3ca: {  	s1 =	rddreg [dreg:$0x1];
	p0 =	sne.s32 s2, $0x0  }
0x3cb: {  	s3 =	rddreg [dreg:$0x2];
	[bflag:$0x3] =	sbarrier.arrive $0xFFFF;
	s2 =	simm.s32 @!p0 $0x1C02  }
0x3cc: {  	[timem:s3], [sflag:s2] =	dma.local @!p0 [hbm:s0], s1  }
0x3cd: {  	s0 =	simm.s32 @!p0 $0x2  }
0x3ce: {  	_ =	swait.ge @!p0 [sflag:s0], s1  }
0x3cf: {  	s1 =	ssub.s32 @!p0 $0x0, s1;
	[sflag:s0] =	ssyncset.done @!p0 $0x0  }
0x3d0: {  	[sflag:s0] =	ssyncadd.s32 @!p0 s1  }
0x3d1: {  	[bflag:$0x3] =	sbarrier.arrive $0xFFFF  }
0x3d2: {  	_ =	shalt  }

</sc_bundles>
